<compile_context>
chip_gen: v7x
topology: tpu7x:2x2x1
jax: 0.10.2.dev20260603
libtpu: 0.0.44.dev20260713+nightly
codegen_flags: <defaults>
</compile_context>

<pallas_src>
import functools

import jax
import jax.numpy as jnp
from jax import lax
from jax.experimental import pallas as pl
from jax.experimental.pallas import tpu as pltpu
from jax.experimental.pallas import tpu_sc as plsc

GRID_EDGE = 1024
GRID1 = GRID_EDGE * GRID_EDGE
DUMPN = 2048
GRID_S = GRID1 + DUMPN
OB_LEN = 64
OUT_LEN = OB_LEN + 2 * GRID1
NB, NJ, NL = 1_000_000, 500_000, 100_000
NSUB = 16
CHUNK = 2048
SLICE = GRID1 // NSUB
WB = 16384
MAGIC = 12582912.0

_mesh = plsc.VectorSubcoreMesh(core_axis_name="c", subcore_axis_name="s")


@functools.partial(
    pl.kernel,
    mesh=_mesh,
    out_type=jax.ShapeDtypeStruct((OUT_LEN,), jnp.float32),
    scratch_types=[
        pltpu.VMEM_SHARED((GRID_S,), jnp.float32),
        pltpu.VMEM((CHUNK,), jnp.float32),
        pltpu.VMEM((CHUNK,), jnp.float32),
        pltpu.VMEM((CHUNK,), jnp.int32),
        pltpu.VMEM((CHUNK,), jnp.int32),
        pltpu.VMEM((CHUNK,), jnp.float32),
        pltpu.VMEM((64,), jnp.float32),
        pltpu.VMEM((WB,), jnp.float32),
        pltpu.VMEM((16,), jnp.float32),
        pltpu.VMEM((16,), jnp.float32),
    ],
)
def _scatter_grid(body_xy, body_d, jA_xy, jB_xy, joint_d, lidar_xy,
                  ob_in, zeros_hbm, zx16, zy16, ones_hbm, out_ref,
                  grid_s, x_v, y_v, d_v, idx_v, ones_v, ob_v, bounce_v,
                  zx_v, zy_v):
    cid = lax.axis_index("c")
    sid = lax.axis_index("s")
    pltpu.sync_copy(zx16, zx_v)
    pltpu.sync_copy(zy16, zy_v)
    pltpu.sync_copy(ones_hbm, ones_v)

    pltpu.sync_copy(zeros_hbm, bounce_v)
    for k in range(SLICE // WB):
        pltpu.sync_copy(bounce_v,
                        grid_s.at[pl.ds(sid * SLICE + k * WB, WB)])
    plsc.subcore_barrier()

    def _to_grid(coord, zero):
        t = (coord - zero) * float(GRID_EDGE)
        t = jnp.minimum(jnp.maximum(t, -1.0), float(GRID_EDGE + 1))
        t = (t + MAGIC) - MAGIC
        t = jnp.minimum(jnp.maximum(t, 0.0), float(GRID_EDGE - 1))
        return t.astype(jnp.int32)

    zx = zx_v[...]
    zy = zy_v[...]

    def _phase(xy_ref, d_ref, npts):
        nch = (npts + CHUNK - 1) // CHUNK
        nloop = (nch + NSUB - 1) // NSUB

        def chunk_body(k, carry):
            off = jnp.minimum((k * NSUB + sid) * CHUNK, npts - CHUNK)
            pltpu.sync_copy(xy_ref.at[pl.ds(off, CHUNK)], x_v)
            pltpu.sync_copy(xy_ref.at[pl.ds(npts + off, CHUNK)], y_v)
            if d_ref is not None:
                pltpu.sync_copy(d_ref.at[pl.ds(off, CHUNK)], d_v)

            def vec_body(i, c):
                s = i * 64
                for u in range(4):
                    su = s + u * 16
                    ix = _to_grid(x_v[pl.ds(su, 16)], zx)
                    iy = _to_grid(y_v[pl.ds(su, 16)], zy)
                    flat = (ix << 10) | iy
                    if d_ref is not None:
                        dv = d_v[pl.ds(su, 16)]
                        flat = jnp.where(dv == cid, flat,
                                         GRID1 + (flat & (DUMPN - 1)))
                    idx_v[pl.ds(su, 16)] = flat
                return c

            lax.fori_loop(0, CHUNK // 64, vec_body, 0)
            pltpu.sync_copy(ones_v, grid_s.at[idx_v])
            return carry

        lax.fori_loop(0, nloop, chunk_body, 0)

    _phase(body_xy, body_d, NB)
    _phase(jA_xy, joint_d, NJ)
    _phase(jB_xy, joint_d, NJ)

    @pl.when(cid == 0)
    def _():
        _phase(lidar_xy, None, NL)

    plsc.subcore_barrier()

    for k in range(SLICE // WB):
        pltpu.sync_copy(grid_s.at[pl.ds(sid * SLICE + k * WB, WB)],
                        bounce_v)
        pltpu.sync_copy(
            bounce_v,
            out_ref.at[pl.ds(OB_LEN + cid * GRID1 + sid * SLICE + k * WB,
                             WB)])

    @pl.when(jnp.logical_and(cid == 0, sid == 0))
    def _():
        pltpu.sync_copy(ob_in, ob_v)
        pltpu.sync_copy(ob_v, out_ref.at[pl.ds(0, OB_LEN)])


def kernel(ob, body_pos, body_depth, joint_posA, joint_posB, joint_depth,
           lidar_p2, hull):
    zx16 = jnp.full((16,), hull[0] - 0.5, jnp.float32)
    zy16 = jnp.full((16,), hull[1] - 0.5, jnp.float32)
    ones = jnp.ones((CHUNK,), jnp.float32)
    zeros = jnp.zeros((WB,), jnp.float32)
    out = _scatter_grid(
        body_pos.T.reshape(2 * NB), body_depth,
        joint_posA.T.reshape(2 * NJ), joint_posB.T.reshape(2 * NJ),
        joint_depth, lidar_p2.T.reshape(2 * NL),
        ob.reshape(OB_LEN), zeros, zx16, zy16, ones)
    return out.reshape(1, OUT_LEN)

# --- scband reference (transcript-rebuilt; emitter-appended) ---
"""Pipeline reference for scband-flat-depth-nngrid-81295140978821 (READ-ONLY COPY).

The authoritative reference and input builder live on the scoring server;
editing this copy changes nothing except your own understanding.
"""

import jax, jax.numpy as jnp
import numpy as np

GRID_EDGE = 1024
GRID_SCALE = 1.0


def _coord_to_grid(coord, zero):
    idx = jnp.round((coord - zero) / GRID_SCALE * GRID_EDGE).astype(jnp.int32)
    return jnp.clip(idx, 0, GRID_EDGE - 1)


def setup_inputs(seed: int = 0) -> dict:
    key = jax.random.key(seed)
    ks = jax.random.split(key, 8)
    N_B, N_J, N_L = 1000000, 500000, 100000
    return {
        "ob": jax.random.normal(ks[0], (1, 64), dtype=jnp.float32),
        "body_pos": jax.random.uniform(ks[1], (N_B, 2), dtype=jnp.float32),
        "body_depth": jax.random.randint(ks[2], (N_B,), 0, 2, dtype=jnp.int32),
        "joint_posA": jax.random.uniform(ks[3], (N_J, 2), dtype=jnp.float32),
        "joint_posB": jax.random.uniform(ks[4], (N_J, 2), dtype=jnp.float32),
        "joint_depth": jax.random.randint(ks[5], (N_J,), 0, 2, dtype=jnp.int32),
        "lidar_p2": jax.random.uniform(ks[6], (N_L, 2), dtype=jnp.float32),
        "hull": jax.random.uniform(ks[7], (2,), dtype=jnp.float32),
    }


def reference(ob, body_pos, body_depth, joint_posA, joint_posB, joint_depth, lidar_p2, hull):
    zero_x = hull[0] - GRID_SCALE * 0.5
    zero_y = hull[1] - GRID_SCALE * 0.5
    grid = jnp.zeros((2, GRID_EDGE, GRID_EDGE), dtype=jnp.float32)
    # bodies: grid_state[d, gx, gy] = 1.0 (scatter-overwrite)
    bgx = _coord_to_grid(body_pos[:, 0], zero_x)
    bgy = _coord_to_grid(body_pos[:, 1], zero_y)
    grid = grid.at[body_depth, bgx, bgy].set(1.0)
    # joints: both endpoints A and B at depth d
    agx = _coord_to_grid(joint_posA[:, 0], zero_x)
    agy = _coord_to_grid(joint_posA[:, 1], zero_y)
    grid = grid.at[joint_depth, agx, agy].set(1.0)
    jbgx = _coord_to_grid(joint_posB[:, 0], zero_x)
    jbgy = _coord_to_grid(joint_posB[:, 1], zero_y)
    grid = grid.at[joint_depth, jbgx, jbgy].set(1.0)
    # lidar endpoints into depth channel 0
    lgx = _coord_to_grid(lidar_p2[:, 0], zero_x)
    lgy = _coord_to_grid(lidar_p2[:, 1], zero_y)
    lzero = jnp.zeros_like(lgx)
    grid = grid.at[lzero, lgx, lgy].set(1.0)
    return jnp.concatenate((ob, grid.reshape(1, -1)), axis=1)

if __name__ == "__main__":
    import jax
    _d = setup_inputs()
    print(jax.jit(kernel)(*tuple(_d.values())))

</pallas_src>

<mosaic_0001>
#map = affine_map<(d0, d1) -> (0)>
module attributes {stable_mosaic.version = 14 : i64} {
  func.func @_scatter_grid(%arg0: i32, %arg1: i32, %arg2: memref<2000000xf32, #tpu.memory_space<hbm>>, %arg3: memref<1000000xi32, #tpu.memory_space<hbm>>, %arg4: memref<1000000xf32, #tpu.memory_space<hbm>>, %arg5: memref<1000000xf32, #tpu.memory_space<hbm>>, %arg6: memref<500000xi32, #tpu.memory_space<hbm>>, %arg7: memref<200000xf32, #tpu.memory_space<hbm>>, %arg8: memref<64xf32, #tpu.memory_space<hbm>>, %arg9: memref<16384xf32, #tpu.memory_space<hbm>>, %arg10: memref<16xf32, #tpu.memory_space<hbm>>, %arg11: memref<16xf32, #tpu.memory_space<hbm>>, %arg12: memref<2048xf32, #tpu.memory_space<hbm>>, %arg13: memref<2097216xf32, #tpu.memory_space<hbm>>, %arg14: memref<1050624xf32, #tpu.memory_space<vmem_shared>>, %arg15: memref<2048xf32, #tpu.memory_space<vmem>>, %arg16: memref<2048xf32, #tpu.memory_space<vmem>>, %arg17: memref<2048xi32, #tpu.memory_space<vmem>>, %arg18: memref<2048xi32, #tpu.memory_space<vmem>>, %arg19: memref<2048xf32, #tpu.memory_space<vmem>>, %arg20: memref<64xf32, #tpu.memory_space<vmem>>, %arg21: memref<16384xf32, #tpu.memory_space<vmem>>, %arg22: memref<16xf32, #tpu.memory_space<vmem>>, %arg23: memref<16xf32, #tpu.memory_space<vmem>>) attributes {dimension_semantics = [#tpu.dimension_semantics<core_parallel>, #tpu.dimension_semantics<subcore_parallel>], iteration_bounds = array<i64: 2, 16>, scalar_prefetch = 0 : i64, scratch_operands = 10 : i64, tpu.core_type = #tpu.core_type<sc_vector_subcore>, window_params = [{transform_indices = #map}, {transform_indices = #map}, {transform_indices = #map}, {transform_indices = #map}, {transform_indices = #map}, {transform_indices = #map}, {transform_indices = #map}, {transform_indices = #map}, {transform_indices = #map}, {transform_indices = #map}, {transform_indices = #map}, {transform_indices = #map}]} {
    "tpu.region"() ({
      %run_scoped3A = tpu.sem_alloc : memref<!tpu.dma_semaphore, #tpu.memory_space<semaphore_mem>>
      tpu.enqueue_dma source(%arg10 : memref<16xf32, #tpu.memory_space<hbm>>) target(%arg22 : memref<16xf32, #tpu.memory_space<vmem>>) target_semaphore(%run_scoped3A : memref<!tpu.dma_semaphore, #tpu.memory_space<semaphore_mem>>)
      tpu.wait_dma2 semaphore(%run_scoped3A : memref<!tpu.dma_semaphore, #tpu.memory_space<semaphore_mem>>) src(%arg10 : memref<16xf32, #tpu.memory_space<hbm>>) dst(%arg22 : memref<16xf32, #tpu.memory_space<vmem>>)
      tpu.yield
    }) : () -> ()
    "tpu.region"() ({
      %run_scoped3A = tpu.sem_alloc : memref<!tpu.dma_semaphore, #tpu.memory_space<semaphore_mem>>
      tpu.enqueue_dma source(%arg11 : memref<16xf32, #tpu.memory_space<hbm>>) target(%arg23 : memref<16xf32, #tpu.memory_space<vmem>>) target_semaphore(%run_scoped3A : memref<!tpu.dma_semaphore, #tpu.memory_space<semaphore_mem>>)
      tpu.wait_dma2 semaphore(%run_scoped3A : memref<!tpu.dma_semaphore, #tpu.memory_space<semaphore_mem>>) src(%arg11 : memref<16xf32, #tpu.memory_space<hbm>>) dst(%arg23 : memref<16xf32, #tpu.memory_space<vmem>>)
      tpu.yield
    }) : () -> ()
    "tpu.region"() ({
      %run_scoped3A = tpu.sem_alloc : memref<!tpu.dma_semaphore, #tpu.memory_space<semaphore_mem>>
      tpu.enqueue_dma source(%arg12 : memref<2048xf32, #tpu.memory_space<hbm>>) target(%arg19 : memref<2048xf32, #tpu.memory_space<vmem>>) target_semaphore(%run_scoped3A : memref<!tpu.dma_semaphore, #tpu.memory_space<semaphore_mem>>)
      tpu.wait_dma2 semaphore(%run_scoped3A : memref<!tpu.dma_semaphore, #tpu.memory_space<semaphore_mem>>) src(%arg12 : memref<2048xf32, #tpu.memory_space<hbm>>) dst(%arg19 : memref<2048xf32, #tpu.memory_space<vmem>>)
      tpu.yield
    }) : () -> ()
    "tpu.region"() ({
      %run_scoped3A = tpu.sem_alloc : memref<!tpu.dma_semaphore, #tpu.memory_space<semaphore_mem>>
      tpu.enqueue_dma source(%arg9 : memref<16384xf32, #tpu.memory_space<hbm>>) target(%arg21 : memref<16384xf32, #tpu.memory_space<vmem>>) target_semaphore(%run_scoped3A : memref<!tpu.dma_semaphore, #tpu.memory_space<semaphore_mem>>)
      tpu.wait_dma2 semaphore(%run_scoped3A : memref<!tpu.dma_semaphore, #tpu.memory_space<semaphore_mem>>) src(%arg9 : memref<16384xf32, #tpu.memory_space<hbm>>) dst(%arg21 : memref<16384xf32, #tpu.memory_space<vmem>>)
      tpu.yield
    }) : () -> ()
    %mul3A = arith.constant 65536 : i32
    %mul3A_0 = arith.muli %arg1, %mul3A : i32
    %add3A = arith.constant 0 : i32
    %add3A_1 = arith.addi %mul3A_0, %add3A : i32
    "tpu.region"() ({
      %run_scoped3A = tpu.sem_alloc : memref<!tpu.dma_semaphore, #tpu.memory_space<semaphore_mem>>
      %dma_start3A = tpu.memref_slice %arg14[%add3A_1] : memref<1050624xf32, #tpu.memory_space<vmem_shared>> -> memref<16384xf32, #tpu.memory_space<vmem_shared>>
      %dma_start3A_98 = tpu.memref_slice %arg14[%add3A_1] : memref<1050624xf32, #tpu.memory_space<vmem_shared>> -> memref<16384xf32, #tpu.memory_space<vmem_shared>>
      tpu.enqueue_dma source(%arg21 : memref<16384xf32, #tpu.memory_space<vmem>>) target(%dma_start3A_98 : memref<16384xf32, #tpu.memory_space<vmem_shared>>) target_semaphore(%run_scoped3A : memref<!tpu.dma_semaphore, #tpu.memory_space<semaphore_mem>>)
      %dma_wait3A = tpu.memref_slice %arg14[%add3A_1] : memref<1050624xf32, #tpu.memory_space<vmem_shared>> -> memref<16384xf32, #tpu.memory_space<vmem_shared>>
      %dma_wait3A_99 = tpu.memref_slice %arg14[%add3A_1] : memref<1050624xf32, #tpu.memory_space<vmem_shared>> -> memref<16384xf32, #tpu.memory_space<vmem_shared>>
      tpu.wait_dma2 semaphore(%run_scoped3A : memref<!tpu.dma_semaphore, #tpu.memory_space<semaphore_mem>>) src(%arg21 : memref<16384xf32, #tpu.memory_space<vmem>>) dst(%dma_wait3A_99 : memref<16384xf32, #tpu.memory_space<vmem_shared>>)
      tpu.yield
    }) : () -> ()
    %mul3A_2 = arith.constant 65536 : i32
    %mul3A_3 = arith.muli %arg1, %mul3A_2 : i32
    %add3A_4 = arith.constant 16384 : i32
    %add3A_5 = arith.addi %mul3A_3, %add3A_4 : i32
    "tpu.region"() ({
      %run_scoped3A = tpu.sem_alloc : memref<!tpu.dma_semaphore, #tpu.memory_space<semaphore_mem>>
      %dma_start3A = tpu.memref_slice %arg14[%add3A_5] : memref<1050624xf32, #tpu.memory_space<vmem_shared>> -> memref<16384xf32, #tpu.memory_space<vmem_shared>>
      %dma_start3A_98 = tpu.memref_slice %arg14[%add3A_5] : memref<1050624xf32, #tpu.memory_space<vmem_shared>> -> memref<16384xf32, #tpu.memory_space<vmem_shared>>
      tpu.enqueue_dma source(%arg21 : memref<16384xf32, #tpu.memory_space<vmem>>) target(%dma_start3A_98 : memref<16384xf32, #tpu.memory_space<vmem_shared>>) target_semaphore(%run_scoped3A : memref<!tpu.dma_semaphore, #tpu.memory_space<semaphore_mem>>)
      %dma_wait3A = tpu.memref_slice %arg14[%add3A_5] : memref<1050624xf32, #tpu.memory_space<vmem_shared>> -> memref<16384xf32, #tpu.memory_space<vmem_shared>>
      %dma_wait3A_99 = tpu.memref_slice %arg14[%add3A_5] : memref<1050624xf32, #tpu.memory_space<vmem_shared>> -> memref<16384xf32, #tpu.memory_space<vmem_shared>>
      tpu.wait_dma2 semaphore(%run_scoped3A : memref<!tpu.dma_semaphore, #tpu.memory_space<semaphore_mem>>) src(%arg21 : memref<16384xf32, #tpu.memory_space<vmem>>) dst(%dma_wait3A_99 : memref<16384xf32, #tpu.memory_space<vmem_shared>>)
      tpu.yield
    }) : () -> ()
    %mul3A_6 = arith.constant 65536 : i32
    %mul3A_7 = arith.muli %arg1, %mul3A_6 : i32
    %add3A_8 = arith.constant 32768 : i32
    %add3A_9 = arith.addi %mul3A_7, %add3A_8 : i32
    "tpu.region"() ({
      %run_scoped3A = tpu.sem_alloc : memref<!tpu.dma_semaphore, #tpu.memory_space<semaphore_mem>>
      %dma_start3A = tpu.memref_slice %arg14[%add3A_9] : memref<1050624xf32, #tpu.memory_space<vmem_shared>> -> memref<16384xf32, #tpu.memory_space<vmem_shared>>
      %dma_start3A_98 = tpu.memref_slice %arg14[%add3A_9] : memref<1050624xf32, #tpu.memory_space<vmem_shared>> -> memref<16384xf32, #tpu.memory_space<vmem_shared>>
      tpu.enqueue_dma source(%arg21 : memref<16384xf32, #tpu.memory_space<vmem>>) target(%dma_start3A_98 : memref<16384xf32, #tpu.memory_space<vmem_shared>>) target_semaphore(%run_scoped3A : memref<!tpu.dma_semaphore, #tpu.memory_space<semaphore_mem>>)
      %dma_wait3A = tpu.memref_slice %arg14[%add3A_9] : memref<1050624xf32, #tpu.memory_space<vmem_shared>> -> memref<16384xf32, #tpu.memory_space<vmem_shared>>
      %dma_wait3A_99 = tpu.memref_slice %arg14[%add3A_9] : memref<1050624xf32, #tpu.memory_space<vmem_shared>> -> memref<16384xf32, #tpu.memory_space<vmem_shared>>
      tpu.wait_dma2 semaphore(%run_scoped3A : memref<!tpu.dma_semaphore, #tpu.memory_space<semaphore_mem>>) src(%arg21 : memref<16384xf32, #tpu.memory_space<vmem>>) dst(%dma_wait3A_99 : memref<16384xf32, #tpu.memory_space<vmem_shared>>)
      tpu.yield
    }) : () -> ()
    %mul3A_10 = arith.constant 65536 : i32
    %mul3A_11 = arith.muli %arg1, %mul3A_10 : i32
    %add3A_12 = arith.constant 49152 : i32
    %add3A_13 = arith.addi %mul3A_11, %add3A_12 : i32
    "tpu.region"() ({
      %run_scoped3A = tpu.sem_alloc : memref<!tpu.dma_semaphore, #tpu.memory_space<semaphore_mem>>
      %dma_start3A = tpu.memref_slice %arg14[%add3A_13] : memref<1050624xf32, #tpu.memory_space<vmem_shared>> -> memref<16384xf32, #tpu.memory_space<vmem_shared>>
      %dma_start3A_98 = tpu.memref_slice %arg14[%add3A_13] : memref<1050624xf32, #tpu.memory_space<vmem_shared>> -> memref<16384xf32, #tpu.memory_space<vmem_shared>>
      tpu.enqueue_dma source(%arg21 : memref<16384xf32, #tpu.memory_space<vmem>>) target(%dma_start3A_98 : memref<16384xf32, #tpu.memory_space<vmem_shared>>) target_semaphore(%run_scoped3A : memref<!tpu.dma_semaphore, #tpu.memory_space<semaphore_mem>>)
      %dma_wait3A = tpu.memref_slice %arg14[%add3A_13] : memref<1050624xf32, #tpu.memory_space<vmem_shared>> -> memref<16384xf32, #tpu.memory_space<vmem_shared>>
      %dma_wait3A_99 = tpu.memref_slice %arg14[%add3A_13] : memref<1050624xf32, #tpu.memory_space<vmem_shared>> -> memref<16384xf32, #tpu.memory_space<vmem_shared>>
      tpu.wait_dma2 semaphore(%run_scoped3A : memref<!tpu.dma_semaphore, #tpu.memory_space<semaphore_mem>>) src(%arg21 : memref<16384xf32, #tpu.memory_space<vmem>>) dst(%dma_wait3A_99 : memref<16384xf32, #tpu.memory_space<vmem_shared>>)
      tpu.yield
    }) : () -> ()
    %barrier3A = arith.constant 0 : index
    tpu.barrier barrier_id(%barrier3A)
    %get3A = arith.constant 0 : index
    %get3A_14 = tpu.vector_load %arg22[%get3A] {strides = array<i32>} : memref<16xf32, #tpu.memory_space<vmem>>, vector<16xf32>,
    %get3A_15 = vector.shape_cast %get3A_14 : vector<16xf32> to vector<16xf32>
    %get3A_16 = arith.constant 0 : index
    %get3A_17 = tpu.vector_load %arg23[%get3A_16] {strides = array<i32>} : memref<16xf32, #tpu.memory_space<vmem>>, vector<16xf32>,
    %get3A_18 = vector.shape_cast %get3A_17 : vector<16xf32> to vector<16xf32>
    %scan3A = arith.constant 0 : i32
    %scan3A_19 = arith.constant 0 : i32
    %scan3A_20 = arith.constant 31 : i32
    %scan3A_21 = arith.addi %scan3A_19, %scan3A_20 : i32
    %scan3A_22 = arith.constant 1 : i32
    scf.for %scan3A_98 = %scan3A_19 to %scan3A_21 step %scan3A_22  : i32 {
      %mul3A_99 = arith.constant 16 : i32
      %mul3A_100 = arith.muli %scan3A_98, %mul3A_99 : i32
      %add3A_101 = arith.addi %mul3A_100, %arg1 : i32
      %mul3A_102 = arith.constant 2048 : i32
      %mul3A_103 = arith.muli %add3A_101, %mul3A_102 : i32
      %min3A = arith.constant 997952 : i32
      %min3A_104 = arith.minsi %mul3A_103, %min3A : i32
      "tpu.region"() ({
        %run_scoped3A = tpu.sem_alloc : memref<!tpu.dma_semaphore, #tpu.memory_space<semaphore_mem>>
        %dma_start3A = tpu.memref_slice %arg2[%min3A_104] : memref<2000000xf32, #tpu.memory_space<hbm>> -> memref<2048xf32, #tpu.memory_space<hbm>>
        %dma_start3A_113 = tpu.memref_slice %arg2[%min3A_104] : memref<2000000xf32, #tpu.memory_space<hbm>> -> memref<2048xf32, #tpu.memory_space<hbm>>
        tpu.enqueue_dma source(%dma_start3A_113 : memref<2048xf32, #tpu.memory_space<hbm>>) target(%arg15 : memref<2048xf32, #tpu.memory_space<vmem>>) target_semaphore(%run_scoped3A : memref<!tpu.dma_semaphore, #tpu.memory_space<semaphore_mem>>)
        %dma_wait3A = tpu.memref_slice %arg2[%min3A_104] : memref<2000000xf32, #tpu.memory_space<hbm>> -> memref<2048xf32, #tpu.memory_space<hbm>>
        %dma_wait3A_114 = tpu.memref_slice %arg2[%min3A_104] : memref<2000000xf32, #tpu.memory_space<hbm>> -> memref<2048xf32, #tpu.memory_space<hbm>>
        tpu.wait_dma2 semaphore(%run_scoped3A : memref<!tpu.dma_semaphore, #tpu.memory_space<semaphore_mem>>) src(%dma_wait3A_114 : memref<2048xf32, #tpu.memory_space<hbm>>) dst(%arg15 : memref<2048xf32, #tpu.memory_space<vmem>>)
        tpu.yield
      }) : () -> ()
      %add3A_105 = arith.constant 1000000 : i32
      %add3A_106 = arith.addi %add3A_105, %min3A_104 : i32
      "tpu.region"() ({
        %run_scoped3A = tpu.sem_alloc : memref<!tpu.dma_semaphore, #tpu.memory_space<semaphore_mem>>
        %dma_start3A = tpu.memref_slice %arg2[%add3A_106] : memref<2000000xf32, #tpu.memory_space<hbm>> -> memref<2048xf32, #tpu.memory_space<hbm>>
        %dma_start3A_113 = tpu.memref_slice %arg2[%add3A_106] : memref<2000000xf32, #tpu.memory_space<hbm>> -> memref<2048xf32, #tpu.memory_space<hbm>>
        tpu.enqueue_dma source(%dma_start3A_113 : memref<2048xf32, #tpu.memory_space<hbm>>) target(%arg16 : memref<2048xf32, #tpu.memory_space<vmem>>) target_semaphore(%run_scoped3A : memref<!tpu.dma_semaphore, #tpu.memory_space<semaphore_mem>>)
        %dma_wait3A = tpu.memref_slice %arg2[%add3A_106] : memref<2000000xf32, #tpu.memory_space<hbm>> -> memref<2048xf32, #tpu.memory_space<hbm>>
        %dma_wait3A_114 = tpu.memref_slice %arg2[%add3A_106] : memref<2000000xf32, #tpu.memory_space<hbm>> -> memref<2048xf32, #tpu.memory_space<hbm>>
        tpu.wait_dma2 semaphore(%run_scoped3A : memref<!tpu.dma_semaphore, #tpu.memory_space<semaphore_mem>>) src(%dma_wait3A_114 : memref<2048xf32, #tpu.memory_space<hbm>>) dst(%arg16 : memref<2048xf32, #tpu.memory_space<vmem>>)
        tpu.yield
      }) : () -> ()
      "tpu.region"() ({
        %run_scoped3A = tpu.sem_alloc : memref<!tpu.dma_semaphore, #tpu.memory_space<semaphore_mem>>
        %dma_start3A = tpu.memref_slice %arg3[%min3A_104] : memref<1000000xi32, #tpu.memory_space<hbm>> -> memref<2048xi32, #tpu.memory_space<hbm>>
        %dma_start3A_113 = tpu.memref_slice %arg3[%min3A_104] : memref<1000000xi32, #tpu.memory_space<hbm>> -> memref<2048xi32, #tpu.memory_space<hbm>>
        tpu.enqueue_dma source(%dma_start3A_113 : memref<2048xi32, #tpu.memory_space<hbm>>) target(%arg17 : memref<2048xi32, #tpu.memory_space<vmem>>) target_semaphore(%run_scoped3A : memref<!tpu.dma_semaphore, #tpu.memory_space<semaphore_mem>>)
        %dma_wait3A = tpu.memref_slice %arg3[%min3A_104] : memref<1000000xi32, #tpu.memory_space<hbm>> -> memref<2048xi32, #tpu.memory_space<hbm>>
        %dma_wait3A_114 = tpu.memref_slice %arg3[%min3A_104] : memref<1000000xi32, #tpu.memory_space<hbm>> -> memref<2048xi32, #tpu.memory_space<hbm>>
        tpu.wait_dma2 semaphore(%run_scoped3A : memref<!tpu.dma_semaphore, #tpu.memory_space<semaphore_mem>>) src(%dma_wait3A_114 : memref<2048xi32, #tpu.memory_space<hbm>>) dst(%arg17 : memref<2048xi32, #tpu.memory_space<vmem>>)
        tpu.yield
      }) : () -> ()
      %scan3A_107 = arith.constant 0 : i32
      %scan3A_108 = arith.constant 0 : i32
      %scan3A_109 = arith.constant 32 : i32
      %scan3A_110 = arith.addi %scan3A_108, %scan3A_109 : i32
      %scan3A_111 = arith.constant 1 : i32
      scf.for %scan3A_113 = %scan3A_108 to %scan3A_110 step %scan3A_111  : i32 {
        %mul3A_114 = arith.constant 64 : i32
        %mul3A_115 = arith.muli %scan3A_113, %mul3A_114 : i32
        %add3A_116 = arith.constant 0 : i32
        %add3A_117 = arith.addi %mul3A_115, %add3A_116 : i32
        %get3A_118 = arith.index_cast %add3A_117 : i32 to index
        %get3A_119 = tpu.vector_load %arg15[%get3A_118] {strides = array<i32>} : memref<2048xf32, #tpu.memory_space<vmem>>, vector<16xf32>,
        %get3A_120 = vector.shape_cast %get3A_119 : vector<16xf32> to vector<16xf32>
        %sub3A = arith.subf %get3A_120, %get3A_15 : vector<16xf32>
        %mul3A_121 = arith.constant 1.024000e+03 : f32
        %mul3A_122 = vector.broadcast %mul3A_121 : f32 to vector<16xf32>
        %mul3A_123 = arith.mulf %sub3A, %mul3A_122 : vector<16xf32>
        %max3A = arith.constant -1.000000e+00 : f32
        %max3A_124 = vector.broadcast %max3A : f32 to vector<16xf32>
        %max3A_125 = arith.maximumf %mul3A_123, %max3A_124 : vector<16xf32>
        %min3A_126 = arith.constant 1.025000e+03 : f32
        %min3A_127 = vector.broadcast %min3A_126 : f32 to vector<16xf32>
        %min3A_128 = arith.minimumf %max3A_125, %min3A_127 : vector<16xf32>
        %add3A_129 = arith.constant 0x4B400000 : f32
        %add3A_130 = vector.broadcast %add3A_129 : f32 to vector<16xf32>
        %add3A_131 = arith.addf %min3A_128, %add3A_130 : vector<16xf32>
        %sub3A_132 = arith.constant 0x4B400000 : f32
        %sub3A_133 = vector.broadcast %sub3A_132 : f32 to vector<16xf32>
        %sub3A_134 = arith.subf %add3A_131, %sub3A_133 : vector<16xf32>
        %max3A_135 = arith.constant 0.000000e+00 : f32
        %max3A_136 = vector.broadcast %max3A_135 : f32 to vector<16xf32>
        %max3A_137 = arith.maximumf %sub3A_134, %max3A_136 : vector<16xf32>
        %min3A_138 = arith.constant 1.023000e+03 : f32
        %min3A_139 = vector.broadcast %min3A_138 : f32 to vector<16xf32>
        %min3A_140 = arith.minimumf %max3A_137, %min3A_139 : vector<16xf32>
        %convert_element_type3A_141 = arith.fptosi %min3A_140 : vector<16xf32> to vector<16xi32>
        %get3A_142 = arith.index_cast %add3A_117 : i32 to index
        %get3A_143 = tpu.vector_load %arg16[%get3A_142] {strides = array<i32>} : memref<2048xf32, #tpu.memory_space<vmem>>, vector<16xf32>,
        %get3A_144 = vector.shape_cast %get3A_143 : vector<16xf32> to vector<16xf32>
        %sub3A_145 = arith.subf %get3A_144, %get3A_18 : vector<16xf32>
        %mul3A_146 = arith.constant 1.024000e+03 : f32
        %mul3A_147 = vector.broadcast %mul3A_146 : f32 to vector<16xf32>
        %mul3A_148 = arith.mulf %sub3A_145, %mul3A_147 : vector<16xf32>
        %max3A_149 = arith.constant -1.000000e+00 : f32
        %max3A_150 = vector.broadcast %max3A_149 : f32 to vector<16xf32>
        %max3A_151 = arith.maximumf %mul3A_148, %max3A_150 : vector<16xf32>
        %min3A_152 = arith.constant 1.025000e+03 : f32
        %min3A_153 = vector.broadcast %min3A_152 : f32 to vector<16xf32>
        %min3A_154 = arith.minimumf %max3A_151, %min3A_153 : vector<16xf32>
        %add3A_155 = arith.constant 0x4B400000 : f32
        %add3A_156 = vector.broadcast %add3A_155 : f32 to vector<16xf32>
        %add3A_157 = arith.addf %min3A_154, %add3A_156 : vector<16xf32>
        %sub3A_158 = arith.constant 0x4B400000 : f32
        %sub3A_159 = vector.broadcast %sub3A_158 : f32 to vector<16xf32>
        %sub3A_160 = arith.subf %add3A_157, %sub3A_159 : vector<16xf32>
        %max3A_161 = arith.constant 0.000000e+00 : f32
        %max3A_162 = vector.broadcast %max3A_161 : f32 to vector<16xf32>
        %max3A_163 = arith.maximumf %sub3A_160, %max3A_162 : vector<16xf32>
        %min3A_164 = arith.constant 1.023000e+03 : f32
        %min3A_165 = vector.broadcast %min3A_164 : f32 to vector<16xf32>
        %min3A_166 = arith.minimumf %max3A_163, %min3A_165 : vector<16xf32>
        %convert_element_type3A_167 = arith.fptosi %min3A_166 : vector<16xf32> to vector<16xi32>
        %shift_left3A = arith.constant 10 : i32
        %shift_left3A_168 = vector.broadcast %shift_left3A : i32 to vector<16xi32>
        %shift_left3A_169 = arith.shli %convert_element_type3A_141, %shift_left3A_168 : vector<16xi32>
        %or3A = arith.ori %shift_left3A_169, %convert_element_type3A_167 : vector<16xi32>
        %get3A_170 = arith.index_cast %add3A_117 : i32 to index
        %get3A_171 = tpu.vector_load %arg17[%get3A_170] {strides = array<i32>} : memref<2048xi32, #tpu.memory_space<vmem>>, vector<16xi32>,
        %get3A_172 = vector.shape_cast %get3A_171 : vector<16xi32> to vector<16xi32>
        %eq3A_173 = vector.broadcast %arg0 : i32 to vector<16xi32>
        %eq3A_174 = arith.cmpi eq, %get3A_172, %eq3A_173 : vector<16xi32>
        %and3A_175 = arith.constant 2047 : i32
        %and3A_176 = vector.broadcast %and3A_175 : i32 to vector<16xi32>
        %and3A_177 = arith.andi %or3A, %and3A_176 : vector<16xi32>
        %add3A_178 = arith.constant 1048576 : i32
        %add3A_179 = vector.broadcast %add3A_178 : i32 to vector<16xi32>
        %add3A_180 = arith.addi %add3A_179, %and3A_177 : vector<16xi32>
        %select_n3A = arith.select %eq3A_174, %or3A, %add3A_180 : vector<16xi1>, vector<16xi32>
        %swap3A = arith.index_cast %add3A_117 : i32 to index
        %swap3A_181 = tpu.vector_load %arg18[%swap3A] {strides = array<i32>} : memref<2048xi32, #tpu.memory_space<vmem>>, vector<16xi32>,
        %swap3A_182 = vector.shape_cast %swap3A_181 : vector<16xi32> to vector<16xi32>
        %swap3A_183 = vector.shape_cast %select_n3A : vector<16xi32> to vector<16xi32>
        tpu.vector_store %arg18[%swap3A], %swap3A_183 {strides = array<i32>} : memref<2048xi32, #tpu.memory_space<vmem>>, vector<16xi32>,
        %add3A_184 = arith.constant 16 : i32
        %add3A_185 = arith.addi %mul3A_115, %add3A_184 : i32
        %get3A_186 = arith.index_cast %add3A_185 : i32 to index
        %get3A_187 = tpu.vector_load %arg15[%get3A_186] {strides = array<i32>} : memref<2048xf32, #tpu.memory_space<vmem>>, vector<16xf32>,
        %get3A_188 = vector.shape_cast %get3A_187 : vector<16xf32> to vector<16xf32>
        %sub3A_189 = arith.subf %get3A_188, %get3A_15 : vector<16xf32>
        %mul3A_190 = arith.constant 1.024000e+03 : f32
        %mul3A_191 = vector.broadcast %mul3A_190 : f32 to vector<16xf32>
        %mul3A_192 = arith.mulf %sub3A_189, %mul3A_191 : vector<16xf32>
        %max3A_193 = arith.constant -1.000000e+00 : f32
        %max3A_194 = vector.broadcast %max3A_193 : f32 to vector<16xf32>
        %max3A_195 = arith.maximumf %mul3A_192, %max3A_194 : vector<16xf32>
        %min3A_196 = arith.constant 1.025000e+03 : f32
        %min3A_197 = vector.broadcast %min3A_196 : f32 to vector<16xf32>
        %min3A_198 = arith.minimumf %max3A_195, %min3A_197 : vector<16xf32>
        %add3A_199 = arith.constant 0x4B400000 : f32
        %add3A_200 = vector.broadcast %add3A_199 : f32 to vector<16xf32>
        %add3A_201 = arith.addf %min3A_198, %add3A_200 : vector<16xf32>
        %sub3A_202 = arith.constant 0x4B400000 : f32
        %sub3A_203 = vector.broadcast %sub3A_202 : f32 to vector<16xf32>
        %sub3A_204 = arith.subf %add3A_201, %sub3A_203 : vector<16xf32>
        %max3A_205 = arith.constant 0.000000e+00 : f32
        %max3A_206 = vector.broadcast %max3A_205 : f32 to vector<16xf32>
        %max3A_207 = arith.maximumf %sub3A_204, %max3A_206 : vector<16xf32>
        %min3A_208 = arith.constant 1.023000e+03 : f32
        %min3A_209 = vector.broadcast %min3A_208 : f32 to vector<16xf32>
        %min3A_210 = arith.minimumf %max3A_207, %min3A_209 : vector<16xf32>
        %convert_element_type3A_211 = arith.fptosi %min3A_210 : vector<16xf32> to vector<16xi32>
        %get3A_212 = arith.index_cast %add3A_185 : i32 to index
        %get3A_213 = tpu.vector_load %arg16[%get3A_212] {strides = array<i32>} : memref<2048xf32, #tpu.memory_space<vmem>>, vector<16xf32>,
        %get3A_214 = vector.shape_cast %get3A_213 : vector<16xf32> to vector<16xf32>
        %sub3A_215 = arith.subf %get3A_214, %get3A_18 : vector<16xf32>
        %mul3A_216 = arith.constant 1.024000e+03 : f32
        %mul3A_217 = vector.broadcast %mul3A_216 : f32 to vector<16xf32>
        %mul3A_218 = arith.mulf %sub3A_215, %mul3A_217 : vector<16xf32>
        %max3A_219 = arith.constant -1.000000e+00 : f32
        %max3A_220 = vector.broadcast %max3A_219 : f32 to vector<16xf32>
        %max3A_221 = arith.maximumf %mul3A_218, %max3A_220 : vector<16xf32>
        %min3A_222 = arith.constant 1.025000e+03 : f32
        %min3A_223 = vector.broadcast %min3A_222 : f32 to vector<16xf32>
        %min3A_224 = arith.minimumf %max3A_221, %min3A_223 : vector<16xf32>
        %add3A_225 = arith.constant 0x4B400000 : f32
        %add3A_226 = vector.broadcast %add3A_225 : f32 to vector<16xf32>
        %add3A_227 = arith.addf %min3A_224, %add3A_226 : vector<16xf32>
        %sub3A_228 = arith.constant 0x4B400000 : f32
        %sub3A_229 = vector.broadcast %sub3A_228 : f32 to vector<16xf32>
        %sub3A_230 = arith.subf %add3A_227, %sub3A_229 : vector<16xf32>
        %max3A_231 = arith.constant 0.000000e+00 : f32
        %max3A_232 = vector.broadcast %max3A_231 : f32 to vector<16xf32>
        %max3A_233 = arith.maximumf %sub3A_230, %max3A_232 : vector<16xf32>
        %min3A_234 = arith.constant 1.023000e+03 : f32
        %min3A_235 = vector.broadcast %min3A_234 : f32 to vector<16xf32>
        %min3A_236 = arith.minimumf %max3A_233, %min3A_235 : vector<16xf32>
        %convert_element_type3A_237 = arith.fptosi %min3A_236 : vector<16xf32> to vector<16xi32>
        %shift_left3A_238 = arith.constant 10 : i32
        %shift_left3A_239 = vector.broadcast %shift_left3A_238 : i32 to vector<16xi32>
        %shift_left3A_240 = arith.shli %convert_element_type3A_211, %shift_left3A_239 : vector<16xi32>
        %or3A_241 = arith.ori %shift_left3A_240, %convert_element_type3A_237 : vector<16xi32>
        %get3A_242 = arith.index_cast %add3A_185 : i32 to index
        %get3A_243 = tpu.vector_load %arg17[%get3A_242] {strides = array<i32>} : memref<2048xi32, #tpu.memory_space<vmem>>, vector<16xi32>,
        %get3A_244 = vector.shape_cast %get3A_243 : vector<16xi32> to vector<16xi32>
        %eq3A_245 = vector.broadcast %arg0 : i32 to vector<16xi32>
        %eq3A_246 = arith.cmpi eq, %get3A_244, %eq3A_245 : vector<16xi32>
        %and3A_247 = arith.constant 2047 : i32
        %and3A_248 = vector.broadcast %and3A_247 : i32 to vector<16xi32>
        %and3A_249 = arith.andi %or3A_241, %and3A_248 : vector<16xi32>
        %add3A_250 = arith.constant 1048576 : i32
        %add3A_251 = vector.broadcast %add3A_250 : i32 to vector<16xi32>
        %add3A_252 = arith.addi %add3A_251, %and3A_249 : vector<16xi32>
        %select_n3A_253 = arith.select %eq3A_246, %or3A_241, %add3A_252 : vector<16xi1>, vector<16xi32>
        %swap3A_254 = arith.index_cast %add3A_185 : i32 to index
        %swap3A_255 = tpu.vector_load %arg18[%swap3A_254] {strides = array<i32>} : memref<2048xi32, #tpu.memory_space<vmem>>, vector<16xi32>,
        %swap3A_256 = vector.shape_cast %swap3A_255 : vector<16xi32> to vector<16xi32>
        %swap3A_257 = vector.shape_cast %select_n3A_253 : vector<16xi32> to vector<16xi32>
        tpu.vector_store %arg18[%swap3A_254], %swap3A_257 {strides = array<i32>} : memref<2048xi32, #tpu.memory_space<vmem>>, vector<16xi32>,
        %add3A_258 = arith.constant 32 : i32
        %add3A_259 = arith.addi %mul3A_115, %add3A_258 : i32
        %get3A_260 = arith.index_cast %add3A_259 : i32 to index
        %get3A_261 = tpu.vector_load %arg15[%get3A_260] {strides = array<i32>} : memref<2048xf32, #tpu.memory_space<vmem>>, vector<16xf32>,
        %get3A_262 = vector.shape_cast %get3A_261 : vector<16xf32> to vector<16xf32>
        %sub3A_263 = arith.subf %get3A_262, %get3A_15 : vector<16xf32>
        %mul3A_264 = arith.constant 1.024000e+03 : f32
        %mul3A_265 = vector.broadcast %mul3A_264 : f32 to vector<16xf32>
        %mul3A_266 = arith.mulf %sub3A_263, %mul3A_265 : vector<16xf32>
        %max3A_267 = arith.constant -1.000000e+00 : f32
        %max3A_268 = vector.broadcast %max3A_267 : f32 to vector<16xf32>
        %max3A_269 = arith.maximumf %mul3A_266, %max3A_268 : vector<16xf32>
        %min3A_270 = arith.constant 1.025000e+03 : f32
        %min3A_271 = vector.broadcast %min3A_270 : f32 to vector<16xf32>
        %min3A_272 = arith.minimumf %max3A_269, %min3A_271 : vector<16xf32>
        %add3A_273 = arith.constant 0x4B400000 : f32
        %add3A_274 = vector.broadcast %add3A_273 : f32 to vector<16xf32>
        %add3A_275 = arith.addf %min3A_272, %add3A_274 : vector<16xf32>
        %sub3A_276 = arith.constant 0x4B400000 : f32
        %sub3A_277 = vector.broadcast %sub3A_276 : f32 to vector<16xf32>
        %sub3A_278 = arith.subf %add3A_275, %sub3A_277 : vector<16xf32>
        %max3A_279 = arith.constant 0.000000e+00 : f32
        %max3A_280 = vector.broadcast %max3A_279 : f32 to vector<16xf32>
        %max3A_281 = arith.maximumf %sub3A_278, %max3A_280 : vector<16xf32>
        %min3A_282 = arith.constant 1.023000e+03 : f32
        %min3A_283 = vector.broadcast %min3A_282 : f32 to vector<16xf32>
        %min3A_284 = arith.minimumf %max3A_281, %min3A_283 : vector<16xf32>
        %convert_element_type3A_285 = arith.fptosi %min3A_284 : vector<16xf32> to vector<16xi32>
        %get3A_286 = arith.index_cast %add3A_259 : i32 to index
        %get3A_287 = tpu.vector_load %arg16[%get3A_286] {strides = array<i32>} : memref<2048xf32, #tpu.memory_space<vmem>>, vector<16xf32>,
        %get3A_288 = vector.shape_cast %get3A_287 : vector<16xf32> to vector<16xf32>
        %sub3A_289 = arith.subf %get3A_288, %get3A_18 : vector<16xf32>
        %mul3A_290 = arith.constant 1.024000e+03 : f32
        %mul3A_291 = vector.broadcast %mul3A_290 : f32 to vector<16xf32>
        %mul3A_292 = arith.mulf %sub3A_289, %mul3A_291 : vector<16xf32>
        %max3A_293 = arith.constant -1.000000e+00 : f32
        %max3A_294 = vector.broadcast %max3A_293 : f32 to vector<16xf32>
        %max3A_295 = arith.maximumf %mul3A_292, %max3A_294 : vector<16xf32>
        %min3A_296 = arith.constant 1.025000e+03 : f32
        %min3A_297 = vector.broadcast %min3A_296 : f32 to vector<16xf32>
        %min3A_298 = arith.minimumf %max3A_295, %min3A_297 : vector<16xf32>
        %add3A_299 = arith.constant 0x4B400000 : f32
        %add3A_300 = vector.broadcast %add3A_299 : f32 to vector<16xf32>
        %add3A_301 = arith.addf %min3A_298, %add3A_300 : vector<16xf32>
        %sub3A_302 = arith.constant 0x4B400000 : f32
        %sub3A_303 = vector.broadcast %sub3A_302 : f32 to vector<16xf32>
        %sub3A_304 = arith.subf %add3A_301, %sub3A_303 : vector<16xf32>
        %max3A_305 = arith.constant 0.000000e+00 : f32
        %max3A_306 = vector.broadcast %max3A_305 : f32 to vector<16xf32>
        %max3A_307 = arith.maximumf %sub3A_304, %max3A_306 : vector<16xf32>
        %min3A_308 = arith.constant 1.023000e+03 : f32
        %min3A_309 = vector.broadcast %min3A_308 : f32 to vector<16xf32>
        %min3A_310 = arith.minimumf %max3A_307, %min3A_309 : vector<16xf32>
        %convert_element_type3A_311 = arith.fptosi %min3A_310 : vector<16xf32> to vector<16xi32>
        %shift_left3A_312 = arith.constant 10 : i32
        %shift_left3A_313 = vector.broadcast %shift_left3A_312 : i32 to vector<16xi32>
        %shift_left3A_314 = arith.shli %convert_element_type3A_285, %shift_left3A_313 : vector<16xi32>
        %or3A_315 = arith.ori %shift_left3A_314, %convert_element_type3A_311 : vector<16xi32>
        %get3A_316 = arith.index_cast %add3A_259 : i32 to index
        %get3A_317 = tpu.vector_load %arg17[%get3A_316] {strides = array<i32>} : memref<2048xi32, #tpu.memory_space<vmem>>, vector<16xi32>,
        %get3A_318 = vector.shape_cast %get3A_317 : vector<16xi32> to vector<16xi32>
        %eq3A_319 = vector.broadcast %arg0 : i32 to vector<16xi32>
        %eq3A_320 = arith.cmpi eq, %get3A_318, %eq3A_319 : vector<16xi32>
        %and3A_321 = arith.constant 2047 : i32
        %and3A_322 = vector.broadcast %and3A_321 : i32 to vector<16xi32>
        %and3A_323 = arith.andi %or3A_315, %and3A_322 : vector<16xi32>
        %add3A_324 = arith.constant 1048576 : i32
        %add3A_325 = vector.broadcast %add3A_324 : i32 to vector<16xi32>
        %add3A_326 = arith.addi %add3A_325, %and3A_323 : vector<16xi32>
        %select_n3A_327 = arith.select %eq3A_320, %or3A_315, %add3A_326 : vector<16xi1>, vector<16xi32>
        %swap3A_328 = arith.index_cast %add3A_259 : i32 to index
        %swap3A_329 = tpu.vector_load %arg18[%swap3A_328] {strides = array<i32>} : memref<2048xi32, #tpu.memory_space<vmem>>, vector<16xi32>,
        %swap3A_330 = vector.shape_cast %swap3A_329 : vector<16xi32> to vector<16xi32>
        %swap3A_331 = vector.shape_cast %select_n3A_327 : vector<16xi32> to vector<16xi32>
        tpu.vector_store %arg18[%swap3A_328], %swap3A_331 {strides = array<i32>} : memref<2048xi32, #tpu.memory_space<vmem>>, vector<16xi32>,
        %add3A_332 = arith.constant 48 : i32
        %add3A_333 = arith.addi %mul3A_115, %add3A_332 : i32
        %get3A_334 = arith.index_cast %add3A_333 : i32 to index
        %get3A_335 = tpu.vector_load %arg15[%get3A_334] {strides = array<i32>} : memref<2048xf32, #tpu.memory_space<vmem>>, vector<16xf32>,
        %get3A_336 = vector.shape_cast %get3A_335 : vector<16xf32> to vector<16xf32>
        %sub3A_337 = arith.subf %get3A_336, %get3A_15 : vector<16xf32>
        %mul3A_338 = arith.constant 1.024000e+03 : f32
        %mul3A_339 = vector.broadcast %mul3A_338 : f32 to vector<16xf32>
        %mul3A_340 = arith.mulf %sub3A_337, %mul3A_339 : vector<16xf32>
        %max3A_341 = arith.constant -1.000000e+00 : f32
        %max3A_342 = vector.broadcast %max3A_341 : f32 to vector<16xf32>
        %max3A_343 = arith.maximumf %mul3A_340, %max3A_342 : vector<16xf32>
        %min3A_344 = arith.constant 1.025000e+03 : f32
        %min3A_345 = vector.broadcast %min3A_344 : f32 to vector<16xf32>
        %min3A_346 = arith.minimumf %max3A_343, %min3A_345 : vector<16xf32>
        %add3A_347 = arith.constant 0x4B400000 : f32
        %add3A_348 = vector.broadcast %add3A_347 : f32 to vector<16xf32>
        %add3A_349 = arith.addf %min3A_346, %add3A_348 : vector<16xf32>
        %sub3A_350 = arith.constant 0x4B400000 : f32
        %sub3A_351 = vector.broadcast %sub3A_350 : f32 to vector<16xf32>
        %sub3A_352 = arith.subf %add3A_349, %sub3A_351 : vector<16xf32>
        %max3A_353 = arith.constant 0.000000e+00 : f32
        %max3A_354 = vector.broadcast %max3A_353 : f32 to vector<16xf32>
        %max3A_355 = arith.maximumf %sub3A_352, %max3A_354 : vector<16xf32>
        %min3A_356 = arith.constant 1.023000e+03 : f32
        %min3A_357 = vector.broadcast %min3A_356 : f32 to vector<16xf32>
        %min3A_358 = arith.minimumf %max3A_355, %min3A_357 : vector<16xf32>
        %convert_element_type3A_359 = arith.fptosi %min3A_358 : vector<16xf32> to vector<16xi32>
        %get3A_360 = arith.index_cast %add3A_333 : i32 to index
        %get3A_361 = tpu.vector_load %arg16[%get3A_360] {strides = array<i32>} : memref<2048xf32, #tpu.memory_space<vmem>>, vector<16xf32>,
        %get3A_362 = vector.shape_cast %get3A_361 : vector<16xf32> to vector<16xf32>
        %sub3A_363 = arith.subf %get3A_362, %get3A_18 : vector<16xf32>
        %mul3A_364 = arith.constant 1.024000e+03 : f32
        %mul3A_365 = vector.broadcast %mul3A_364 : f32 to vector<16xf32>
        %mul3A_366 = arith.mulf %sub3A_363, %mul3A_365 : vector<16xf32>
        %max3A_367 = arith.constant -1.000000e+00 : f32
        %max3A_368 = vector.broadcast %max3A_367 : f32 to vector<16xf32>
        %max3A_369 = arith.maximumf %mul3A_366, %max3A_368 : vector<16xf32>
        %min3A_370 = arith.constant 1.025000e+03 : f32
        %min3A_371 = vector.broadcast %min3A_370 : f32 to vector<16xf32>
        %min3A_372 = arith.minimumf %max3A_369, %min3A_371 : vector<16xf32>
        %add3A_373 = arith.constant 0x4B400000 : f32
        %add3A_374 = vector.broadcast %add3A_373 : f32 to vector<16xf32>
        %add3A_375 = arith.addf %min3A_372, %add3A_374 : vector<16xf32>
        %sub3A_376 = arith.constant 0x4B400000 : f32
        %sub3A_377 = vector.broadcast %sub3A_376 : f32 to vector<16xf32>
        %sub3A_378 = arith.subf %add3A_375, %sub3A_377 : vector<16xf32>
        %max3A_379 = arith.constant 0.000000e+00 : f32
        %max3A_380 = vector.broadcast %max3A_379 : f32 to vector<16xf32>
        %max3A_381 = arith.maximumf %sub3A_378, %max3A_380 : vector<16xf32>
        %min3A_382 = arith.constant 1.023000e+03 : f32
        %min3A_383 = vector.broadcast %min3A_382 : f32 to vector<16xf32>
        %min3A_384 = arith.minimumf %max3A_381, %min3A_383 : vector<16xf32>
        %convert_element_type3A_385 = arith.fptosi %min3A_384 : vector<16xf32> to vector<16xi32>
        %shift_left3A_386 = arith.constant 10 : i32
        %shift_left3A_387 = vector.broadcast %shift_left3A_386 : i32 to vector<16xi32>
        %shift_left3A_388 = arith.shli %convert_element_type3A_359, %shift_left3A_387 : vector<16xi32>
        %or3A_389 = arith.ori %shift_left3A_388, %convert_element_type3A_385 : vector<16xi32>
        %get3A_390 = arith.index_cast %add3A_333 : i32 to index
        %get3A_391 = tpu.vector_load %arg17[%get3A_390] {strides = array<i32>} : memref<2048xi32, #tpu.memory_space<vmem>>, vector<16xi32>,
        %get3A_392 = vector.shape_cast %get3A_391 : vector<16xi32> to vector<16xi32>
        %eq3A_393 = vector.broadcast %arg0 : i32 to vector<16xi32>
        %eq3A_394 = arith.cmpi eq, %get3A_392, %eq3A_393 : vector<16xi32>
        %and3A_395 = arith.constant 2047 : i32
        %and3A_396 = vector.broadcast %and3A_395 : i32 to vector<16xi32>
        %and3A_397 = arith.andi %or3A_389, %and3A_396 : vector<16xi32>
        %add3A_398 = arith.constant 1048576 : i32
        %add3A_399 = vector.broadcast %add3A_398 : i32 to vector<16xi32>
        %add3A_400 = arith.addi %add3A_399, %and3A_397 : vector<16xi32>
        %select_n3A_401 = arith.select %eq3A_394, %or3A_389, %add3A_400 : vector<16xi1>, vector<16xi32>
        %swap3A_402 = arith.index_cast %add3A_333 : i32 to index
        %swap3A_403 = tpu.vector_load %arg18[%swap3A_402] {strides = array<i32>} : memref<2048xi32, #tpu.memory_space<vmem>>, vector<16xi32>,
        %swap3A_404 = vector.shape_cast %swap3A_403 : vector<16xi32> to vector<16xi32>
        %swap3A_405 = vector.shape_cast %select_n3A_401 : vector<16xi32> to vector<16xi32>
        tpu.vector_store %arg18[%swap3A_402], %swap3A_405 {strides = array<i32>} : memref<2048xi32, #tpu.memory_space<vmem>>, vector<16xi32>,
      }
      %scan3A_112 = arith.constant 32 : i32
      "tpu.region"() ({
        %run_scoped3A = tpu.sem_alloc : memref<!tpu.dma_semaphore, #tpu.memory_space<semaphore_mem>>
        %dma_start3A = arith.constant 0 : i32
        %dma_start3A_113 = tpu.memref_slice %arg14[%dma_start3A] : memref<1050624xf32, #tpu.memory_space<vmem_shared>> -> memref<1050624xf32, #tpu.memory_space<vmem_shared>>
        tpu.enqueue_indirect_dma source(%arg19 : memref<2048xf32, #tpu.memory_space<vmem>>) target(%dma_start3A_113 : memref<1050624xf32, #tpu.memory_space<vmem_shared>>) offsets(%arg18 : memref<2048xi32, #tpu.memory_space<vmem>>) semaphore(%run_scoped3A : memref<!tpu.dma_semaphore, #tpu.memory_space<semaphore_mem>>)
        %dma_wait3A = arith.constant 0 : i32
        %dma_wait3A_114 = tpu.memref_slice %arg14[%dma_wait3A] : memref<1050624xf32, #tpu.memory_space<vmem_shared>> -> memref<1050624xf32, #tpu.memory_space<vmem_shared>>
        tpu.wait_indirect_dma semaphore(%run_scoped3A : memref<!tpu.dma_semaphore, #tpu.memory_space<semaphore_mem>>) src(%arg19 : memref<2048xf32, #tpu.memory_space<vmem>>) dst(%dma_wait3A_114 : memref<1050624xf32, #tpu.memory_space<vmem_shared>>)
        tpu.yield
      }) : () -> ()
    }
    %scan3A_23 = arith.constant 31 : i32
    %scan3A_24 = arith.constant 0 : i32
    %scan3A_25 = arith.constant 0 : i32
    %scan3A_26 = arith.constant 16 : i32
    %scan3A_27 = arith.addi %scan3A_25, %scan3A_26 : i32
    %scan3A_28 = arith.constant 1 : i32
    scf.for %scan3A_98 = %scan3A_25 to %scan3A_27 step %scan3A_28  : i32 {
      %mul3A_99 = arith.constant 16 : i32
      %mul3A_100 = arith.muli %scan3A_98, %mul3A_99 : i32
      %add3A_101 = arith.addi %mul3A_100, %arg1 : i32
      %mul3A_102 = arith.constant 2048 : i32
      %mul3A_103 = arith.muli %add3A_101, %mul3A_102 : i32
      %min3A = arith.constant 497952 : i32
      %min3A_104 = arith.minsi %mul3A_103, %min3A : i32
      "tpu.region"() ({
        %run_scoped3A = tpu.sem_alloc : memref<!tpu.dma_semaphore, #tpu.memory_space<semaphore_mem>>
        %dma_start3A = tpu.memref_slice %arg4[%min3A_104] : memref<1000000xf32, #tpu.memory_space<hbm>> -> memref<2048xf32, #tpu.memory_space<hbm>>
        %dma_start3A_113 = tpu.memref_slice %arg4[%min3A_104] : memref<1000000xf32, #tpu.memory_space<hbm>> -> memref<2048xf32, #tpu.memory_space<hbm>>
        tpu.enqueue_dma source(%dma_start3A_113 : memref<2048xf32, #tpu.memory_space<hbm>>) target(%arg15 : memref<2048xf32, #tpu.memory_space<vmem>>) target_semaphore(%run_scoped3A : memref<!tpu.dma_semaphore, #tpu.memory_space<semaphore_mem>>)
        %dma_wait3A = tpu.memref_slice %arg4[%min3A_104] : memref<1000000xf32, #tpu.memory_space<hbm>> -> memref<2048xf32, #tpu.memory_space<hbm>>
        %dma_wait3A_114 = tpu.memref_slice %arg4[%min3A_104] : memref<1000000xf32, #tpu.memory_space<hbm>> -> memref<2048xf32, #tpu.memory_space<hbm>>
        tpu.wait_dma2 semaphore(%run_scoped3A : memref<!tpu.dma_semaphore, #tpu.memory_space<semaphore_mem>>) src(%dma_wait3A_114 : memref<2048xf32, #tpu.memory_space<hbm>>) dst(%arg15 : memref<2048xf32, #tpu.memory_space<vmem>>)
        tpu.yield
      }) : () -> ()
      %add3A_105 = arith.constant 500000 : i32
      %add3A_106 = arith.addi %add3A_105, %min3A_104 : i32
      "tpu.region"() ({
        %run_scoped3A = tpu.sem_alloc : memref<!tpu.dma_semaphore, #tpu.memory_space<semaphore_mem>>
        %dma_start3A = tpu.memref_slice %arg4[%add3A_106] : memref<1000000xf32, #tpu.memory_space<hbm>> -> memref<2048xf32, #tpu.memory_space<hbm>>
        %dma_start3A_113 = tpu.memref_slice %arg4[%add3A_106] : memref<1000000xf32, #tpu.memory_space<hbm>> -> memref<2048xf32, #tpu.memory_space<hbm>>
        tpu.enqueue_dma source(%dma_start3A_113 : memref<2048xf32, #tpu.memory_space<hbm>>) target(%arg16 : memref<2048xf32, #tpu.memory_space<vmem>>) target_semaphore(%run_scoped3A : memref<!tpu.dma_semaphore, #tpu.memory_space<semaphore_mem>>)
        %dma_wait3A = tpu.memref_slice %arg4[%add3A_106] : memref<1000000xf32, #tpu.memory_space<hbm>> -> memref<2048xf32, #tpu.memory_space<hbm>>
        %dma_wait3A_114 = tpu.memref_slice %arg4[%add3A_106] : memref<1000000xf32, #tpu.memory_space<hbm>> -> memref<2048xf32, #tpu.memory_space<hbm>>
        tpu.wait_dma2 semaphore(%run_scoped3A : memref<!tpu.dma_semaphore, #tpu.memory_space<semaphore_mem>>) src(%dma_wait3A_114 : memref<2048xf32, #tpu.memory_space<hbm>>) dst(%arg16 : memref<2048xf32, #tpu.memory_space<vmem>>)
        tpu.yield
      }) : () -> ()
      "tpu.region"() ({
        %run_scoped3A = tpu.sem_alloc : memref<!tpu.dma_semaphore, #tpu.memory_space<semaphore_mem>>
        %dma_start3A = tpu.memref_slice %arg6[%min3A_104] : memref<500000xi32, #tpu.memory_space<hbm>> -> memref<2048xi32, #tpu.memory_space<hbm>>
        %dma_start3A_113 = tpu.memref_slice %arg6[%min3A_104] : memref<500000xi32, #tpu.memory_space<hbm>> -> memref<2048xi32, #tpu.memory_space<hbm>>
        tpu.enqueue_dma source(%dma_start3A_113 : memref<2048xi32, #tpu.memory_space<hbm>>) target(%arg17 : memref<2048xi32, #tpu.memory_space<vmem>>) target_semaphore(%run_scoped3A : memref<!tpu.dma_semaphore, #tpu.memory_space<semaphore_mem>>)
        %dma_wait3A = tpu.memref_slice %arg6[%min3A_104] : memref<500000xi32, #tpu.memory_space<hbm>> -> memref<2048xi32, #tpu.memory_space<hbm>>
        %dma_wait3A_114 = tpu.memref_slice %arg6[%min3A_104] : memref<500000xi32, #tpu.memory_space<hbm>> -> memref<2048xi32, #tpu.memory_space<hbm>>
        tpu.wait_dma2 semaphore(%run_scoped3A : memref<!tpu.dma_semaphore, #tpu.memory_space<semaphore_mem>>) src(%dma_wait3A_114 : memref<2048xi32, #tpu.memory_space<hbm>>) dst(%arg17 : memref<2048xi32, #tpu.memory_space<vmem>>)
        tpu.yield
      }) : () -> ()
      %scan3A_107 = arith.constant 0 : i32
      %scan3A_108 = arith.constant 0 : i32
      %scan3A_109 = arith.constant 32 : i32
      %scan3A_110 = arith.addi %scan3A_108, %scan3A_109 : i32
      %scan3A_111 = arith.constant 1 : i32
      scf.for %scan3A_113 = %scan3A_108 to %scan3A_110 step %scan3A_111  : i32 {
        %mul3A_114 = arith.constant 64 : i32
        %mul3A_115 = arith.muli %scan3A_113, %mul3A_114 : i32
        %add3A_116 = arith.constant 0 : i32
        %add3A_117 = arith.addi %mul3A_115, %add3A_116 : i32
        %get3A_118 = arith.index_cast %add3A_117 : i32 to index
        %get3A_119 = tpu.vector_load %arg15[%get3A_118] {strides = array<i32>} : memref<2048xf32, #tpu.memory_space<vmem>>, vector<16xf32>,
        %get3A_120 = vector.shape_cast %get3A_119 : vector<16xf32> to vector<16xf32>
        %sub3A = arith.subf %get3A_120, %get3A_15 : vector<16xf32>
        %mul3A_121 = arith.constant 1.024000e+03 : f32
        %mul3A_122 = vector.broadcast %mul3A_121 : f32 to vector<16xf32>
        %mul3A_123 = arith.mulf %sub3A, %mul3A_122 : vector<16xf32>
        %max3A = arith.constant -1.000000e+00 : f32
        %max3A_124 = vector.broadcast %max3A : f32 to vector<16xf32>
        %max3A_125 = arith.maximumf %mul3A_123, %max3A_124 : vector<16xf32>
        %min3A_126 = arith.constant 1.025000e+03 : f32
        %min3A_127 = vector.broadcast %min3A_126 : f32 to vector<16xf32>
        %min3A_128 = arith.minimumf %max3A_125, %min3A_127 : vector<16xf32>
        %add3A_129 = arith.constant 0x4B400000 : f32
        %add3A_130 = vector.broadcast %add3A_129 : f32 to vector<16xf32>
        %add3A_131 = arith.addf %min3A_128, %add3A_130 : vector<16xf32>
        %sub3A_132 = arith.constant 0x4B400000 : f32
        %sub3A_133 = vector.broadcast %sub3A_132 : f32 to vector<16xf32>
        %sub3A_134 = arith.subf %add3A_131, %sub3A_133 : vector<16xf32>
        %max3A_135 = arith.constant 0.000000e+00 : f32
        %max3A_136 = vector.broadcast %max3A_135 : f32 to vector<16xf32>
        %max3A_137 = arith.maximumf %sub3A_134, %max3A_136 : vector<16xf32>
        %min3A_138 = arith.constant 1.023000e+03 : f32
        %min3A_139 = vector.broadcast %min3A_138 : f32 to vector<16xf32>
        %min3A_140 = arith.minimumf %max3A_137, %min3A_139 : vector<16xf32>
        %convert_element_type3A_141 = arith.fptosi %min3A_140 : vector<16xf32> to vector<16xi32>
        %get3A_142 = arith.index_cast %add3A_117 : i32 to index
        %get3A_143 = tpu.vector_load %arg16[%get3A_142] {strides = array<i32>} : memref<2048xf32, #tpu.memory_space<vmem>>, vector<16xf32>,
        %get3A_144 = vector.shape_cast %get3A_143 : vector<16xf32> to vector<16xf32>
        %sub3A_145 = arith.subf %get3A_144, %get3A_18 : vector<16xf32>
        %mul3A_146 = arith.constant 1.024000e+03 : f32
        %mul3A_147 = vector.broadcast %mul3A_146 : f32 to vector<16xf32>
        %mul3A_148 = arith.mulf %sub3A_145, %mul3A_147 : vector<16xf32>
        %max3A_149 = arith.constant -1.000000e+00 : f32
        %max3A_150 = vector.broadcast %max3A_149 : f32 to vector<16xf32>
        %max3A_151 = arith.maximumf %mul3A_148, %max3A_150 : vector<16xf32>
        %min3A_152 = arith.constant 1.025000e+03 : f32
        %min3A_153 = vector.broadcast %min3A_152 : f32 to vector<16xf32>
        %min3A_154 = arith.minimumf %max3A_151, %min3A_153 : vector<16xf32>
        %add3A_155 = arith.constant 0x4B400000 : f32
        %add3A_156 = vector.broadcast %add3A_155 : f32 to vector<16xf32>
        %add3A_157 = arith.addf %min3A_154, %add3A_156 : vector<16xf32>
        %sub3A_158 = arith.constant 0x4B400000 : f32
        %sub3A_159 = vector.broadcast %sub3A_158 : f32 to vector<16xf32>
        %sub3A_160 = arith.subf %add3A_157, %sub3A_159 : vector<16xf32>
        %max3A_161 = arith.constant 0.000000e+00 : f32
        %max3A_162 = vector.broadcast %max3A_161 : f32 to vector<16xf32>
        %max3A_163 = arith.maximumf %sub3A_160, %max3A_162 : vector<16xf32>
        %min3A_164 = arith.constant 1.023000e+03 : f32
        %min3A_165 = vector.broadcast %min3A_164 : f32 to vector<16xf32>
        %min3A_166 = arith.minimumf %max3A_163, %min3A_165 : vector<16xf32>
        %convert_element_type3A_167 = arith.fptosi %min3A_166 : vector<16xf32> to vector<16xi32>
        %shift_left3A = arith.constant 10 : i32
        %shift_left3A_168 = vector.broadcast %shift_left3A : i32 to vector<16xi32>
        %shift_left3A_169 = arith.shli %convert_element_type3A_141, %shift_left3A_168 : vector<16xi32>
        %or3A = arith.ori %shift_left3A_169, %convert_element_type3A_167 : vector<16xi32>
        %get3A_170 = arith.index_cast %add3A_117 : i32 to index
        %get3A_171 = tpu.vector_load %arg17[%get3A_170] {strides = array<i32>} : memref<2048xi32, #tpu.memory_space<vmem>>, vector<16xi32>,
        %get3A_172 = vector.shape_cast %get3A_171 : vector<16xi32> to vector<16xi32>
        %eq3A_173 = vector.broadcast %arg0 : i32 to vector<16xi32>
        %eq3A_174 = arith.cmpi eq, %get3A_172, %eq3A_173 : vector<16xi32>
        %and3A_175 = arith.constant 2047 : i32
        %and3A_176 = vector.broadcast %and3A_175 : i32 to vector<16xi32>
        %and3A_177 = arith.andi %or3A, %and3A_176 : vector<16xi32>
        %add3A_178 = arith.constant 1048576 : i32
        %add3A_179 = vector.broadcast %add3A_178 : i32 to vector<16xi32>
        %add3A_180 = arith.addi %add3A_179, %and3A_177 : vector<16xi32>
        %select_n3A = arith.select %eq3A_174, %or3A, %add3A_180 : vector<16xi1>, vector<16xi32>
        %swap3A = arith.index_cast %add3A_117 : i32 to index
        %swap3A_181 = tpu.vector_load %arg18[%swap3A] {strides = array<i32>} : memref<2048xi32, #tpu.memory_space<vmem>>, vector<16xi32>,
        %swap3A_182 = vector.shape_cast %swap3A_181 : vector<16xi32> to vector<16xi32>
        %swap3A_183 = vector.shape_cast %select_n3A : vector<16xi32> to vector<16xi32>
        tpu.vector_store %arg18[%swap3A], %swap3A_183 {strides = array<i32>} : memref<2048xi32, #tpu.memory_space<vmem>>, vector<16xi32>,
        %add3A_184 = arith.constant 16 : i32
        %add3A_185 = arith.addi %mul3A_115, %add3A_184 : i32
        %get3A_186 = arith.index_cast %add3A_185 : i32 to index
        %get3A_187 = tpu.vector_load %arg15[%get3A_186] {strides = array<i32>} : memref<2048xf32, #tpu.memory_space<vmem>>, vector<16xf32>,
        %get3A_188 = vector.shape_cast %get3A_187 : vector<16xf32> to vector<16xf32>
        %sub3A_189 = arith.subf %get3A_188, %get3A_15 : vector<16xf32>
        %mul3A_190 = arith.constant 1.024000e+03 : f32
        %mul3A_191 = vector.broadcast %mul3A_190 : f32 to vector<16xf32>
        %mul3A_192 = arith.mulf %sub3A_189, %mul3A_191 : vector<16xf32>
        %max3A_193 = arith.constant -1.000000e+00 : f32
        %max3A_194 = vector.broadcast %max3A_193 : f32 to vector<16xf32>
        %max3A_195 = arith.maximumf %mul3A_192, %max3A_194 : vector<16xf32>
        %min3A_196 = arith.constant 1.025000e+03 : f32
        %min3A_197 = vector.broadcast %min3A_196 : f32 to vector<16xf32>
        %min3A_198 = arith.minimumf %max3A_195, %min3A_197 : vector<16xf32>
        %add3A_199 = arith.constant 0x4B400000 : f32
        %add3A_200 = vector.broadcast %add3A_199 : f32 to vector<16xf32>
        %add3A_201 = arith.addf %min3A_198, %add3A_200 : vector<16xf32>
        %sub3A_202 = arith.constant 0x4B400000 : f32
        %sub3A_203 = vector.broadcast %sub3A_202 : f32 to vector<16xf32>
        %sub3A_204 = arith.subf %add3A_201, %sub3A_203 : vector<16xf32>
        %max3A_205 = arith.constant 0.000000e+00 : f32
        %max3A_206 = vector.broadcast %max3A_205 : f32 to vector<16xf32>
        %max3A_207 = arith.maximumf %sub3A_204, %max3A_206 : vector<16xf32>
        %min3A_208 = arith.constant 1.023000e+03 : f32
        %min3A_209 = vector.broadcast %min3A_208 : f32 to vector<16xf32>
        %min3A_210 = arith.minimumf %max3A_207, %min3A_209 : vector<16xf32>
        %convert_element_type3A_211 = arith.fptosi %min3A_210 : vector<16xf32> to vector<16xi32>
        %get3A_212 = arith.index_cast %add3A_185 : i32 to index
        %get3A_213 = tpu.vector_load %arg16[%get3A_212] {strides = array<i32>} : memref<2048xf32, #tpu.memory_space<vmem>>, vector<16xf32>,
        %get3A_214 = vector.shape_cast %get3A_213 : vector<16xf32> to vector<16xf32>
        %sub3A_215 = arith.subf %get3A_214, %get3A_18 : vector<16xf32>
        %mul3A_216 = arith.constant 1.024000e+03 : f32
        %mul3A_217 = vector.broadcast %mul3A_216 : f32 to vector<16xf32>
        %mul3A_218 = arith.mulf %sub3A_215, %mul3A_217 : vector<16xf32>
        %max3A_219 = arith.constant -1.000000e+00 : f32
        %max3A_220 = vector.broadcast %max3A_219 : f32 to vector<16xf32>
        %max3A_221 = arith.maximumf %mul3A_218, %max3A_220 : vector<16xf32>
        %min3A_222 = arith.constant 1.025000e+03 : f32
        %min3A_223 = vector.broadcast %min3A_222 : f32 to vector<16xf32>
        %min3A_224 = arith.minimumf %max3A_221, %min3A_223 : vector<16xf32>
        %add3A_225 = arith.constant 0x4B400000 : f32
        %add3A_226 = vector.broadcast %add3A_225 : f32 to vector<16xf32>
        %add3A_227 = arith.addf %min3A_224, %add3A_226 : vector<16xf32>
        %sub3A_228 = arith.constant 0x4B400000 : f32
        %sub3A_229 = vector.broadcast %sub3A_228 : f32 to vector<16xf32>
        %sub3A_230 = arith.subf %add3A_227, %sub3A_229 : vector<16xf32>
        %max3A_231 = arith.constant 0.000000e+00 : f32
        %max3A_232 = vector.broadcast %max3A_231 : f32 to vector<16xf32>
        %max3A_233 = arith.maximumf %sub3A_230, %max3A_232 : vector<16xf32>
        %min3A_234 = arith.constant 1.023000e+03 : f32
        %min3A_235 = vector.broadcast %min3A_234 : f32 to vector<16xf32>
        %min3A_236 = arith.minimumf %max3A_233, %min3A_235 : vector<16xf32>
        %convert_element_type3A_237 = arith.fptosi %min3A_236 : vector<16xf32> to vector<16xi32>
        %shift_left3A_238 = arith.constant 10 : i32
        %shift_left3A_239 = vector.broadcast %shift_left3A_238 : i32 to vector<16xi32>
        %shift_left3A_240 = arith.shli %convert_element_type3A_211, %shift_left3A_239 : vector<16xi32>
        %or3A_241 = arith.ori %shift_left3A_240, %convert_element_type3A_237 : vector<16xi32>
        %get3A_242 = arith.index_cast %add3A_185 : i32 to index
        %get3A_243 = tpu.vector_load %arg17[%get3A_242] {strides = array<i32>} : memref<2048xi32, #tpu.memory_space<vmem>>, vector<16xi32>,
        %get3A_244 = vector.shape_cast %get3A_243 : vector<16xi32> to vector<16xi32>
        %eq3A_245 = vector.broadcast %arg0 : i32 to vector<16xi32>
        %eq3A_246 = arith.cmpi eq, %get3A_244, %eq3A_245 : vector<16xi32>
        %and3A_247 = arith.constant 2047 : i32
        %and3A_248 = vector.broadcast %and3A_247 : i32 to vector<16xi32>
        %and3A_249 = arith.andi %or3A_241, %and3A_248 : vector<16xi32>
        %add3A_250 = arith.constant 1048576 : i32
        %add3A_251 = vector.broadcast %add3A_250 : i32 to vector<16xi32>
        %add3A_252 = arith.addi %add3A_251, %and3A_249 : vector<16xi32>
        %select_n3A_253 = arith.select %eq3A_246, %or3A_241, %add3A_252 : vector<16xi1>, vector<16xi32>
        %swap3A_254 = arith.index_cast %add3A_185 : i32 to index
        %swap3A_255 = tpu.vector_load %arg18[%swap3A_254] {strides = array<i32>} : memref<2048xi32, #tpu.memory_space<vmem>>, vector<16xi32>,
        %swap3A_256 = vector.shape_cast %swap3A_255 : vector<16xi32> to vector<16xi32>
        %swap3A_257 = vector.shape_cast %select_n3A_253 : vector<16xi32> to vector<16xi32>
        tpu.vector_store %arg18[%swap3A_254], %swap3A_257 {strides = array<i32>} : memref<2048xi32, #tpu.memory_space<vmem>>, vector<16xi32>,
        %add3A_258 = arith.constant 32 : i32
        %add3A_259 = arith.addi %mul3A_115, %add3A_258 : i32
        %get3A_260 = arith.index_cast %add3A_259 : i32 to index
        %get3A_261 = tpu.vector_load %arg15[%get3A_260] {strides = array<i32>} : memref<2048xf32, #tpu.memory_space<vmem>>, vector<16xf32>,
        %get3A_262 = vector.shape_cast %get3A_261 : vector<16xf32> to vector<16xf32>
        %sub3A_263 = arith.subf %get3A_262, %get3A_15 : vector<16xf32>
        %mul3A_264 = arith.constant 1.024000e+03 : f32
        %mul3A_265 = vector.broadcast %mul3A_264 : f32 to vector<16xf32>
        %mul3A_266 = arith.mulf %sub3A_263, %mul3A_265 : vector<16xf32>
        %max3A_267 = arith.constant -1.000000e+00 : f32
        %max3A_268 = vector.broadcast %max3A_267 : f32 to vector<16xf32>
        %max3A_269 = arith.maximumf %mul3A_266, %max3A_268 : vector<16xf32>
        %min3A_270 = arith.constant 1.025000e+03 : f32
        %min3A_271 = vector.broadcast %min3A_270 : f32 to vector<16xf32>
        %min3A_272 = arith.minimumf %max3A_269, %min3A_271 : vector<16xf32>
        %add3A_273 = arith.constant 0x4B400000 : f32
        %add3A_274 = vector.broadcast %add3A_273 : f32 to vector<16xf32>
        %add3A_275 = arith.addf %min3A_272, %add3A_274 : vector<16xf32>
        %sub3A_276 = arith.constant 0x4B400000 : f32
        %sub3A_277 = vector.broadcast %sub3A_276 : f32 to vector<16xf32>
        %sub3A_278 = arith.subf %add3A_275, %sub3A_277 : vector<16xf32>
        %max3A_279 = arith.constant 0.000000e+00 : f32
        %max3A_280 = vector.broadcast %max3A_279 : f32 to vector<16xf32>
        %max3A_281 = arith.maximumf %sub3A_278, %max3A_280 : vector<16xf32>
        %min3A_282 = arith.constant 1.023000e+03 : f32
        %min3A_283 = vector.broadcast %min3A_282 : f32 to vector<16xf32>
        %min3A_284 = arith.minimumf %max3A_281, %min3A_283 : vector<16xf32>
        %convert_element_type3A_285 = arith.fptosi %min3A_284 : vector<16xf32> to vector<16xi32>
        %get3A_286 = arith.index_cast %add3A_259 : i32 to index
        %get3A_287 = tpu.vector_load %arg16[%get3A_286] {strides = array<i32>} : memref<2048xf32, #tpu.memory_space<vmem>>, vector<16xf32>,
        %get3A_288 = vector.shape_cast %get3A_287 : vector<16xf32> to vector<16xf32>
        %sub3A_289 = arith.subf %get3A_288, %get3A_18 : vector<16xf32>
        %mul3A_290 = arith.constant 1.024000e+03 : f32
        %mul3A_291 = vector.broadcast %mul3A_290 : f32 to vector<16xf32>
        %mul3A_292 = arith.mulf %sub3A_289, %mul3A_291 : vector<16xf32>
        %max3A_293 = arith.constant -1.000000e+00 : f32
        %max3A_294 = vector.broadcast %max3A_293 : f32 to vector<16xf32>
        %max3A_295 = arith.maximumf %mul3A_292, %max3A_294 : vector<16xf32>
        %min3A_296 = arith.constant 1.025000e+03 : f32
        %min3A_297 = vector.broadcast %min3A_296 : f32 to vector<16xf32>
        %min3A_298 = arith.minimumf %max3A_295, %min3A_297 : vector<16xf32>
        %add3A_299 = arith.constant 0x4B400000 : f32
        %add3A_300 = vector.broadcast %add3A_299 : f32 to vector<16xf32>
        %add3A_301 = arith.addf %min3A_298, %add3A_300 : vector<16xf32>
        %sub3A_302 = arith.constant 0x4B400000 : f32
        %sub3A_303 = vector.broadcast %sub3A_302 : f32 to vector<16xf32>
        %sub3A_304 = arith.subf %add3A_301, %sub3A_303 : vector<16xf32>
        %max3A_305 = arith.constant 0.000000e+00 : f32
        %max3A_306 = vector.broadcast %max3A_305 : f32 to vector<16xf32>
        %max3A_307 = arith.maximumf %sub3A_304, %max3A_306 : vector<16xf32>
        %min3A_308 = arith.constant 1.023000e+03 : f32
        %min3A_309 = vector.broadcast %min3A_308 : f32 to vector<16xf32>
        %min3A_310 = arith.minimumf %max3A_307, %min3A_309 : vector<16xf32>
        %convert_element_type3A_311 = arith.fptosi %min3A_310 : vector<16xf32> to vector<16xi32>
        %shift_left3A_312 = arith.constant 10 : i32
        %shift_left3A_313 = vector.broadcast %shift_left3A_312 : i32 to vector<16xi32>
        %shift_left3A_314 = arith.shli %convert_element_type3A_285, %shift_left3A_313 : vector<16xi32>
        %or3A_315 = arith.ori %shift_left3A_314, %convert_element_type3A_311 : vector<16xi32>
        %get3A_316 = arith.index_cast %add3A_259 : i32 to index
        %get3A_317 = tpu.vector_load %arg17[%get3A_316] {strides = array<i32>} : memref<2048xi32, #tpu.memory_space<vmem>>, vector<16xi32>,
        %get3A_318 = vector.shape_cast %get3A_317 : vector<16xi32> to vector<16xi32>
        %eq3A_319 = vector.broadcast %arg0 : i32 to vector<16xi32>
        %eq3A_320 = arith.cmpi eq, %get3A_318, %eq3A_319 : vector<16xi32>
        %and3A_321 = arith.constant 2047 : i32
        %and3A_322 = vector.broadcast %and3A_321 : i32 to vector<16xi32>
        %and3A_323 = arith.andi %or3A_315, %and3A_322 : vector<16xi32>
        %add3A_324 = arith.constant 1048576 : i32
        %add3A_325 = vector.broadcast %add3A_324 : i32 to vector<16xi32>
        %add3A_326 = arith.addi %add3A_325, %and3A_323 : vector<16xi32>
        %select_n3A_327 = arith.select %eq3A_320, %or3A_315, %add3A_326 : vector<16xi1>, vector<16xi32>
        %swap3A_328 = arith.index_cast %add3A_259 : i32 to index
        %swap3A_329 = tpu.vector_load %arg18[%swap3A_328] {strides = array<i32>} : memref<2048xi32, #tpu.memory_space<vmem>>, vector<16xi32>,
        %swap3A_330 = vector.shape_cast %swap3A_329 : vector<16xi32> to vector<16xi32>
        %swap3A_331 = vector.shape_cast %select_n3A_327 : vector<16xi32> to vector<16xi32>
        tpu.vector_store %arg18[%swap3A_328], %swap3A_331 {strides = array<i32>} : memref<2048xi32, #tpu.memory_space<vmem>>, vector<16xi32>,
        %add3A_332 = arith.constant 48 : i32
        %add3A_333 = arith.addi %mul3A_115, %add3A_332 : i32
        %get3A_334 = arith.index_cast %add3A_333 : i32 to index
        %get3A_335 = tpu.vector_load %arg15[%get3A_334] {strides = array<i32>} : memref<2048xf32, #tpu.memory_space<vmem>>, vector<16xf32>,
        %get3A_336 = vector.shape_cast %get3A_335 : vector<16xf32> to vector<16xf32>
        %sub3A_337 = arith.subf %get3A_336, %get3A_15 : vector<16xf32>
        %mul3A_338 = arith.constant 1.024000e+03 : f32
        %mul3A_339 = vector.broadcast %mul3A_338 : f32 to vector<16xf32>
        %mul3A_340 = arith.mulf %sub3A_337, %mul3A_339 : vector<16xf32>
        %max3A_341 = arith.constant -1.000000e+00 : f32
        %max3A_342 = vector.broadcast %max3A_341 : f32 to vector<16xf32>
        %max3A_343 = arith.maximumf %mul3A_340, %max3A_342 : vector<16xf32>
        %min3A_344 = arith.constant 1.025000e+03 : f32
        %min3A_345 = vector.broadcast %min3A_344 : f32 to vector<16xf32>
        %min3A_346 = arith.minimumf %max3A_343, %min3A_345 : vector<16xf32>
        %add3A_347 = arith.constant 0x4B400000 : f32
        %add3A_348 = vector.broadcast %add3A_347 : f32 to vector<16xf32>
        %add3A_349 = arith.addf %min3A_346, %add3A_348 : vector<16xf32>
        %sub3A_350 = arith.constant 0x4B400000 : f32
        %sub3A_351 = vector.broadcast %sub3A_350 : f32 to vector<16xf32>
        %sub3A_352 = arith.subf %add3A_349, %sub3A_351 : vector<16xf32>
        %max3A_353 = arith.constant 0.000000e+00 : f32
        %max3A_354 = vector.broadcast %max3A_353 : f32 to vector<16xf32>
        %max3A_355 = arith.maximumf %sub3A_352, %max3A_354 : vector<16xf32>
        %min3A_356 = arith.constant 1.023000e+03 : f32
        %min3A_357 = vector.broadcast %min3A_356 : f32 to vector<16xf32>
        %min3A_358 = arith.minimumf %max3A_355, %min3A_357 : vector<16xf32>
        %convert_element_type3A_359 = arith.fptosi %min3A_358 : vector<16xf32> to vector<16xi32>
        %get3A_360 = arith.index_cast %add3A_333 : i32 to index
        %get3A_361 = tpu.vector_load %arg16[%get3A_360] {strides = array<i32>} : memref<2048xf32, #tpu.memory_space<vmem>>, vector<16xf32>,
        %get3A_362 = vector.shape_cast %get3A_361 : vector<16xf32> to vector<16xf32>
        %sub3A_363 = arith.subf %get3A_362, %get3A_18 : vector<16xf32>
        %mul3A_364 = arith.constant 1.024000e+03 : f32
        %mul3A_365 = vector.broadcast %mul3A_364 : f32 to vector<16xf32>
        %mul3A_366 = arith.mulf %sub3A_363, %mul3A_365 : vector<16xf32>
        %max3A_367 = arith.constant -1.000000e+00 : f32
        %max3A_368 = vector.broadcast %max3A_367 : f32 to vector<16xf32>
        %max3A_369 = arith.maximumf %mul3A_366, %max3A_368 : vector<16xf32>
        %min3A_370 = arith.constant 1.025000e+03 : f32
        %min3A_371 = vector.broadcast %min3A_370 : f32 to vector<16xf32>
        %min3A_372 = arith.minimumf %max3A_369, %min3A_371 : vector<16xf32>
        %add3A_373 = arith.constant 0x4B400000 : f32
        %add3A_374 = vector.broadcast %add3A_373 : f32 to vector<16xf32>
        %add3A_375 = arith.addf %min3A_372, %add3A_374 : vector<16xf32>
        %sub3A_376 = arith.constant 0x4B400000 : f32
        %sub3A_377 = vector.broadcast %sub3A_376 : f32 to vector<16xf32>
        %sub3A_378 = arith.subf %add3A_375, %sub3A_377 : vector<16xf32>
        %max3A_379 = arith.constant 0.000000e+00 : f32
        %max3A_380 = vector.broadcast %max3A_379 : f32 to vector<16xf32>
        %max3A_381 = arith.maximumf %sub3A_378, %max3A_380 : vector<16xf32>
        %min3A_382 = arith.constant 1.023000e+03 : f32
        %min3A_383 = vector.broadcast %min3A_382 : f32 to vector<16xf32>
        %min3A_384 = arith.minimumf %max3A_381, %min3A_383 : vector<16xf32>
        %convert_element_type3A_385 = arith.fptosi %min3A_384 : vector<16xf32> to vector<16xi32>
        %shift_left3A_386 = arith.constant 10 : i32
        %shift_left3A_387 = vector.broadcast %shift_left3A_386 : i32 to vector<16xi32>
        %shift_left3A_388 = arith.shli %convert_element_type3A_359, %shift_left3A_387 : vector<16xi32>
        %or3A_389 = arith.ori %shift_left3A_388, %convert_element_type3A_385 : vector<16xi32>
        %get3A_390 = arith.index_cast %add3A_333 : i32 to index
        %get3A_391 = tpu.vector_load %arg17[%get3A_390] {strides = array<i32>} : memref<2048xi32, #tpu.memory_space<vmem>>, vector<16xi32>,
        %get3A_392 = vector.shape_cast %get3A_391 : vector<16xi32> to vector<16xi32>
        %eq3A_393 = vector.broadcast %arg0 : i32 to vector<16xi32>
        %eq3A_394 = arith.cmpi eq, %get3A_392, %eq3A_393 : vector<16xi32>
        %and3A_395 = arith.constant 2047 : i32
        %and3A_396 = vector.broadcast %and3A_395 : i32 to vector<16xi32>
        %and3A_397 = arith.andi %or3A_389, %and3A_396 : vector<16xi32>
        %add3A_398 = arith.constant 1048576 : i32
        %add3A_399 = vector.broadcast %add3A_398 : i32 to vector<16xi32>
        %add3A_400 = arith.addi %add3A_399, %and3A_397 : vector<16xi32>
        %select_n3A_401 = arith.select %eq3A_394, %or3A_389, %add3A_400 : vector<16xi1>, vector<16xi32>
        %swap3A_402 = arith.index_cast %add3A_333 : i32 to index
        %swap3A_403 = tpu.vector_load %arg18[%swap3A_402] {strides = array<i32>} : memref<2048xi32, #tpu.memory_space<vmem>>, vector<16xi32>,
        %swap3A_404 = vector.shape_cast %swap3A_403 : vector<16xi32> to vector<16xi32>
        %swap3A_405 = vector.shape_cast %select_n3A_401 : vector<16xi32> to vector<16xi32>
        tpu.vector_store %arg18[%swap3A_402], %swap3A_405 {strides = array<i32>} : memref<2048xi32, #tpu.memory_space<vmem>>, vector<16xi32>,
      }
      %scan3A_112 = arith.constant 32 : i32
      "tpu.region"() ({
        %run_scoped3A = tpu.sem_alloc : memref<!tpu.dma_semaphore, #tpu.memory_space<semaphore_mem>>
        %dma_start3A = arith.constant 0 : i32
        %dma_start3A_113 = tpu.memref_slice %arg14[%dma_start3A] : memref<1050624xf32, #tpu.memory_space<vmem_shared>> -> memref<1050624xf32, #tpu.memory_space<vmem_shared>>
        tpu.enqueue_indirect_dma source(%arg19 : memref<2048xf32, #tpu.memory_space<vmem>>) target(%dma_start3A_113 : memref<1050624xf32, #tpu.memory_space<vmem_shared>>) offsets(%arg18 : memref<2048xi32, #tpu.memory_space<vmem>>) semaphore(%run_scoped3A : memref<!tpu.dma_semaphore, #tpu.memory_space<semaphore_mem>>)
        %dma_wait3A = arith.constant 0 : i32
        %dma_wait3A_114 = tpu.memref_slice %arg14[%dma_wait3A] : memref<1050624xf32, #tpu.memory_space<vmem_shared>> -> memref<1050624xf32, #tpu.memory_space<vmem_shared>>
        tpu.wait_indirect_dma semaphore(%run_scoped3A : memref<!tpu.dma_semaphore, #tpu.memory_space<semaphore_mem>>) src(%arg19 : memref<2048xf32, #tpu.memory_space<vmem>>) dst(%dma_wait3A_114 : memref<1050624xf32, #tpu.memory_space<vmem_shared>>)
        tpu.yield
      }) : () -> ()
    }
    %scan3A_29 = arith.constant 16 : i32
    %scan3A_30 = arith.constant 0 : i32
    %scan3A_31 = arith.constant 0 : i32
    %scan3A_32 = arith.constant 16 : i32
    %scan3A_33 = arith.addi %scan3A_31, %scan3A_32 : i32
    %scan3A_34 = arith.constant 1 : i32
    scf.for %scan3A_98 = %scan3A_31 to %scan3A_33 step %scan3A_34  : i32 {
      %mul3A_99 = arith.constant 16 : i32
      %mul3A_100 = arith.muli %scan3A_98, %mul3A_99 : i32
      %add3A_101 = arith.addi %mul3A_100, %arg1 : i32
      %mul3A_102 = arith.constant 2048 : i32
      %mul3A_103 = arith.muli %add3A_101, %mul3A_102 : i32
      %min3A = arith.constant 497952 : i32
      %min3A_104 = arith.minsi %mul3A_103, %min3A : i32
      "tpu.region"() ({
        %run_scoped3A = tpu.sem_alloc : memref<!tpu.dma_semaphore, #tpu.memory_space<semaphore_mem>>
        %dma_start3A = tpu.memref_slice %arg5[%min3A_104] : memref<1000000xf32, #tpu.memory_space<hbm>> -> memref<2048xf32, #tpu.memory_space<hbm>>
        %dma_start3A_113 = tpu.memref_slice %arg5[%min3A_104] : memref<1000000xf32, #tpu.memory_space<hbm>> -> memref<2048xf32, #tpu.memory_space<hbm>>
        tpu.enqueue_dma source(%dma_start3A_113 : memref<2048xf32, #tpu.memory_space<hbm>>) target(%arg15 : memref<2048xf32, #tpu.memory_space<vmem>>) target_semaphore(%run_scoped3A : memref<!tpu.dma_semaphore, #tpu.memory_space<semaphore_mem>>)
        %dma_wait3A = tpu.memref_slice %arg5[%min3A_104] : memref<1000000xf32, #tpu.memory_space<hbm>> -> memref<2048xf32, #tpu.memory_space<hbm>>
        %dma_wait3A_114 = tpu.memref_slice %arg5[%min3A_104] : memref<1000000xf32, #tpu.memory_space<hbm>> -> memref<2048xf32, #tpu.memory_space<hbm>>
        tpu.wait_dma2 semaphore(%run_scoped3A : memref<!tpu.dma_semaphore, #tpu.memory_space<semaphore_mem>>) src(%dma_wait3A_114 : memref<2048xf32, #tpu.memory_space<hbm>>) dst(%arg15 : memref<2048xf32, #tpu.memory_space<vmem>>)
        tpu.yield
      }) : () -> ()
      %add3A_105 = arith.constant 500000 : i32
      %add3A_106 = arith.addi %add3A_105, %min3A_104 : i32
      "tpu.region"() ({
        %run_scoped3A = tpu.sem_alloc : memref<!tpu.dma_semaphore, #tpu.memory_space<semaphore_mem>>
        %dma_start3A = tpu.memref_slice %arg5[%add3A_106] : memref<1000000xf32, #tpu.memory_space<hbm>> -> memref<2048xf32, #tpu.memory_space<hbm>>
        %dma_start3A_113 = tpu.memref_slice %arg5[%add3A_106] : memref<1000000xf32, #tpu.memory_space<hbm>> -> memref<2048xf32, #tpu.memory_space<hbm>>
        tpu.enqueue_dma source(%dma_start3A_113 : memref<2048xf32, #tpu.memory_space<hbm>>) target(%arg16 : memref<2048xf32, #tpu.memory_space<vmem>>) target_semaphore(%run_scoped3A : memref<!tpu.dma_semaphore, #tpu.memory_space<semaphore_mem>>)
        %dma_wait3A = tpu.memref_slice %arg5[%add3A_106] : memref<1000000xf32, #tpu.memory_space<hbm>> -> memref<2048xf32, #tpu.memory_space<hbm>>
        %dma_wait3A_114 = tpu.memref_slice %arg5[%add3A_106] : memref<1000000xf32, #tpu.memory_space<hbm>> -> memref<2048xf32, #tpu.memory_space<hbm>>
        tpu.wait_dma2 semaphore(%run_scoped3A : memref<!tpu.dma_semaphore, #tpu.memory_space<semaphore_mem>>) src(%dma_wait3A_114 : memref<2048xf32, #tpu.memory_space<hbm>>) dst(%arg16 : memref<2048xf32, #tpu.memory_space<vmem>>)
        tpu.yield
      }) : () -> ()
      "tpu.region"() ({
        %run_scoped3A = tpu.sem_alloc : memref<!tpu.dma_semaphore, #tpu.memory_space<semaphore_mem>>
        %dma_start3A = tpu.memref_slice %arg6[%min3A_104] : memref<500000xi32, #tpu.memory_space<hbm>> -> memref<2048xi32, #tpu.memory_space<hbm>>
        %dma_start3A_113 = tpu.memref_slice %arg6[%min3A_104] : memref<500000xi32, #tpu.memory_space<hbm>> -> memref<2048xi32, #tpu.memory_space<hbm>>
        tpu.enqueue_dma source(%dma_start3A_113 : memref<2048xi32, #tpu.memory_space<hbm>>) target(%arg17 : memref<2048xi32, #tpu.memory_space<vmem>>) target_semaphore(%run_scoped3A : memref<!tpu.dma_semaphore, #tpu.memory_space<semaphore_mem>>)
        %dma_wait3A = tpu.memref_slice %arg6[%min3A_104] : memref<500000xi32, #tpu.memory_space<hbm>> -> memref<2048xi32, #tpu.memory_space<hbm>>
        %dma_wait3A_114 = tpu.memref_slice %arg6[%min3A_104] : memref<500000xi32, #tpu.memory_space<hbm>> -> memref<2048xi32, #tpu.memory_space<hbm>>
        tpu.wait_dma2 semaphore(%run_scoped3A : memref<!tpu.dma_semaphore, #tpu.memory_space<semaphore_mem>>) src(%dma_wait3A_114 : memref<2048xi32, #tpu.memory_space<hbm>>) dst(%arg17 : memref<2048xi32, #tpu.memory_space<vmem>>)
        tpu.yield
      }) : () -> ()
      %scan3A_107 = arith.constant 0 : i32
      %scan3A_108 = arith.constant 0 : i32
      %scan3A_109 = arith.constant 32 : i32
      %scan3A_110 = arith.addi %scan3A_108, %scan3A_109 : i32
      %scan3A_111 = arith.constant 1 : i32
      scf.for %scan3A_113 = %scan3A_108 to %scan3A_110 step %scan3A_111  : i32 {
        %mul3A_114 = arith.constant 64 : i32
        %mul3A_115 = arith.muli %scan3A_113, %mul3A_114 : i32
        %add3A_116 = arith.constant 0 : i32
        %add3A_117 = arith.addi %mul3A_115, %add3A_116 : i32
        %get3A_118 = arith.index_cast %add3A_117 : i32 to index
        %get3A_119 = tpu.vector_load %arg15[%get3A_118] {strides = array<i32>} : memref<2048xf32, #tpu.memory_space<vmem>>, vector<16xf32>,
        %get3A_120 = vector.shape_cast %get3A_119 : vector<16xf32> to vector<16xf32>
        %sub3A = arith.subf %get3A_120, %get3A_15 : vector<16xf32>
        %mul3A_121 = arith.constant 1.024000e+03 : f32
        %mul3A_122 = vector.broadcast %mul3A_121 : f32 to vector<16xf32>
        %mul3A_123 = arith.mulf %sub3A, %mul3A_122 : vector<16xf32>
        %max3A = arith.constant -1.000000e+00 : f32
        %max3A_124 = vector.broadcast %max3A : f32 to vector<16xf32>
        %max3A_125 = arith.maximumf %mul3A_123, %max3A_124 : vector<16xf32>
        %min3A_126 = arith.constant 1.025000e+03 : f32
        %min3A_127 = vector.broadcast %min3A_126 : f32 to vector<16xf32>
        %min3A_128 = arith.minimumf %max3A_125, %min3A_127 : vector<16xf32>
        %add3A_129 = arith.constant 0x4B400000 : f32
        %add3A_130 = vector.broadcast %add3A_129 : f32 to vector<16xf32>
        %add3A_131 = arith.addf %min3A_128, %add3A_130 : vector<16xf32>
        %sub3A_132 = arith.constant 0x4B400000 : f32
        %sub3A_133 = vector.broadcast %sub3A_132 : f32 to vector<16xf32>
        %sub3A_134 = arith.subf %add3A_131, %sub3A_133 : vector<16xf32>
        %max3A_135 = arith.constant 0.000000e+00 : f32
        %max3A_136 = vector.broadcast %max3A_135 : f32 to vector<16xf32>
        %max3A_137 = arith.maximumf %sub3A_134, %max3A_136 : vector<16xf32>
        %min3A_138 = arith.constant 1.023000e+03 : f32
        %min3A_139 = vector.broadcast %min3A_138 : f32 to vector<16xf32>
        %min3A_140 = arith.minimumf %max3A_137, %min3A_139 : vector<16xf32>
        %convert_element_type3A_141 = arith.fptosi %min3A_140 : vector<16xf32> to vector<16xi32>
        %get3A_142 = arith.index_cast %add3A_117 : i32 to index
        %get3A_143 = tpu.vector_load %arg16[%get3A_142] {strides = array<i32>} : memref<2048xf32, #tpu.memory_space<vmem>>, vector<16xf32>,
        %get3A_144 = vector.shape_cast %get3A_143 : vector<16xf32> to vector<16xf32>
        %sub3A_145 = arith.subf %get3A_144, %get3A_18 : vector<16xf32>
        %mul3A_146 = arith.constant 1.024000e+03 : f32
        %mul3A_147 = vector.broadcast %mul3A_146 : f32 to vector<16xf32>
        %mul3A_148 = arith.mulf %sub3A_145, %mul3A_147 : vector<16xf32>
        %max3A_149 = arith.constant -1.000000e+00 : f32
        %max3A_150 = vector.broadcast %max3A_149 : f32 to vector<16xf32>
        %max3A_151 = arith.maximumf %mul3A_148, %max3A_150 : vector<16xf32>
        %min3A_152 = arith.constant 1.025000e+03 : f32
        %min3A_153 = vector.broadcast %min3A_152 : f32 to vector<16xf32>
        %min3A_154 = arith.minimumf %max3A_151, %min3A_153 : vector<16xf32>
        %add3A_155 = arith.constant 0x4B400000 : f32
        %add3A_156 = vector.broadcast %add3A_155 : f32 to vector<16xf32>
        %add3A_157 = arith.addf %min3A_154, %add3A_156 : vector<16xf32>
        %sub3A_158 = arith.constant 0x4B400000 : f32
        %sub3A_159 = vector.broadcast %sub3A_158 : f32 to vector<16xf32>
        %sub3A_160 = arith.subf %add3A_157, %sub3A_159 : vector<16xf32>
        %max3A_161 = arith.constant 0.000000e+00 : f32
        %max3A_162 = vector.broadcast %max3A_161 : f32 to vector<16xf32>
        %max3A_163 = arith.maximumf %sub3A_160, %max3A_162 : vector<16xf32>
        %min3A_164 = arith.constant 1.023000e+03 : f32
        %min3A_165 = vector.broadcast %min3A_164 : f32 to vector<16xf32>
        %min3A_166 = arith.minimumf %max3A_163, %min3A_165 : vector<16xf32>
        %convert_element_type3A_167 = arith.fptosi %min3A_166 : vector<16xf32> to vector<16xi32>
        %shift_left3A = arith.constant 10 : i32
        %shift_left3A_168 = vector.broadcast %shift_left3A : i32 to vector<16xi32>
        %shift_left3A_169 = arith.shli %convert_element_type3A_141, %shift_left3A_168 : vector<16xi32>
        %or3A = arith.ori %shift_left3A_169, %convert_element_type3A_167 : vector<16xi32>
        %get3A_170 = arith.index_cast %add3A_117 : i32 to index
        %get3A_171 = tpu.vector_load %arg17[%get3A_170] {strides = array<i32>} : memref<2048xi32, #tpu.memory_space<vmem>>, vector<16xi32>,
        %get3A_172 = vector.shape_cast %get3A_171 : vector<16xi32> to vector<16xi32>
        %eq3A_173 = vector.broadcast %arg0 : i32 to vector<16xi32>
        %eq3A_174 = arith.cmpi eq, %get3A_172, %eq3A_173 : vector<16xi32>
        %and3A_175 = arith.constant 2047 : i32
        %and3A_176 = vector.broadcast %and3A_175 : i32 to vector<16xi32>
        %and3A_177 = arith.andi %or3A, %and3A_176 : vector<16xi32>
        %add3A_178 = arith.constant 1048576 : i32
        %add3A_179 = vector.broadcast %add3A_178 : i32 to vector<16xi32>
        %add3A_180 = arith.addi %add3A_179, %and3A_177 : vector<16xi32>
        %select_n3A = arith.select %eq3A_174, %or3A, %add3A_180 : vector<16xi1>, vector<16xi32>
        %swap3A = arith.index_cast %add3A_117 : i32 to index
        %swap3A_181 = tpu.vector_load %arg18[%swap3A] {strides = array<i32>} : memref<2048xi32, #tpu.memory_space<vmem>>, vector<16xi32>,
        %swap3A_182 = vector.shape_cast %swap3A_181 : vector<16xi32> to vector<16xi32>
        %swap3A_183 = vector.shape_cast %select_n3A : vector<16xi32> to vector<16xi32>
        tpu.vector_store %arg18[%swap3A], %swap3A_183 {strides = array<i32>} : memref<2048xi32, #tpu.memory_space<vmem>>, vector<16xi32>,
        %add3A_184 = arith.constant 16 : i32
        %add3A_185 = arith.addi %mul3A_115, %add3A_184 : i32
        %get3A_186 = arith.index_cast %add3A_185 : i32 to index
        %get3A_187 = tpu.vector_load %arg15[%get3A_186] {strides = array<i32>} : memref<2048xf32, #tpu.memory_space<vmem>>, vector<16xf32>,
        %get3A_188 = vector.shape_cast %get3A_187 : vector<16xf32> to vector<16xf32>
        %sub3A_189 = arith.subf %get3A_188, %get3A_15 : vector<16xf32>
        %mul3A_190 = arith.constant 1.024000e+03 : f32
        %mul3A_191 = vector.broadcast %mul3A_190 : f32 to vector<16xf32>
        %mul3A_192 = arith.mulf %sub3A_189, %mul3A_191 : vector<16xf32>
        %max3A_193 = arith.constant -1.000000e+00 : f32
        %max3A_194 = vector.broadcast %max3A_193 : f32 to vector<16xf32>
        %max3A_195 = arith.maximumf %mul3A_192, %max3A_194 : vector<16xf32>
        %min3A_196 = arith.constant 1.025000e+03 : f32
        %min3A_197 = vector.broadcast %min3A_196 : f32 to vector<16xf32>
        %min3A_198 = arith.minimumf %max3A_195, %min3A_197 : vector<16xf32>
        %add3A_199 = arith.constant 0x4B400000 : f32
        %add3A_200 = vector.broadcast %add3A_199 : f32 to vector<16xf32>
        %add3A_201 = arith.addf %min3A_198, %add3A_200 : vector<16xf32>
        %sub3A_202 = arith.constant 0x4B400000 : f32
        %sub3A_203 = vector.broadcast %sub3A_202 : f32 to vector<16xf32>
        %sub3A_204 = arith.subf %add3A_201, %sub3A_203 : vector<16xf32>
        %max3A_205 = arith.constant 0.000000e+00 : f32
        %max3A_206 = vector.broadcast %max3A_205 : f32 to vector<16xf32>
        %max3A_207 = arith.maximumf %sub3A_204, %max3A_206 : vector<16xf32>
        %min3A_208 = arith.constant 1.023000e+03 : f32
        %min3A_209 = vector.broadcast %min3A_208 : f32 to vector<16xf32>
        %min3A_210 = arith.minimumf %max3A_207, %min3A_209 : vector<16xf32>
        %convert_element_type3A_211 = arith.fptosi %min3A_210 : vector<16xf32> to vector<16xi32>
        %get3A_212 = arith.index_cast %add3A_185 : i32 to index
        %get3A_213 = tpu.vector_load %arg16[%get3A_212] {strides = array<i32>} : memref<2048xf32, #tpu.memory_space<vmem>>, vector<16xf32>,
        %get3A_214 = vector.shape_cast %get3A_213 : vector<16xf32> to vector<16xf32>
        %sub3A_215 = arith.subf %get3A_214, %get3A_18 : vector<16xf32>
        %mul3A_216 = arith.constant 1.024000e+03 : f32
        %mul3A_217 = vector.broadcast %mul3A_216 : f32 to vector<16xf32>
        %mul3A_218 = arith.mulf %sub3A_215, %mul3A_217 : vector<16xf32>
        %max3A_219 = arith.constant -1.000000e+00 : f32
        %max3A_220 = vector.broadcast %max3A_219 : f32 to vector<16xf32>
        %max3A_221 = arith.maximumf %mul3A_218, %max3A_220 : vector<16xf32>
        %min3A_222 = arith.constant 1.025000e+03 : f32
        %min3A_223 = vector.broadcast %min3A_222 : f32 to vector<16xf32>
        %min3A_224 = arith.minimumf %max3A_221, %min3A_223 : vector<16xf32>
        %add3A_225 = arith.constant 0x4B400000 : f32
        %add3A_226 = vector.broadcast %add3A_225 : f32 to vector<16xf32>
        %add3A_227 = arith.addf %min3A_224, %add3A_226 : vector<16xf32>
        %sub3A_228 = arith.constant 0x4B400000 : f32
        %sub3A_229 = vector.broadcast %sub3A_228 : f32 to vector<16xf32>
        %sub3A_230 = arith.subf %add3A_227, %sub3A_229 : vector<16xf32>
        %max3A_231 = arith.constant 0.000000e+00 : f32
        %max3A_232 = vector.broadcast %max3A_231 : f32 to vector<16xf32>
        %max3A_233 = arith.maximumf %sub3A_230, %max3A_232 : vector<16xf32>
        %min3A_234 = arith.constant 1.023000e+03 : f32
        %min3A_235 = vector.broadcast %min3A_234 : f32 to vector<16xf32>
        %min3A_236 = arith.minimumf %max3A_233, %min3A_235 : vector<16xf32>
        %convert_element_type3A_237 = arith.fptosi %min3A_236 : vector<16xf32> to vector<16xi32>
        %shift_left3A_238 = arith.constant 10 : i32
        %shift_left3A_239 = vector.broadcast %shift_left3A_238 : i32 to vector<16xi32>
        %shift_left3A_240 = arith.shli %convert_element_type3A_211, %shift_left3A_239 : vector<16xi32>
        %or3A_241 = arith.ori %shift_left3A_240, %convert_element_type3A_237 : vector<16xi32>
        %get3A_242 = arith.index_cast %add3A_185 : i32 to index
        %get3A_243 = tpu.vector_load %arg17[%get3A_242] {strides = array<i32>} : memref<2048xi32, #tpu.memory_space<vmem>>, vector<16xi32>,
        %get3A_244 = vector.shape_cast %get3A_243 : vector<16xi32> to vector<16xi32>
        %eq3A_245 = vector.broadcast %arg0 : i32 to vector<16xi32>
        %eq3A_246 = arith.cmpi eq, %get3A_244, %eq3A_245 : vector<16xi32>
        %and3A_247 = arith.constant 2047 : i32
        %and3A_248 = vector.broadcast %and3A_247 : i32 to vector<16xi32>
        %and3A_249 = arith.andi %or3A_241, %and3A_248 : vector<16xi32>
        %add3A_250 = arith.constant 1048576 : i32
        %add3A_251 = vector.broadcast %add3A_250 : i32 to vector<16xi32>
        %add3A_252 = arith.addi %add3A_251, %and3A_249 : vector<16xi32>
        %select_n3A_253 = arith.select %eq3A_246, %or3A_241, %add3A_252 : vector<16xi1>, vector<16xi32>
        %swap3A_254 = arith.index_cast %add3A_185 : i32 to index
        %swap3A_255 = tpu.vector_load %arg18[%swap3A_254] {strides = array<i32>} : memref<2048xi32, #tpu.memory_space<vmem>>, vector<16xi32>,
        %swap3A_256 = vector.shape_cast %swap3A_255 : vector<16xi32> to vector<16xi32>
        %swap3A_257 = vector.shape_cast %select_n3A_253 : vector<16xi32> to vector<16xi32>
        tpu.vector_store %arg18[%swap3A_254], %swap3A_257 {strides = array<i32>} : memref<2048xi32, #tpu.memory_space<vmem>>, vector<16xi32>,
        %add3A_258 = arith.constant 32 : i32
        %add3A_259 = arith.addi %mul3A_115, %add3A_258 : i32
        %get3A_260 = arith.index_cast %add3A_259 : i32 to index
        %get3A_261 = tpu.vector_load %arg15[%get3A_260] {strides = array<i32>} : memref<2048xf32, #tpu.memory_space<vmem>>, vector<16xf32>,
        %get3A_262 = vector.shape_cast %get3A_261 : vector<16xf32> to vector<16xf32>
        %sub3A_263 = arith.subf %get3A_262, %get3A_15 : vector<16xf32>
        %mul3A_264 = arith.constant 1.024000e+03 : f32
        %mul3A_265 = vector.broadcast %mul3A_264 : f32 to vector<16xf32>
        %mul3A_266 = arith.mulf %sub3A_263, %mul3A_265 : vector<16xf32>
        %max3A_267 = arith.constant -1.000000e+00 : f32
        %max3A_268 = vector.broadcast %max3A_267 : f32 to vector<16xf32>
        %max3A_269 = arith.maximumf %mul3A_266, %max3A_268 : vector<16xf32>
        %min3A_270 = arith.constant 1.025000e+03 : f32
        %min3A_271 = vector.broadcast %min3A_270 : f32 to vector<16xf32>
        %min3A_272 = arith.minimumf %max3A_269, %min3A_271 : vector<16xf32>
        %add3A_273 = arith.constant 0x4B400000 : f32
        %add3A_274 = vector.broadcast %add3A_273 : f32 to vector<16xf32>
        %add3A_275 = arith.addf %min3A_272, %add3A_274 : vector<16xf32>
        %sub3A_276 = arith.constant 0x4B400000 : f32
        %sub3A_277 = vector.broadcast %sub3A_276 : f32 to vector<16xf32>
        %sub3A_278 = arith.subf %add3A_275, %sub3A_277 : vector<16xf32>
        %max3A_279 = arith.constant 0.000000e+00 : f32
        %max3A_280 = vector.broadcast %max3A_279 : f32 to vector<16xf32>
        %max3A_281 = arith.maximumf %sub3A_278, %max3A_280 : vector<16xf32>
        %min3A_282 = arith.constant 1.023000e+03 : f32
        %min3A_283 = vector.broadcast %min3A_282 : f32 to vector<16xf32>
        %min3A_284 = arith.minimumf %max3A_281, %min3A_283 : vector<16xf32>
        %convert_element_type3A_285 = arith.fptosi %min3A_284 : vector<16xf32> to vector<16xi32>
        %get3A_286 = arith.index_cast %add3A_259 : i32 to index
        %get3A_287 = tpu.vector_load %arg16[%get3A_286] {strides = array<i32>} : memref<2048xf32, #tpu.memory_space<vmem>>, vector<16xf32>,
        %get3A_288 = vector.shape_cast %get3A_287 : vector<16xf32> to vector<16xf32>
        %sub3A_289 = arith.subf %get3A_288, %get3A_18 : vector<16xf32>
        %mul3A_290 = arith.constant 1.024000e+03 : f32
        %mul3A_291 = vector.broadcast %mul3A_290 : f32 to vector<16xf32>
        %mul3A_292 = arith.mulf %sub3A_289, %mul3A_291 : vector<16xf32>
        %max3A_293 = arith.constant -1.000000e+00 : f32
        %max3A_294 = vector.broadcast %max3A_293 : f32 to vector<16xf32>
        %max3A_295 = arith.maximumf %mul3A_292, %max3A_294 : vector<16xf32>
        %min3A_296 = arith.constant 1.025000e+03 : f32
        %min3A_297 = vector.broadcast %min3A_296 : f32 to vector<16xf32>
        %min3A_298 = arith.minimumf %max3A_295, %min3A_297 : vector<16xf32>
        %add3A_299 = arith.constant 0x4B400000 : f32
        %add3A_300 = vector.broadcast %add3A_299 : f32 to vector<16xf32>
        %add3A_301 = arith.addf %min3A_298, %add3A_300 : vector<16xf32>
        %sub3A_302 = arith.constant 0x4B400000 : f32
        %sub3A_303 = vector.broadcast %sub3A_302 : f32 to vector<16xf32>
        %sub3A_304 = arith.subf %add3A_301, %sub3A_303 : vector<16xf32>
        %max3A_305 = arith.constant 0.000000e+00 : f32
        %max3A_306 = vector.broadcast %max3A_305 : f32 to vector<16xf32>
        %max3A_307 = arith.maximumf %sub3A_304, %max3A_306 : vector<16xf32>
        %min3A_308 = arith.constant 1.023000e+03 : f32
        %min3A_309 = vector.broadcast %min3A_308 : f32 to vector<16xf32>
        %min3A_310 = arith.minimumf %max3A_307, %min3A_309 : vector<16xf32>
        %convert_element_type3A_311 = arith.fptosi %min3A_310 : vector<16xf32> to vector<16xi32>
        %shift_left3A_312 = arith.constant 10 : i32
        %shift_left3A_313 = vector.broadcast %shift_left3A_312 : i32 to vector<16xi32>
        %shift_left3A_314 = arith.shli %convert_element_type3A_285, %shift_left3A_313 : vector<16xi32>
        %or3A_315 = arith.ori %shift_left3A_314, %convert_element_type3A_311 : vector<16xi32>
        %get3A_316 = arith.index_cast %add3A_259 : i32 to index
        %get3A_317 = tpu.vector_load %arg17[%get3A_316] {strides = array<i32>} : memref<2048xi32, #tpu.memory_space<vmem>>, vector<16xi32>,
        %get3A_318 = vector.shape_cast %get3A_317 : vector<16xi32> to vector<16xi32>
        %eq3A_319 = vector.broadcast %arg0 : i32 to vector<16xi32>
        %eq3A_320 = arith.cmpi eq, %get3A_318, %eq3A_319 : vector<16xi32>
        %and3A_321 = arith.constant 2047 : i32
        %and3A_322 = vector.broadcast %and3A_321 : i32 to vector<16xi32>
        %and3A_323 = arith.andi %or3A_315, %and3A_322 : vector<16xi32>
        %add3A_324 = arith.constant 1048576 : i32
        %add3A_325 = vector.broadcast %add3A_324 : i32 to vector<16xi32>
        %add3A_326 = arith.addi %add3A_325, %and3A_323 : vector<16xi32>
        %select_n3A_327 = arith.select %eq3A_320, %or3A_315, %add3A_326 : vector<16xi1>, vector<16xi32>
        %swap3A_328 = arith.index_cast %add3A_259 : i32 to index
        %swap3A_329 = tpu.vector_load %arg18[%swap3A_328] {strides = array<i32>} : memref<2048xi32, #tpu.memory_space<vmem>>, vector<16xi32>,
        %swap3A_330 = vector.shape_cast %swap3A_329 : vector<16xi32> to vector<16xi32>
        %swap3A_331 = vector.shape_cast %select_n3A_327 : vector<16xi32> to vector<16xi32>
        tpu.vector_store %arg18[%swap3A_328], %swap3A_331 {strides = array<i32>} : memref<2048xi32, #tpu.memory_space<vmem>>, vector<16xi32>,
        %add3A_332 = arith.constant 48 : i32
        %add3A_333 = arith.addi %mul3A_115, %add3A_332 : i32
        %get3A_334 = arith.index_cast %add3A_333 : i32 to index
        %get3A_335 = tpu.vector_load %arg15[%get3A_334] {strides = array<i32>} : memref<2048xf32, #tpu.memory_space<vmem>>, vector<16xf32>,
        %get3A_336 = vector.shape_cast %get3A_335 : vector<16xf32> to vector<16xf32>
        %sub3A_337 = arith.subf %get3A_336, %get3A_15 : vector<16xf32>
        %mul3A_338 = arith.constant 1.024000e+03 : f32
        %mul3A_339 = vector.broadcast %mul3A_338 : f32 to vector<16xf32>
        %mul3A_340 = arith.mulf %sub3A_337, %mul3A_339 : vector<16xf32>
        %max3A_341 = arith.constant -1.000000e+00 : f32
        %max3A_342 = vector.broadcast %max3A_341 : f32 to vector<16xf32>
        %max3A_343 = arith.maximumf %mul3A_340, %max3A_342 : vector<16xf32>
        %min3A_344 = arith.constant 1.025000e+03 : f32
        %min3A_345 = vector.broadcast %min3A_344 : f32 to vector<16xf32>
        %min3A_346 = arith.minimumf %max3A_343, %min3A_345 : vector<16xf32>
        %add3A_347 = arith.constant 0x4B400000 : f32
        %add3A_348 = vector.broadcast %add3A_347 : f32 to vector<16xf32>
        %add3A_349 = arith.addf %min3A_346, %add3A_348 : vector<16xf32>
        %sub3A_350 = arith.constant 0x4B400000 : f32
        %sub3A_351 = vector.broadcast %sub3A_350 : f32 to vector<16xf32>
        %sub3A_352 = arith.subf %add3A_349, %sub3A_351 : vector<16xf32>
        %max3A_353 = arith.constant 0.000000e+00 : f32
        %max3A_354 = vector.broadcast %max3A_353 : f32 to vector<16xf32>
        %max3A_355 = arith.maximumf %sub3A_352, %max3A_354 : vector<16xf32>
        %min3A_356 = arith.constant 1.023000e+03 : f32
        %min3A_357 = vector.broadcast %min3A_356 : f32 to vector<16xf32>
        %min3A_358 = arith.minimumf %max3A_355, %min3A_357 : vector<16xf32>
        %convert_element_type3A_359 = arith.fptosi %min3A_358 : vector<16xf32> to vector<16xi32>
        %get3A_360 = arith.index_cast %add3A_333 : i32 to index
        %get3A_361 = tpu.vector_load %arg16[%get3A_360] {strides = array<i32>} : memref<2048xf32, #tpu.memory_space<vmem>>, vector<16xf32>,
        %get3A_362 = vector.shape_cast %get3A_361 : vector<16xf32> to vector<16xf32>
        %sub3A_363 = arith.subf %get3A_362, %get3A_18 : vector<16xf32>
        %mul3A_364 = arith.constant 1.024000e+03 : f32
        %mul3A_365 = vector.broadcast %mul3A_364 : f32 to vector<16xf32>
        %mul3A_366 = arith.mulf %sub3A_363, %mul3A_365 : vector<16xf32>
        %max3A_367 = arith.constant -1.000000e+00 : f32
        %max3A_368 = vector.broadcast %max3A_367 : f32 to vector<16xf32>
        %max3A_369 = arith.maximumf %mul3A_366, %max3A_368 : vector<16xf32>
        %min3A_370 = arith.constant 1.025000e+03 : f32
        %min3A_371 = vector.broadcast %min3A_370 : f32 to vector<16xf32>
        %min3A_372 = arith.minimumf %max3A_369, %min3A_371 : vector<16xf32>
        %add3A_373 = arith.constant 0x4B400000 : f32
        %add3A_374 = vector.broadcast %add3A_373 : f32 to vector<16xf32>
        %add3A_375 = arith.addf %min3A_372, %add3A_374 : vector<16xf32>
        %sub3A_376 = arith.constant 0x4B400000 : f32
        %sub3A_377 = vector.broadcast %sub3A_376 : f32 to vector<16xf32>
        %sub3A_378 = arith.subf %add3A_375, %sub3A_377 : vector<16xf32>
        %max3A_379 = arith.constant 0.000000e+00 : f32
        %max3A_380 = vector.broadcast %max3A_379 : f32 to vector<16xf32>
        %max3A_381 = arith.maximumf %sub3A_378, %max3A_380 : vector<16xf32>
        %min3A_382 = arith.constant 1.023000e+03 : f32
        %min3A_383 = vector.broadcast %min3A_382 : f32 to vector<16xf32>
        %min3A_384 = arith.minimumf %max3A_381, %min3A_383 : vector<16xf32>
        %convert_element_type3A_385 = arith.fptosi %min3A_384 : vector<16xf32> to vector<16xi32>
        %shift_left3A_386 = arith.constant 10 : i32
        %shift_left3A_387 = vector.broadcast %shift_left3A_386 : i32 to vector<16xi32>
        %shift_left3A_388 = arith.shli %convert_element_type3A_359, %shift_left3A_387 : vector<16xi32>
        %or3A_389 = arith.ori %shift_left3A_388, %convert_element_type3A_385 : vector<16xi32>
        %get3A_390 = arith.index_cast %add3A_333 : i32 to index
        %get3A_391 = tpu.vector_load %arg17[%get3A_390] {strides = array<i32>} : memref<2048xi32, #tpu.memory_space<vmem>>, vector<16xi32>,
        %get3A_392 = vector.shape_cast %get3A_391 : vector<16xi32> to vector<16xi32>
        %eq3A_393 = vector.broadcast %arg0 : i32 to vector<16xi32>
        %eq3A_394 = arith.cmpi eq, %get3A_392, %eq3A_393 : vector<16xi32>
        %and3A_395 = arith.constant 2047 : i32
        %and3A_396 = vector.broadcast %and3A_395 : i32 to vector<16xi32>
        %and3A_397 = arith.andi %or3A_389, %and3A_396 : vector<16xi32>
        %add3A_398 = arith.constant 1048576 : i32
        %add3A_399 = vector.broadcast %add3A_398 : i32 to vector<16xi32>
        %add3A_400 = arith.addi %add3A_399, %and3A_397 : vector<16xi32>
        %select_n3A_401 = arith.select %eq3A_394, %or3A_389, %add3A_400 : vector<16xi1>, vector<16xi32>
        %swap3A_402 = arith.index_cast %add3A_333 : i32 to index
        %swap3A_403 = tpu.vector_load %arg18[%swap3A_402] {strides = array<i32>} : memref<2048xi32, #tpu.memory_space<vmem>>, vector<16xi32>,
        %swap3A_404 = vector.shape_cast %swap3A_403 : vector<16xi32> to vector<16xi32>
        %swap3A_405 = vector.shape_cast %select_n3A_401 : vector<16xi32> to vector<16xi32>
        tpu.vector_store %arg18[%swap3A_402], %swap3A_405 {strides = array<i32>} : memref<2048xi32, #tpu.memory_space<vmem>>, vector<16xi32>,
      }
      %scan3A_112 = arith.constant 32 : i32
      "tpu.region"() ({
        %run_scoped3A = tpu.sem_alloc : memref<!tpu.dma_semaphore, #tpu.memory_space<semaphore_mem>>
        %dma_start3A = arith.constant 0 : i32
        %dma_start3A_113 = tpu.memref_slice %arg14[%dma_start3A] : memref<1050624xf32, #tpu.memory_space<vmem_shared>> -> memref<1050624xf32, #tpu.memory_space<vmem_shared>>
        tpu.enqueue_indirect_dma source(%arg19 : memref<2048xf32, #tpu.memory_space<vmem>>) target(%dma_start3A_113 : memref<1050624xf32, #tpu.memory_space<vmem_shared>>) offsets(%arg18 : memref<2048xi32, #tpu.memory_space<vmem>>) semaphore(%run_scoped3A : memref<!tpu.dma_semaphore, #tpu.memory_space<semaphore_mem>>)
        %dma_wait3A = arith.constant 0 : i32
        %dma_wait3A_114 = tpu.memref_slice %arg14[%dma_wait3A] : memref<1050624xf32, #tpu.memory_space<vmem_shared>> -> memref<1050624xf32, #tpu.memory_space<vmem_shared>>
        tpu.wait_indirect_dma semaphore(%run_scoped3A : memref<!tpu.dma_semaphore, #tpu.memory_space<semaphore_mem>>) src(%arg19 : memref<2048xf32, #tpu.memory_space<vmem>>) dst(%dma_wait3A_114 : memref<1050624xf32, #tpu.memory_space<vmem_shared>>)
        tpu.yield
      }) : () -> ()
    }
    %scan3A_35 = arith.constant 16 : i32
    %eq3A = arith.constant 0 : i32
    %eq3A_36 = arith.cmpi eq, %arg0, %eq3A : i32
    %convert_element_type3A = arith.extui %eq3A_36 : i1 to i32
    %cond3A = arith.constant 0 : i32
    %cond3A_37 = arith.cmpi ne, %convert_element_type3A, %cond3A : i32
    scf.if %cond3A_37 {
      %scan3A_98 = arith.constant 0 : i32
      %scan3A_99 = arith.constant 0 : i32
      %scan3A_100 = arith.constant 4 : i32
      %scan3A_101 = arith.addi %scan3A_99, %scan3A_100 : i32
      %scan3A_102 = arith.constant 1 : i32
      scf.for %scan3A_104 = %scan3A_99 to %scan3A_101 step %scan3A_102  : i32 {
        %mul3A_105 = arith.constant 16 : i32
        %mul3A_106 = arith.muli %scan3A_104, %mul3A_105 : i32
        %add3A_107 = arith.addi %mul3A_106, %arg1 : i32
        %mul3A_108 = arith.constant 2048 : i32
        %mul3A_109 = arith.muli %add3A_107, %mul3A_108 : i32
        %min3A = arith.constant 97952 : i32
        %min3A_110 = arith.minsi %mul3A_109, %min3A : i32
        "tpu.region"() ({
          %run_scoped3A = tpu.sem_alloc : memref<!tpu.dma_semaphore, #tpu.memory_space<semaphore_mem>>
          %dma_start3A = tpu.memref_slice %arg7[%min3A_110] : memref<200000xf32, #tpu.memory_space<hbm>> -> memref<2048xf32, #tpu.memory_space<hbm>>
          %dma_start3A_119 = tpu.memref_slice %arg7[%min3A_110] : memref<200000xf32, #tpu.memory_space<hbm>> -> memref<2048xf32, #tpu.memory_space<hbm>>
          tpu.enqueue_dma source(%dma_start3A_119 : memref<2048xf32, #tpu.memory_space<hbm>>) target(%arg15 : memref<2048xf32, #tpu.memory_space<vmem>>) target_semaphore(%run_scoped3A : memref<!tpu.dma_semaphore, #tpu.memory_space<semaphore_mem>>)
          %dma_wait3A = tpu.memref_slice %arg7[%min3A_110] : memref<200000xf32, #tpu.memory_space<hbm>> -> memref<2048xf32, #tpu.memory_space<hbm>>
          %dma_wait3A_120 = tpu.memref_slice %arg7[%min3A_110] : memref<200000xf32, #tpu.memory_space<hbm>> -> memref<2048xf32, #tpu.memory_space<hbm>>
          tpu.wait_dma2 semaphore(%run_scoped3A : memref<!tpu.dma_semaphore, #tpu.memory_space<semaphore_mem>>) src(%dma_wait3A_120 : memref<2048xf32, #tpu.memory_space<hbm>>) dst(%arg15 : memref<2048xf32, #tpu.memory_space<vmem>>)
          tpu.yield
        }) : () -> ()
        %add3A_111 = arith.constant 100000 : i32
        %add3A_112 = arith.addi %add3A_111, %min3A_110 : i32
        "tpu.region"() ({
          %run_scoped3A = tpu.sem_alloc : memref<!tpu.dma_semaphore, #tpu.memory_space<semaphore_mem>>
          %dma_start3A = tpu.memref_slice %arg7[%add3A_112] : memref<200000xf32, #tpu.memory_space<hbm>> -> memref<2048xf32, #tpu.memory_space<hbm>>
          %dma_start3A_119 = tpu.memref_slice %arg7[%add3A_112] : memref<200000xf32, #tpu.memory_space<hbm>> -> memref<2048xf32, #tpu.memory_space<hbm>>
          tpu.enqueue_dma source(%dma_start3A_119 : memref<2048xf32, #tpu.memory_space<hbm>>) target(%arg16 : memref<2048xf32, #tpu.memory_space<vmem>>) target_semaphore(%run_scoped3A : memref<!tpu.dma_semaphore, #tpu.memory_space<semaphore_mem>>)
          %dma_wait3A = tpu.memref_slice %arg7[%add3A_112] : memref<200000xf32, #tpu.memory_space<hbm>> -> memref<2048xf32, #tpu.memory_space<hbm>>
          %dma_wait3A_120 = tpu.memref_slice %arg7[%add3A_112] : memref<200000xf32, #tpu.memory_space<hbm>> -> memref<2048xf32, #tpu.memory_space<hbm>>
          tpu.wait_dma2 semaphore(%run_scoped3A : memref<!tpu.dma_semaphore, #tpu.memory_space<semaphore_mem>>) src(%dma_wait3A_120 : memref<2048xf32, #tpu.memory_space<hbm>>) dst(%arg16 : memref<2048xf32, #tpu.memory_space<vmem>>)
          tpu.yield
        }) : () -> ()
        %scan3A_113 = arith.constant 0 : i32
        %scan3A_114 = arith.constant 0 : i32
        %scan3A_115 = arith.constant 32 : i32
        %scan3A_116 = arith.addi %scan3A_114, %scan3A_115 : i32
        %scan3A_117 = arith.constant 1 : i32
        scf.for %scan3A_119 = %scan3A_114 to %scan3A_116 step %scan3A_117  : i32 {
          %mul3A_120 = arith.constant 64 : i32
          %mul3A_121 = arith.muli %scan3A_119, %mul3A_120 : i32
          %add3A_122 = arith.constant 0 : i32
          %add3A_123 = arith.addi %mul3A_121, %add3A_122 : i32
          %get3A_124 = arith.index_cast %add3A_123 : i32 to index
          %get3A_125 = tpu.vector_load %arg15[%get3A_124] {strides = array<i32>} : memref<2048xf32, #tpu.memory_space<vmem>>, vector<16xf32>,
          %get3A_126 = vector.shape_cast %get3A_125 : vector<16xf32> to vector<16xf32>
          %sub3A = arith.subf %get3A_126, %get3A_15 : vector<16xf32>
          %mul3A_127 = arith.constant 1.024000e+03 : f32
          %mul3A_128 = vector.broadcast %mul3A_127 : f32 to vector<16xf32>
          %mul3A_129 = arith.mulf %sub3A, %mul3A_128 : vector<16xf32>
          %max3A = arith.constant -1.000000e+00 : f32
          %max3A_130 = vector.broadcast %max3A : f32 to vector<16xf32>
          %max3A_131 = arith.maximumf %mul3A_129, %max3A_130 : vector<16xf32>
          %min3A_132 = arith.constant 1.025000e+03 : f32
          %min3A_133 = vector.broadcast %min3A_132 : f32 to vector<16xf32>
          %min3A_134 = arith.minimumf %max3A_131, %min3A_133 : vector<16xf32>
          %add3A_135 = arith.constant 0x4B400000 : f32
          %add3A_136 = vector.broadcast %add3A_135 : f32 to vector<16xf32>
          %add3A_137 = arith.addf %min3A_134, %add3A_136 : vector<16xf32>
          %sub3A_138 = arith.constant 0x4B400000 : f32
          %sub3A_139 = vector.broadcast %sub3A_138 : f32 to vector<16xf32>
          %sub3A_140 = arith.subf %add3A_137, %sub3A_139 : vector<16xf32>
          %max3A_141 = arith.constant 0.000000e+00 : f32
          %max3A_142 = vector.broadcast %max3A_141 : f32 to vector<16xf32>
          %max3A_143 = arith.maximumf %sub3A_140, %max3A_142 : vector<16xf32>
          %min3A_144 = arith.constant 1.023000e+03 : f32
          %min3A_145 = vector.broadcast %min3A_144 : f32 to vector<16xf32>
          %min3A_146 = arith.minimumf %max3A_143, %min3A_145 : vector<16xf32>
          %convert_element_type3A_147 = arith.fptosi %min3A_146 : vector<16xf32> to vector<16xi32>
          %get3A_148 = arith.index_cast %add3A_123 : i32 to index
          %get3A_149 = tpu.vector_load %arg16[%get3A_148] {strides = array<i32>} : memref<2048xf32, #tpu.memory_space<vmem>>, vector<16xf32>,
          %get3A_150 = vector.shape_cast %get3A_149 : vector<16xf32> to vector<16xf32>
          %sub3A_151 = arith.subf %get3A_150, %get3A_18 : vector<16xf32>
          %mul3A_152 = arith.constant 1.024000e+03 : f32
          %mul3A_153 = vector.broadcast %mul3A_152 : f32 to vector<16xf32>
          %mul3A_154 = arith.mulf %sub3A_151, %mul3A_153 : vector<16xf32>
          %max3A_155 = arith.constant -1.000000e+00 : f32
          %max3A_156 = vector.broadcast %max3A_155 : f32 to vector<16xf32>
          %max3A_157 = arith.maximumf %mul3A_154, %max3A_156 : vector<16xf32>
          %min3A_158 = arith.constant 1.025000e+03 : f32
          %min3A_159 = vector.broadcast %min3A_158 : f32 to vector<16xf32>
          %min3A_160 = arith.minimumf %max3A_157, %min3A_159 : vector<16xf32>
          %add3A_161 = arith.constant 0x4B400000 : f32
          %add3A_162 = vector.broadcast %add3A_161 : f32 to vector<16xf32>
          %add3A_163 = arith.addf %min3A_160, %add3A_162 : vector<16xf32>
          %sub3A_164 = arith.constant 0x4B400000 : f32
          %sub3A_165 = vector.broadcast %sub3A_164 : f32 to vector<16xf32>
          %sub3A_166 = arith.subf %add3A_163, %sub3A_165 : vector<16xf32>
          %max3A_167 = arith.constant 0.000000e+00 : f32
          %max3A_168 = vector.broadcast %max3A_167 : f32 to vector<16xf32>
          %max3A_169 = arith.maximumf %sub3A_166, %max3A_168 : vector<16xf32>
          %min3A_170 = arith.constant 1.023000e+03 : f32
          %min3A_171 = vector.broadcast %min3A_170 : f32 to vector<16xf32>
          %min3A_172 = arith.minimumf %max3A_169, %min3A_171 : vector<16xf32>
          %convert_element_type3A_173 = arith.fptosi %min3A_172 : vector<16xf32> to vector<16xi32>
          %shift_left3A = arith.constant 10 : i32
          %shift_left3A_174 = vector.broadcast %shift_left3A : i32 to vector<16xi32>
          %shift_left3A_175 = arith.shli %convert_element_type3A_147, %shift_left3A_174 : vector<16xi32>
          %or3A = arith.ori %shift_left3A_175, %convert_element_type3A_173 : vector<16xi32>
          %swap3A = arith.index_cast %add3A_123 : i32 to index
          %swap3A_176 = tpu.vector_load %arg18[%swap3A] {strides = array<i32>} : memref<2048xi32, #tpu.memory_space<vmem>>, vector<16xi32>,
          %swap3A_177 = vector.shape_cast %swap3A_176 : vector<16xi32> to vector<16xi32>
          %swap3A_178 = vector.shape_cast %or3A : vector<16xi32> to vector<16xi32>
          tpu.vector_store %arg18[%swap3A], %swap3A_178 {strides = array<i32>} : memref<2048xi32, #tpu.memory_space<vmem>>, vector<16xi32>,
          %add3A_179 = arith.constant 16 : i32
          %add3A_180 = arith.addi %mul3A_121, %add3A_179 : i32
          %get3A_181 = arith.index_cast %add3A_180 : i32 to index
          %get3A_182 = tpu.vector_load %arg15[%get3A_181] {strides = array<i32>} : memref<2048xf32, #tpu.memory_space<vmem>>, vector<16xf32>,
          %get3A_183 = vector.shape_cast %get3A_182 : vector<16xf32> to vector<16xf32>
          %sub3A_184 = arith.subf %get3A_183, %get3A_15 : vector<16xf32>
          %mul3A_185 = arith.constant 1.024000e+03 : f32
          %mul3A_186 = vector.broadcast %mul3A_185 : f32 to vector<16xf32>
          %mul3A_187 = arith.mulf %sub3A_184, %mul3A_186 : vector<16xf32>
          %max3A_188 = arith.constant -1.000000e+00 : f32
          %max3A_189 = vector.broadcast %max3A_188 : f32 to vector<16xf32>
          %max3A_190 = arith.maximumf %mul3A_187, %max3A_189 : vector<16xf32>
          %min3A_191 = arith.constant 1.025000e+03 : f32
          %min3A_192 = vector.broadcast %min3A_191 : f32 to vector<16xf32>
          %min3A_193 = arith.minimumf %max3A_190, %min3A_192 : vector<16xf32>
          %add3A_194 = arith.constant 0x4B400000 : f32
          %add3A_195 = vector.broadcast %add3A_194 : f32 to vector<16xf32>
          %add3A_196 = arith.addf %min3A_193, %add3A_195 : vector<16xf32>
          %sub3A_197 = arith.constant 0x4B400000 : f32
          %sub3A_198 = vector.broadcast %sub3A_197 : f32 to vector<16xf32>
          %sub3A_199 = arith.subf %add3A_196, %sub3A_198 : vector<16xf32>
          %max3A_200 = arith.constant 0.000000e+00 : f32
          %max3A_201 = vector.broadcast %max3A_200 : f32 to vector<16xf32>
          %max3A_202 = arith.maximumf %sub3A_199, %max3A_201 : vector<16xf32>
          %min3A_203 = arith.constant 1.023000e+03 : f32
          %min3A_204 = vector.broadcast %min3A_203 : f32 to vector<16xf32>
          %min3A_205 = arith.minimumf %max3A_202, %min3A_204 : vector<16xf32>
          %convert_element_type3A_206 = arith.fptosi %min3A_205 : vector<16xf32> to vector<16xi32>
          %get3A_207 = arith.index_cast %add3A_180 : i32 to index
          %get3A_208 = tpu.vector_load %arg16[%get3A_207] {strides = array<i32>} : memref<2048xf32, #tpu.memory_space<vmem>>, vector<16xf32>,
          %get3A_209 = vector.shape_cast %get3A_208 : vector<16xf32> to vector<16xf32>
          %sub3A_210 = arith.subf %get3A_209, %get3A_18 : vector<16xf32>
          %mul3A_211 = arith.constant 1.024000e+03 : f32
          %mul3A_212 = vector.broadcast %mul3A_211 : f32 to vector<16xf32>
          %mul3A_213 = arith.mulf %sub3A_210, %mul3A_212 : vector<16xf32>
          %max3A_214 = arith.constant -1.000000e+00 : f32
          %max3A_215 = vector.broadcast %max3A_214 : f32 to vector<16xf32>
          %max3A_216 = arith.maximumf %mul3A_213, %max3A_215 : vector<16xf32>
          %min3A_217 = arith.constant 1.025000e+03 : f32
          %min3A_218 = vector.broadcast %min3A_217 : f32 to vector<16xf32>
          %min3A_219 = arith.minimumf %max3A_216, %min3A_218 : vector<16xf32>
          %add3A_220 = arith.constant 0x4B400000 : f32
          %add3A_221 = vector.broadcast %add3A_220 : f32 to vector<16xf32>
          %add3A_222 = arith.addf %min3A_219, %add3A_221 : vector<16xf32>
          %sub3A_223 = arith.constant 0x4B400000 : f32
          %sub3A_224 = vector.broadcast %sub3A_223 : f32 to vector<16xf32>
          %sub3A_225 = arith.subf %add3A_222, %sub3A_224 : vector<16xf32>
          %max3A_226 = arith.constant 0.000000e+00 : f32
          %max3A_227 = vector.broadcast %max3A_226 : f32 to vector<16xf32>
          %max3A_228 = arith.maximumf %sub3A_225, %max3A_227 : vector<16xf32>
          %min3A_229 = arith.constant 1.023000e+03 : f32
          %min3A_230 = vector.broadcast %min3A_229 : f32 to vector<16xf32>
          %min3A_231 = arith.minimumf %max3A_228, %min3A_230 : vector<16xf32>
          %convert_element_type3A_232 = arith.fptosi %min3A_231 : vector<16xf32> to vector<16xi32>
          %shift_left3A_233 = arith.constant 10 : i32
          %shift_left3A_234 = vector.broadcast %shift_left3A_233 : i32 to vector<16xi32>
          %shift_left3A_235 = arith.shli %convert_element_type3A_206, %shift_left3A_234 : vector<16xi32>
          %or3A_236 = arith.ori %shift_left3A_235, %convert_element_type3A_232 : vector<16xi32>
          %swap3A_237 = arith.index_cast %add3A_180 : i32 to index
          %swap3A_238 = tpu.vector_load %arg18[%swap3A_237] {strides = array<i32>} : memref<2048xi32, #tpu.memory_space<vmem>>, vector<16xi32>,
          %swap3A_239 = vector.shape_cast %swap3A_238 : vector<16xi32> to vector<16xi32>
          %swap3A_240 = vector.shape_cast %or3A_236 : vector<16xi32> to vector<16xi32>
          tpu.vector_store %arg18[%swap3A_237], %swap3A_240 {strides = array<i32>} : memref<2048xi32, #tpu.memory_space<vmem>>, vector<16xi32>,
          %add3A_241 = arith.constant 32 : i32
          %add3A_242 = arith.addi %mul3A_121, %add3A_241 : i32
          %get3A_243 = arith.index_cast %add3A_242 : i32 to index
          %get3A_244 = tpu.vector_load %arg15[%get3A_243] {strides = array<i32>} : memref<2048xf32, #tpu.memory_space<vmem>>, vector<16xf32>,
          %get3A_245 = vector.shape_cast %get3A_244 : vector<16xf32> to vector<16xf32>
          %sub3A_246 = arith.subf %get3A_245, %get3A_15 : vector<16xf32>
          %mul3A_247 = arith.constant 1.024000e+03 : f32
          %mul3A_248 = vector.broadcast %mul3A_247 : f32 to vector<16xf32>
          %mul3A_249 = arith.mulf %sub3A_246, %mul3A_248 : vector<16xf32>
          %max3A_250 = arith.constant -1.000000e+00 : f32
          %max3A_251 = vector.broadcast %max3A_250 : f32 to vector<16xf32>
          %max3A_252 = arith.maximumf %mul3A_249, %max3A_251 : vector<16xf32>
          %min3A_253 = arith.constant 1.025000e+03 : f32
          %min3A_254 = vector.broadcast %min3A_253 : f32 to vector<16xf32>
          %min3A_255 = arith.minimumf %max3A_252, %min3A_254 : vector<16xf32>
          %add3A_256 = arith.constant 0x4B400000 : f32
          %add3A_257 = vector.broadcast %add3A_256 : f32 to vector<16xf32>
          %add3A_258 = arith.addf %min3A_255, %add3A_257 : vector<16xf32>
          %sub3A_259 = arith.constant 0x4B400000 : f32
          %sub3A_260 = vector.broadcast %sub3A_259 : f32 to vector<16xf32>
          %sub3A_261 = arith.subf %add3A_258, %sub3A_260 : vector<16xf32>
          %max3A_262 = arith.constant 0.000000e+00 : f32
          %max3A_263 = vector.broadcast %max3A_262 : f32 to vector<16xf32>
          %max3A_264 = arith.maximumf %sub3A_261, %max3A_263 : vector<16xf32>
          %min3A_265 = arith.constant 1.023000e+03 : f32
          %min3A_266 = vector.broadcast %min3A_265 : f32 to vector<16xf32>
          %min3A_267 = arith.minimumf %max3A_264, %min3A_266 : vector<16xf32>
          %convert_element_type3A_268 = arith.fptosi %min3A_267 : vector<16xf32> to vector<16xi32>
          %get3A_269 = arith.index_cast %add3A_242 : i32 to index
          %get3A_270 = tpu.vector_load %arg16[%get3A_269] {strides = array<i32>} : memref<2048xf32, #tpu.memory_space<vmem>>, vector<16xf32>,
          %get3A_271 = vector.shape_cast %get3A_270 : vector<16xf32> to vector<16xf32>
          %sub3A_272 = arith.subf %get3A_271, %get3A_18 : vector<16xf32>
          %mul3A_273 = arith.constant 1.024000e+03 : f32
          %mul3A_274 = vector.broadcast %mul3A_273 : f32 to vector<16xf32>
          %mul3A_275 = arith.mulf %sub3A_272, %mul3A_274 : vector<16xf32>
          %max3A_276 = arith.constant -1.000000e+00 : f32
          %max3A_277 = vector.broadcast %max3A_276 : f32 to vector<16xf32>
          %max3A_278 = arith.maximumf %mul3A_275, %max3A_277 : vector<16xf32>
          %min3A_279 = arith.constant 1.025000e+03 : f32
          %min3A_280 = vector.broadcast %min3A_279 : f32 to vector<16xf32>
          %min3A_281 = arith.minimumf %max3A_278, %min3A_280 : vector<16xf32>
          %add3A_282 = arith.constant 0x4B400000 : f32
          %add3A_283 = vector.broadcast %add3A_282 : f32 to vector<16xf32>
          %add3A_284 = arith.addf %min3A_281, %add3A_283 : vector<16xf32>
          %sub3A_285 = arith.constant 0x4B400000 : f32
          %sub3A_286 = vector.broadcast %sub3A_285 : f32 to vector<16xf32>
          %sub3A_287 = arith.subf %add3A_284, %sub3A_286 : vector<16xf32>
          %max3A_288 = arith.constant 0.000000e+00 : f32
          %max3A_289 = vector.broadcast %max3A_288 : f32 to vector<16xf32>
          %max3A_290 = arith.maximumf %sub3A_287, %max3A_289 : vector<16xf32>
          %min3A_291 = arith.constant 1.023000e+03 : f32
          %min3A_292 = vector.broadcast %min3A_291 : f32 to vector<16xf32>
          %min3A_293 = arith.minimumf %max3A_290, %min3A_292 : vector<16xf32>
          %convert_element_type3A_294 = arith.fptosi %min3A_293 : vector<16xf32> to vector<16xi32>
          %shift_left3A_295 = arith.constant 10 : i32
          %shift_left3A_296 = vector.broadcast %shift_left3A_295 : i32 to vector<16xi32>
          %shift_left3A_297 = arith.shli %convert_element_type3A_268, %shift_left3A_296 : vector<16xi32>
          %or3A_298 = arith.ori %shift_left3A_297, %convert_element_type3A_294 : vector<16xi32>
          %swap3A_299 = arith.index_cast %add3A_242 : i32 to index
          %swap3A_300 = tpu.vector_load %arg18[%swap3A_299] {strides = array<i32>} : memref<2048xi32, #tpu.memory_space<vmem>>, vector<16xi32>,
          %swap3A_301 = vector.shape_cast %swap3A_300 : vector<16xi32> to vector<16xi32>
          %swap3A_302 = vector.shape_cast %or3A_298 : vector<16xi32> to vector<16xi32>
          tpu.vector_store %arg18[%swap3A_299], %swap3A_302 {strides = array<i32>} : memref<2048xi32, #tpu.memory_space<vmem>>, vector<16xi32>,
          %add3A_303 = arith.constant 48 : i32
          %add3A_304 = arith.addi %mul3A_121, %add3A_303 : i32
          %get3A_305 = arith.index_cast %add3A_304 : i32 to index
          %get3A_306 = tpu.vector_load %arg15[%get3A_305] {strides = array<i32>} : memref<2048xf32, #tpu.memory_space<vmem>>, vector<16xf32>,
          %get3A_307 = vector.shape_cast %get3A_306 : vector<16xf32> to vector<16xf32>
          %sub3A_308 = arith.subf %get3A_307, %get3A_15 : vector<16xf32>
          %mul3A_309 = arith.constant 1.024000e+03 : f32
          %mul3A_310 = vector.broadcast %mul3A_309 : f32 to vector<16xf32>
          %mul3A_311 = arith.mulf %sub3A_308, %mul3A_310 : vector<16xf32>
          %max3A_312 = arith.constant -1.000000e+00 : f32
          %max3A_313 = vector.broadcast %max3A_312 : f32 to vector<16xf32>
          %max3A_314 = arith.maximumf %mul3A_311, %max3A_313 : vector<16xf32>
          %min3A_315 = arith.constant 1.025000e+03 : f32
          %min3A_316 = vector.broadcast %min3A_315 : f32 to vector<16xf32>
          %min3A_317 = arith.minimumf %max3A_314, %min3A_316 : vector<16xf32>
          %add3A_318 = arith.constant 0x4B400000 : f32
          %add3A_319 = vector.broadcast %add3A_318 : f32 to vector<16xf32>
          %add3A_320 = arith.addf %min3A_317, %add3A_319 : vector<16xf32>
          %sub3A_321 = arith.constant 0x4B400000 : f32
          %sub3A_322 = vector.broadcast %sub3A_321 : f32 to vector<16xf32>
          %sub3A_323 = arith.subf %add3A_320, %sub3A_322 : vector<16xf32>
          %max3A_324 = arith.constant 0.000000e+00 : f32
          %max3A_325 = vector.broadcast %max3A_324 : f32 to vector<16xf32>
          %max3A_326 = arith.maximumf %sub3A_323, %max3A_325 : vector<16xf32>
          %min3A_327 = arith.constant 1.023000e+03 : f32
          %min3A_328 = vector.broadcast %min3A_327 : f32 to vector<16xf32>
          %min3A_329 = arith.minimumf %max3A_326, %min3A_328 : vector<16xf32>
          %convert_element_type3A_330 = arith.fptosi %min3A_329 : vector<16xf32> to vector<16xi32>
          %get3A_331 = arith.index_cast %add3A_304 : i32 to index
          %get3A_332 = tpu.vector_load %arg16[%get3A_331] {strides = array<i32>} : memref<2048xf32, #tpu.memory_space<vmem>>, vector<16xf32>,
          %get3A_333 = vector.shape_cast %get3A_332 : vector<16xf32> to vector<16xf32>
          %sub3A_334 = arith.subf %get3A_333, %get3A_18 : vector<16xf32>
          %mul3A_335 = arith.constant 1.024000e+03 : f32
          %mul3A_336 = vector.broadcast %mul3A_335 : f32 to vector<16xf32>
          %mul3A_337 = arith.mulf %sub3A_334, %mul3A_336 : vector<16xf32>
          %max3A_338 = arith.constant -1.000000e+00 : f32
          %max3A_339 = vector.broadcast %max3A_338 : f32 to vector<16xf32>
          %max3A_340 = arith.maximumf %mul3A_337, %max3A_339 : vector<16xf32>
          %min3A_341 = arith.constant 1.025000e+03 : f32
          %min3A_342 = vector.broadcast %min3A_341 : f32 to vector<16xf32>
          %min3A_343 = arith.minimumf %max3A_340, %min3A_342 : vector<16xf32>
          %add3A_344 = arith.constant 0x4B400000 : f32
          %add3A_345 = vector.broadcast %add3A_344 : f32 to vector<16xf32>
          %add3A_346 = arith.addf %min3A_343, %add3A_345 : vector<16xf32>
          %sub3A_347 = arith.constant 0x4B400000 : f32
          %sub3A_348 = vector.broadcast %sub3A_347 : f32 to vector<16xf32>
          %sub3A_349 = arith.subf %add3A_346, %sub3A_348 : vector<16xf32>
          %max3A_350 = arith.constant 0.000000e+00 : f32
          %max3A_351 = vector.broadcast %max3A_350 : f32 to vector<16xf32>
          %max3A_352 = arith.maximumf %sub3A_349, %max3A_351 : vector<16xf32>
          %min3A_353 = arith.constant 1.023000e+03 : f32
          %min3A_354 = vector.broadcast %min3A_353 : f32 to vector<16xf32>
          %min3A_355 = arith.minimumf %max3A_352, %min3A_354 : vector<16xf32>
          %convert_element_type3A_356 = arith.fptosi %min3A_355 : vector<16xf32> to vector<16xi32>
          %shift_left3A_357 = arith.constant 10 : i32
          %shift_left3A_358 = vector.broadcast %shift_left3A_357 : i32 to vector<16xi32>
          %shift_left3A_359 = arith.shli %convert_element_type3A_330, %shift_left3A_358 : vector<16xi32>
          %or3A_360 = arith.ori %shift_left3A_359, %convert_element_type3A_356 : vector<16xi32>
          %swap3A_361 = arith.index_cast %add3A_304 : i32 to index
          %swap3A_362 = tpu.vector_load %arg18[%swap3A_361] {strides = array<i32>} : memref<2048xi32, #tpu.memory_space<vmem>>, vector<16xi32>,
          %swap3A_363 = vector.shape_cast %swap3A_362 : vector<16xi32> to vector<16xi32>
          %swap3A_364 = vector.shape_cast %or3A_360 : vector<16xi32> to vector<16xi32>
          tpu.vector_store %arg18[%swap3A_361], %swap3A_364 {strides = array<i32>} : memref<2048xi32, #tpu.memory_space<vmem>>, vector<16xi32>,
        }
        %scan3A_118 = arith.constant 32 : i32
        "tpu.region"() ({
          %run_scoped3A = tpu.sem_alloc : memref<!tpu.dma_semaphore, #tpu.memory_space<semaphore_mem>>
          %dma_start3A = arith.constant 0 : i32
          %dma_start3A_119 = tpu.memref_slice %arg14[%dma_start3A] : memref<1050624xf32, #tpu.memory_space<vmem_shared>> -> memref<1050624xf32, #tpu.memory_space<vmem_shared>>
          tpu.enqueue_indirect_dma source(%arg19 : memref<2048xf32, #tpu.memory_space<vmem>>) target(%dma_start3A_119 : memref<1050624xf32, #tpu.memory_space<vmem_shared>>) offsets(%arg18 : memref<2048xi32, #tpu.memory_space<vmem>>) semaphore(%run_scoped3A : memref<!tpu.dma_semaphore, #tpu.memory_space<semaphore_mem>>)
          %dma_wait3A = arith.constant 0 : i32
          %dma_wait3A_120 = tpu.memref_slice %arg14[%dma_wait3A] : memref<1050624xf32, #tpu.memory_space<vmem_shared>> -> memref<1050624xf32, #tpu.memory_space<vmem_shared>>
          tpu.wait_indirect_dma semaphore(%run_scoped3A : memref<!tpu.dma_semaphore, #tpu.memory_space<semaphore_mem>>) src(%arg19 : memref<2048xf32, #tpu.memory_space<vmem>>) dst(%dma_wait3A_120 : memref<1050624xf32, #tpu.memory_space<vmem_shared>>)
          tpu.yield
        }) : () -> ()
      }
      %scan3A_103 = arith.constant 4 : i32
    } else {
    }
    %barrier3A_38 = arith.constant 0 : index
    tpu.barrier barrier_id(%barrier3A_38)
    %mul3A_39 = arith.constant 65536 : i32
    %mul3A_40 = arith.muli %arg1, %mul3A_39 : i32
    %add3A_41 = arith.constant 0 : i32
    %add3A_42 = arith.addi %mul3A_40, %add3A_41 : i32
    "tpu.region"() ({
      %run_scoped3A = tpu.sem_alloc : memref<!tpu.dma_semaphore, #tpu.memory_space<semaphore_mem>>
      %dma_start3A = tpu.memref_slice %arg14[%add3A_42] : memref<1050624xf32, #tpu.memory_space<vmem_shared>> -> memref<16384xf32, #tpu.memory_space<vmem_shared>>
      %dma_start3A_98 = tpu.memref_slice %arg14[%add3A_42] : memref<1050624xf32, #tpu.memory_space<vmem_shared>> -> memref<16384xf32, #tpu.memory_space<vmem_shared>>
      tpu.enqueue_dma source(%dma_start3A_98 : memref<16384xf32, #tpu.memory_space<vmem_shared>>) target(%arg21 : memref<16384xf32, #tpu.memory_space<vmem>>) target_semaphore(%run_scoped3A : memref<!tpu.dma_semaphore, #tpu.memory_space<semaphore_mem>>)
      %dma_wait3A = tpu.memref_slice %arg14[%add3A_42] : memref<1050624xf32, #tpu.memory_space<vmem_shared>> -> memref<16384xf32, #tpu.memory_space<vmem_shared>>
      %dma_wait3A_99 = tpu.memref_slice %arg14[%add3A_42] : memref<1050624xf32, #tpu.memory_space<vmem_shared>> -> memref<16384xf32, #tpu.memory_space<vmem_shared>>
      tpu.wait_dma2 semaphore(%run_scoped3A : memref<!tpu.dma_semaphore, #tpu.memory_space<semaphore_mem>>) src(%dma_wait3A_99 : memref<16384xf32, #tpu.memory_space<vmem_shared>>) dst(%arg21 : memref<16384xf32, #tpu.memory_space<vmem>>)
      tpu.yield
    }) : () -> ()
    %mul3A_43 = arith.constant 1048576 : i32
    %mul3A_44 = arith.muli %arg0, %mul3A_43 : i32
    %add3A_45 = arith.constant 64 : i32
    %add3A_46 = arith.addi %add3A_45, %mul3A_44 : i32
    %mul3A_47 = arith.constant 65536 : i32
    %mul3A_48 = arith.muli %arg1, %mul3A_47 : i32
    %add3A_49 = arith.addi %add3A_46, %mul3A_48 : i32
    %add3A_50 = arith.constant 0 : i32
    %add3A_51 = arith.addi %add3A_49, %add3A_50 : i32
    "tpu.region"() ({
      %run_scoped3A = tpu.sem_alloc : memref<!tpu.dma_semaphore, #tpu.memory_space<semaphore_mem>>
      %dma_start3A = tpu.memref_slice %arg13[%add3A_51] : memref<2097216xf32, #tpu.memory_space<hbm>> -> memref<16384xf32, #tpu.memory_space<hbm>>
      %dma_start3A_98 = tpu.memref_slice %arg13[%add3A_51] : memref<2097216xf32, #tpu.memory_space<hbm>> -> memref<16384xf32, #tpu.memory_space<hbm>>
      tpu.enqueue_dma source(%arg21 : memref<16384xf32, #tpu.memory_space<vmem>>) target(%dma_start3A_98 : memref<16384xf32, #tpu.memory_space<hbm>>) target_semaphore(%run_scoped3A : memref<!tpu.dma_semaphore, #tpu.memory_space<semaphore_mem>>)
      %dma_wait3A = tpu.memref_slice %arg13[%add3A_51] : memref<2097216xf32, #tpu.memory_space<hbm>> -> memref<16384xf32, #tpu.memory_space<hbm>>
      %dma_wait3A_99 = tpu.memref_slice %arg13[%add3A_51] : memref<2097216xf32, #tpu.memory_space<hbm>> -> memref<16384xf32, #tpu.memory_space<hbm>>
      tpu.wait_dma2 semaphore(%run_scoped3A : memref<!tpu.dma_semaphore, #tpu.memory_space<semaphore_mem>>) src(%arg21 : memref<16384xf32, #tpu.memory_space<vmem>>) dst(%dma_wait3A_99 : memref<16384xf32, #tpu.memory_space<hbm>>)
      tpu.yield
    }) : () -> ()
    %mul3A_52 = arith.constant 65536 : i32
    %mul3A_53 = arith.muli %arg1, %mul3A_52 : i32
    %add3A_54 = arith.constant 16384 : i32
    %add3A_55 = arith.addi %mul3A_53, %add3A_54 : i32
    "tpu.region"() ({
      %run_scoped3A = tpu.sem_alloc : memref<!tpu.dma_semaphore, #tpu.memory_space<semaphore_mem>>
      %dma_start3A = tpu.memref_slice %arg14[%add3A_55] : memref<1050624xf32, #tpu.memory_space<vmem_shared>> -> memref<16384xf32, #tpu.memory_space<vmem_shared>>
      %dma_start3A_98 = tpu.memref_slice %arg14[%add3A_55] : memref<1050624xf32, #tpu.memory_space<vmem_shared>> -> memref<16384xf32, #tpu.memory_space<vmem_shared>>
      tpu.enqueue_dma source(%dma_start3A_98 : memref<16384xf32, #tpu.memory_space<vmem_shared>>) target(%arg21 : memref<16384xf32, #tpu.memory_space<vmem>>) target_semaphore(%run_scoped3A : memref<!tpu.dma_semaphore, #tpu.memory_space<semaphore_mem>>)
      %dma_wait3A = tpu.memref_slice %arg14[%add3A_55] : memref<1050624xf32, #tpu.memory_space<vmem_shared>> -> memref<16384xf32, #tpu.memory_space<vmem_shared>>
      %dma_wait3A_99 = tpu.memref_slice %arg14[%add3A_55] : memref<1050624xf32, #tpu.memory_space<vmem_shared>> -> memref<16384xf32, #tpu.memory_space<vmem_shared>>
      tpu.wait_dma2 semaphore(%run_scoped3A : memref<!tpu.dma_semaphore, #tpu.memory_space<semaphore_mem>>) src(%dma_wait3A_99 : memref<16384xf32, #tpu.memory_space<vmem_shared>>) dst(%arg21 : memref<16384xf32, #tpu.memory_space<vmem>>)
      tpu.yield
    }) : () -> ()
    %mul3A_56 = arith.constant 1048576 : i32
    %mul3A_57 = arith.muli %arg0, %mul3A_56 : i32
    %add3A_58 = arith.constant 64 : i32
    %add3A_59 = arith.addi %add3A_58, %mul3A_57 : i32
    %mul3A_60 = arith.constant 65536 : i32
    %mul3A_61 = arith.muli %arg1, %mul3A_60 : i32
    %add3A_62 = arith.addi %add3A_59, %mul3A_61 : i32
    %add3A_63 = arith.constant 16384 : i32
    %add3A_64 = arith.addi %add3A_62, %add3A_63 : i32
    "tpu.region"() ({
      %run_scoped3A = tpu.sem_alloc : memref<!tpu.dma_semaphore, #tpu.memory_space<semaphore_mem>>
      %dma_start3A = tpu.memref_slice %arg13[%add3A_64] : memref<2097216xf32, #tpu.memory_space<hbm>> -> memref<16384xf32, #tpu.memory_space<hbm>>
      %dma_start3A_98 = tpu.memref_slice %arg13[%add3A_64] : memref<2097216xf32, #tpu.memory_space<hbm>> -> memref<16384xf32, #tpu.memory_space<hbm>>
      tpu.enqueue_dma source(%arg21 : memref<16384xf32, #tpu.memory_space<vmem>>) target(%dma_start3A_98 : memref<16384xf32, #tpu.memory_space<hbm>>) target_semaphore(%run_scoped3A : memref<!tpu.dma_semaphore, #tpu.memory_space<semaphore_mem>>)
      %dma_wait3A = tpu.memref_slice %arg13[%add3A_64] : memref<2097216xf32, #tpu.memory_space<hbm>> -> memref<16384xf32, #tpu.memory_space<hbm>>
      %dma_wait3A_99 = tpu.memref_slice %arg13[%add3A_64] : memref<2097216xf32, #tpu.memory_space<hbm>> -> memref<16384xf32, #tpu.memory_space<hbm>>
      tpu.wait_dma2 semaphore(%run_scoped3A : memref<!tpu.dma_semaphore, #tpu.memory_space<semaphore_mem>>) src(%arg21 : memref<16384xf32, #tpu.memory_space<vmem>>) dst(%dma_wait3A_99 : memref<16384xf32, #tpu.memory_space<hbm>>)
      tpu.yield
    }) : () -> ()
    %mul3A_65 = arith.constant 65536 : i32
    %mul3A_66 = arith.muli %arg1, %mul3A_65 : i32
    %add3A_67 = arith.constant 32768 : i32
    %add3A_68 = arith.addi %mul3A_66, %add3A_67 : i32
    "tpu.region"() ({
      %run_scoped3A = tpu.sem_alloc : memref<!tpu.dma_semaphore, #tpu.memory_space<semaphore_mem>>
      %dma_start3A = tpu.memref_slice %arg14[%add3A_68] : memref<1050624xf32, #tpu.memory_space<vmem_shared>> -> memref<16384xf32, #tpu.memory_space<vmem_shared>>
      %dma_start3A_98 = tpu.memref_slice %arg14[%add3A_68] : memref<1050624xf32, #tpu.memory_space<vmem_shared>> -> memref<16384xf32, #tpu.memory_space<vmem_shared>>
      tpu.enqueue_dma source(%dma_start3A_98 : memref<16384xf32, #tpu.memory_space<vmem_shared>>) target(%arg21 : memref<16384xf32, #tpu.memory_space<vmem>>) target_semaphore(%run_scoped3A : memref<!tpu.dma_semaphore, #tpu.memory_space<semaphore_mem>>)
      %dma_wait3A = tpu.memref_slice %arg14[%add3A_68] : memref<1050624xf32, #tpu.memory_space<vmem_shared>> -> memref<16384xf32, #tpu.memory_space<vmem_shared>>
      %dma_wait3A_99 = tpu.memref_slice %arg14[%add3A_68] : memref<1050624xf32, #tpu.memory_space<vmem_shared>> -> memref<16384xf32, #tpu.memory_space<vmem_shared>>
      tpu.wait_dma2 semaphore(%run_scoped3A : memref<!tpu.dma_semaphore, #tpu.memory_space<semaphore_mem>>) src(%dma_wait3A_99 : memref<16384xf32, #tpu.memory_space<vmem_shared>>) dst(%arg21 : memref<16384xf32, #tpu.memory_space<vmem>>)
      tpu.yield
    }) : () -> ()
    %mul3A_69 = arith.constant 1048576 : i32
    %mul3A_70 = arith.muli %arg0, %mul3A_69 : i32
    %add3A_71 = arith.constant 64 : i32
    %add3A_72 = arith.addi %add3A_71, %mul3A_70 : i32
    %mul3A_73 = arith.constant 65536 : i32
    %mul3A_74 = arith.muli %arg1, %mul3A_73 : i32
    %add3A_75 = arith.addi %add3A_72, %mul3A_74 : i32
    %add3A_76 = arith.constant 32768 : i32
    %add3A_77 = arith.addi %add3A_75, %add3A_76 : i32
    "tpu.region"() ({
      %run_scoped3A = tpu.sem_alloc : memref<!tpu.dma_semaphore, #tpu.memory_space<semaphore_mem>>
      %dma_start3A = tpu.memref_slice %arg13[%add3A_77] : memref<2097216xf32, #tpu.memory_space<hbm>> -> memref<16384xf32, #tpu.memory_space<hbm>>
      %dma_start3A_98 = tpu.memref_slice %arg13[%add3A_77] : memref<2097216xf32, #tpu.memory_space<hbm>> -> memref<16384xf32, #tpu.memory_space<hbm>>
      tpu.enqueue_dma source(%arg21 : memref<16384xf32, #tpu.memory_space<vmem>>) target(%dma_start3A_98 : memref<16384xf32, #tpu.memory_space<hbm>>) target_semaphore(%run_scoped3A : memref<!tpu.dma_semaphore, #tpu.memory_space<semaphore_mem>>)
      %dma_wait3A = tpu.memref_slice %arg13[%add3A_77] : memref<2097216xf32, #tpu.memory_space<hbm>> -> memref<16384xf32, #tpu.memory_space<hbm>>
      %dma_wait3A_99 = tpu.memref_slice %arg13[%add3A_77] : memref<2097216xf32, #tpu.memory_space<hbm>> -> memref<16384xf32, #tpu.memory_space<hbm>>
      tpu.wait_dma2 semaphore(%run_scoped3A : memref<!tpu.dma_semaphore, #tpu.memory_space<semaphore_mem>>) src(%arg21 : memref<16384xf32, #tpu.memory_space<vmem>>) dst(%dma_wait3A_99 : memref<16384xf32, #tpu.memory_space<hbm>>)
      tpu.yield
    }) : () -> ()
    %mul3A_78 = arith.constant 65536 : i32
    %mul3A_79 = arith.muli %arg1, %mul3A_78 : i32
    %add3A_80 = arith.constant 49152 : i32
    %add3A_81 = arith.addi %mul3A_79, %add3A_80 : i32
    "tpu.region"() ({
      %run_scoped3A = tpu.sem_alloc : memref<!tpu.dma_semaphore, #tpu.memory_space<semaphore_mem>>
      %dma_start3A = tpu.memref_slice %arg14[%add3A_81] : memref<1050624xf32, #tpu.memory_space<vmem_shared>> -> memref<16384xf32, #tpu.memory_space<vmem_shared>>
      %dma_start3A_98 = tpu.memref_slice %arg14[%add3A_81] : memref<1050624xf32, #tpu.memory_space<vmem_shared>> -> memref<16384xf32, #tpu.memory_space<vmem_shared>>
      tpu.enqueue_dma source(%dma_start3A_98 : memref<16384xf32, #tpu.memory_space<vmem_shared>>) target(%arg21 : memref<16384xf32, #tpu.memory_space<vmem>>) target_semaphore(%run_scoped3A : memref<!tpu.dma_semaphore, #tpu.memory_space<semaphore_mem>>)
      %dma_wait3A = tpu.memref_slice %arg14[%add3A_81] : memref<1050624xf32, #tpu.memory_space<vmem_shared>> -> memref<16384xf32, #tpu.memory_space<vmem_shared>>
      %dma_wait3A_99 = tpu.memref_slice %arg14[%add3A_81] : memref<1050624xf32, #tpu.memory_space<vmem_shared>> -> memref<16384xf32, #tpu.memory_space<vmem_shared>>
      tpu.wait_dma2 semaphore(%run_scoped3A : memref<!tpu.dma_semaphore, #tpu.memory_space<semaphore_mem>>) src(%dma_wait3A_99 : memref<16384xf32, #tpu.memory_space<vmem_shared>>) dst(%arg21 : memref<16384xf32, #tpu.memory_space<vmem>>)
      tpu.yield
    }) : () -> ()
    %mul3A_82 = arith.constant 1048576 : i32
    %mul3A_83 = arith.muli %arg0, %mul3A_82 : i32
    %add3A_84 = arith.constant 64 : i32
    %add3A_85 = arith.addi %add3A_84, %mul3A_83 : i32
    %mul3A_86 = arith.constant 65536 : i32
    %mul3A_87 = arith.muli %arg1, %mul3A_86 : i32
    %add3A_88 = arith.addi %add3A_85, %mul3A_87 : i32
    %add3A_89 = arith.constant 49152 : i32
    %add3A_90 = arith.addi %add3A_88, %add3A_89 : i32
    "tpu.region"() ({
      %run_scoped3A = tpu.sem_alloc : memref<!tpu.dma_semaphore, #tpu.memory_space<semaphore_mem>>
      %dma_start3A = tpu.memref_slice %arg13[%add3A_90] : memref<2097216xf32, #tpu.memory_space<hbm>> -> memref<16384xf32, #tpu.memory_space<hbm>>
      %dma_start3A_98 = tpu.memref_slice %arg13[%add3A_90] : memref<2097216xf32, #tpu.memory_space<hbm>> -> memref<16384xf32, #tpu.memory_space<hbm>>
      tpu.enqueue_dma source(%arg21 : memref<16384xf32, #tpu.memory_space<vmem>>) target(%dma_start3A_98 : memref<16384xf32, #tpu.memory_space<hbm>>) target_semaphore(%run_scoped3A : memref<!tpu.dma_semaphore, #tpu.memory_space<semaphore_mem>>)
      %dma_wait3A = tpu.memref_slice %arg13[%add3A_90] : memref<2097216xf32, #tpu.memory_space<hbm>> -> memref<16384xf32, #tpu.memory_space<hbm>>
      %dma_wait3A_99 = tpu.memref_slice %arg13[%add3A_90] : memref<2097216xf32, #tpu.memory_space<hbm>> -> memref<16384xf32, #tpu.memory_space<hbm>>
      tpu.wait_dma2 semaphore(%run_scoped3A : memref<!tpu.dma_semaphore, #tpu.memory_space<semaphore_mem>>) src(%arg21 : memref<16384xf32, #tpu.memory_space<vmem>>) dst(%dma_wait3A_99 : memref<16384xf32, #tpu.memory_space<hbm>>)
      tpu.yield
    }) : () -> ()
    %eq3A_91 = arith.constant 0 : i32
    %eq3A_92 = arith.cmpi eq, %arg0, %eq3A_91 : i32
    %eq3A_93 = arith.constant 0 : i32
    %eq3A_94 = arith.cmpi eq, %arg1, %eq3A_93 : i32
    %and3A = arith.andi %eq3A_92, %eq3A_94 : i1
    %convert_element_type3A_95 = arith.extui %and3A : i1 to i32
    %cond3A_96 = arith.constant 0 : i32
    %cond3A_97 = arith.cmpi ne, %convert_element_type3A_95, %cond3A_96 : i32
    scf.if %cond3A_97 {
      "tpu.region"() ({
        %run_scoped3A = tpu.sem_alloc : memref<!tpu.dma_semaphore, #tpu.memory_space<semaphore_mem>>
        tpu.enqueue_dma source(%arg8 : memref<64xf32, #tpu.memory_space<hbm>>) target(%arg20 : memref<64xf32, #tpu.memory_space<vmem>>) target_semaphore(%run_scoped3A : memref<!tpu.dma_semaphore, #tpu.memory_space<semaphore_mem>>)
        tpu.wait_dma2 semaphore(%run_scoped3A : memref<!tpu.dma_semaphore, #tpu.memory_space<semaphore_mem>>) src(%arg8 : memref<64xf32, #tpu.memory_space<hbm>>) dst(%arg20 : memref<64xf32, #tpu.memory_space<vmem>>)
        tpu.yield
      }) : () -> ()
      "tpu.region"() ({
        %run_scoped3A = tpu.sem_alloc : memref<!tpu.dma_semaphore, #tpu.memory_space<semaphore_mem>>
        %dma_start3A = arith.constant 0 : i32
        %dma_start3A_98 = tpu.memref_slice %arg13[%dma_start3A] : memref<2097216xf32, #tpu.memory_space<hbm>> -> memref<64xf32, #tpu.memory_space<hbm>>
        %dma_start3A_99 = arith.constant 0 : i32
        %dma_start3A_100 = tpu.memref_slice %arg13[%dma_start3A_99] : memref<2097216xf32, #tpu.memory_space<hbm>> -> memref<64xf32, #tpu.memory_space<hbm>>
        tpu.enqueue_dma source(%arg20 : memref<64xf32, #tpu.memory_space<vmem>>) target(%dma_start3A_100 : memref<64xf32, #tpu.memory_space<hbm>>) target_semaphore(%run_scoped3A : memref<!tpu.dma_semaphore, #tpu.memory_space<semaphore_mem>>)
        %dma_wait3A = arith.constant 0 : i32
        %dma_wait3A_101 = tpu.memref_slice %arg13[%dma_wait3A] : memref<2097216xf32, #tpu.memory_space<hbm>> -> memref<64xf32, #tpu.memory_space<hbm>>
        %dma_wait3A_102 = arith.constant 0 : i32
        %dma_wait3A_103 = tpu.memref_slice %arg13[%dma_wait3A_102] : memref<2097216xf32, #tpu.memory_space<hbm>> -> memref<64xf32, #tpu.memory_space<hbm>>
        tpu.wait_dma2 semaphore(%run_scoped3A : memref<!tpu.dma_semaphore, #tpu.memory_space<semaphore_mem>>) src(%arg20 : memref<64xf32, #tpu.memory_space<vmem>>) dst(%dma_wait3A_103 : memref<64xf32, #tpu.memory_space<hbm>>)
        tpu.yield
      }) : () -> ()
    } else {
    }
    return
  }
}

</mosaic_0001>

<sc_bundles>
// kernel: kernel.3.cloned.1.call-start
scs
__scs_entry_jumppad:
0x0: {  	(pc) =	sbr.rel $0x88, $3  }
0x1: {  	(tag) =	ssettag $0x0;
	lr =	simm.s32 $0x1  }
0x2: {  	[smem:$0x3F99] =	sst lr;
	_ =	strace $0xD0000000  }
0x3: {  	_ = 	snop  }
0x4: {  	_ = 	snop  }
0x5: {  	_ = 	snop  }
0x6: {  	_ = 	snop  }
0x7: {  	_ = 	snop  }
__scs_overlays_trampoline_lowered:
0x8: {  	[smem:$0x3FA8] =	sst s0  }
0x9: {  	[smem:$0x3FA9] =	sst s1  }
0xa: {  	[smem:$0x3FAA] =	sst s2  }
0xb: {  	[smem:$0x3FAB] =	sst s3  }
0xc: {  	[smem:$0x3FAC] =	sst s4  }
0xd: {  	[smem:$0x3FAD] =	sst s5  }
0xe: {  	[smem:$0x3FAE] =	sst s6  }
0xf: {  	[smem:$0x3FAF] =	sst s7  }
0x10: {  	[smem:$0x3FB0] =	sst s8  }
0x11: {  	[smem:$0x3FB1] =	sst s9;
	s0 =	simm.s32 @!p0 $0x0  }
0x12: {  	s1 =	sld [smem:$0x3F97];
	s0 =	simm.s32 @p0 $0x1  }
0x13: {  	[smem:$0x3FB2] =	sst s0;
	s0 =	simm.s32 @!p1 $0x0  }
0x14: {  	s2 =	sld [smem:$0x3F96];
	s0 =	simm.s32 @p1 $0x1  }
0x15: {  	[smem:$0x3FB3] =	sst s0;
	s0 =	simm.s32 @!p2 $0x0  }
0x16: {  	s3 =	sld [smem:$0x3FDB];
	s0 =	simm.s32 @p2 $0x1  }
0x17: {  	s4 =	simm.s32 $0x1BF5;
	[smem:$0x3FB5] =	sst s0  }
0x18: {  	s0 =	sld [smem:$0x3F98];
	_ =	swait.ge [sflag:s4], $0x0  }
0x19: {  	s7 =	sld [smem:$0x3F99]  }
0x1a: {  	s8 =	sadd.s32 $0xFFFFE003, lr  }
0x1b: {  	s9 =	sadd.s32 $0xFFFFFEF7, lr;
	s5 =	simm.s32 $0xFFFFFFFF;
	p2 =	slt.u32 s8, $0xFFFFF086  }
0x1c: {  	p1 =	slt.u32 s9, $0xF7A;
	s5 =	simm.s32 @!p2 $0x0  }
0x1d: {  	s5 =	simm.s32 @p1 $0x1;
	p0 =	seq.s32 s7, s2  }
0x1e: {  	s7 =	smul.u32 @!p0 $0xF7A, s2;
	p2 =	seq.s32 @!p0 s5, $0x0  }
0x1f: {  	s9 =	smul.u32 $0xF7A, s1;
	s8 =	simm.s32 @!p0 $0x1BF5;
	p2 =	por !p2, p0  }
0x20: {  	[sflag:s8] =	ssyncset.s32 @!p0 $0xFFFFF086;
	s6 =	sadd.s32 @!p0 s3, s7;
	s7 =	simm.s32 @!p0 $0x108  }
0x21: {  	s3 =	sadd.s32 s3, s9;
	s6 =	sadd.s32 @!p0 $0x88, s6;
	s7 =	simm.s32 @p2 $0x1082  }
0x22: {  	[simem:s7], [sflag:s8] =	dma.local @!p0 [hbm:s6], $0xF7A  }
0x23: {  	s9 =	sor.u32 $0xD0000000, s2;
	s6 =	simm.s32 $0x108;
	_ =	swait.ge @!p0 [sflag:s8], $0x0  }
0x24: {  	s3 =	sadd.s32 $0x88, s3;
	s6 =	simm.s32 @!p1 $0x1082;
	[sflag:s4] =	ssyncset.s32 $0xFFFFF086  }
0x25: {  	[simem:s6], [sflag:s4] =	dma.local [hbm:s3], $0xF7A  }
0x26: {  	[smem:$0x3F99] =	sst s1;
	(tag) =	ssettag s2;
	_ =	strace s9  }
0x27: {  	s1 =	sld [smem:$0x3FA9]  }
0x28: {  	s2 =	sld [smem:$0x3FAA]  }
0x29: {  	s4 =	sld [smem:$0x3FAC]  }
0x2a: {  	p0 =	seq.s32 s5, $0x0;
	s5 =	sld [smem:$0x3FAD]  }
0x2b: {  	s6 =	sld [smem:$0x3FAE]  }
0x2c: {  	s7 =	sld [smem:$0x3FAF]  }
0x2d: {  	s3 =	simm.s32 $0x108;
	s8 =	sld [smem:$0x3FB0]  }
0x2e: {  	s3 =	simm.s32 @!p0 $0x1082;
	s9 =	sld [smem:$0x3FB1]  }
0x2f: {  	lr =	sadd.s32 s0, s3;
	s0 =	sld [smem:$0x3FA8]  }
0x30: {  	s3 =	sld [smem:$0x3FAB]  }
0x31: {  	[smem:$0x3FB4] =	sst s10  }
0x32: {  	s10 =	sld [smem:$0x3FB2];
	_ =	sdelay $0x3  }
0x33: {  	p0 =	seq.s32 s10, $0x1;
	s10 =	sld [smem:$0x3FB4];
	_ =	sdelay $0x3  }
0x34: {  	[smem:$0x3FB4] =	sst s10  }
0x35: {  	s10 =	sld [smem:$0x3FB3];
	_ =	sdelay $0x3  }
0x36: {  	p1 =	seq.s32 s10, $0x1;
	s10 =	sld [smem:$0x3FB4];
	_ =	sdelay $0x3  }
0x37: {  	[smem:$0x3FB4] =	sst s10  }
0x38: {  	s10 =	sld [smem:$0x3FB5]  }
0x39: {  	_ = 	snop;
	(pc) =	sbr.ind lr, $3  }
0x3a: {  	_ = 	snop  }
0x3b: {  	_ = 	snop  }
0x3c: {  	p2 =	seq.s32 s10, $0x1;
	s10 =	sld [smem:$0x3FB4]  }
0x3d: {  	_ =	shalt  }
0x3e: {  	_ =	shalt  }
0x3f: {  	_ =	shalt  }
0x40: {  	_ =	shalt  }
0x41: {  	_ =	shalt  }
0x42: {  	_ =	shalt  }
0x43: {  	_ =	shalt  }
0x44: {  	_ =	shalt  }
0x45: {  	_ =	shalt  }
0x46: {  	_ =	shalt  }
0x47: {  	_ =	shalt  }
0x48: {  	_ =	shalt  }
0x49: {  	_ =	shalt  }
0x4a: {  	_ =	shalt  }
0x4b: {  	_ =	shalt  }
0x4c: {  	_ =	shalt  }
0x4d: {  	_ =	shalt  }
0x4e: {  	_ =	shalt  }
0x4f: {  	_ =	shalt  }
0x50: {  	_ =	shalt  }
0x51: {  	_ =	shalt  }
0x52: {  	_ =	shalt  }
0x53: {  	_ =	shalt  }
0x54: {  	_ =	shalt  }
0x55: {  	_ =	shalt  }
0x56: {  	_ =	shalt  }
0x57: {  	_ =	shalt  }
0x58: {  	_ =	shalt  }
0x59: {  	_ =	shalt  }
0x5a: {  	_ =	shalt  }
0x5b: {  	_ =	shalt  }
0x5c: {  	_ =	shalt  }
0x5d: {  	_ =	shalt  }
0x5e: {  	_ =	shalt  }
0x5f: {  	_ =	shalt  }
0x60: {  	_ =	shalt  }
0x61: {  	_ =	shalt  }
0x62: {  	_ =	shalt  }
0x63: {  	_ =	shalt  }
0x64: {  	_ =	shalt  }
0x65: {  	_ =	shalt  }
0x66: {  	_ =	shalt  }
0x67: {  	_ =	shalt  }
0x68: {  	_ =	shalt  }
0x69: {  	_ =	shalt  }
0x6a: {  	_ =	shalt  }
0x6b: {  	_ =	shalt  }
0x6c: {  	_ =	shalt  }
0x6d: {  	_ =	shalt  }
0x6e: {  	_ =	shalt  }
0x6f: {  	_ =	shalt  }
0x70: {  	_ =	shalt  }
0x71: {  	_ =	shalt  }
0x72: {  	_ =	shalt  }
0x73: {  	_ =	shalt  }
0x74: {  	_ =	shalt  }
0x75: {  	_ =	shalt  }
0x76: {  	_ =	shalt  }
0x77: {  	_ =	shalt  }
0x78: {  	_ =	shalt  }
0x79: {  	_ =	shalt  }
0x7a: {  	_ =	shalt  }
0x7b: {  	_ =	shalt  }
0x7c: {  	_ =	shalt  }
0x7d: {  	_ =	shalt  }
0x7e: {  	_ =	shalt  }
0x7f: {  	_ =	shalt  }
0x80: {  	_ =	shalt  }
0x81: {  	_ =	shalt  }
0x82: {  	_ =	shalt  }
0x83: {  	_ =	shalt  }
0x84: {  	_ =	shalt  }
0x85: {  	_ =	shalt  }
0x86: {  	_ =	shalt  }
0x87: {  	_ =	shalt  }
.Lfunc_end0:
.L_simem_size_0:
called_computation_lowered:
.L_overlay_start_0:
0x88: {  	s2 =	sld [smem:$0x3FD9]  }
0x89: {  	s3 =	sld [smem:$0x3FFE];
	_ =	sdelay $0x1  }
0x8a: {  	s1 =	srdreg.scid  }
0x8b: {  	s0 =	sand.u32 $0x1, s1  }
0x8c: {  	s17 =	sshll.u32 s0, $0xA;
	s2 =	sadd.s32 s3, s2  }
0x8d: {  	s2 =	sadd.s32 s2, s17  }
0x8e: {  	[smem:$0x3FC0] =	sst s2  }
0x8f: {  	_ = 	snop  }
0x90: {  	s2 =	sld [smem:$0x3FC9]  }
0x91: {  	s18 =	sld [smem:$0x3FC7]  }
0x92: {  	s4 =	sld [smem:$0x3FC4]  }
0x93: {  	s5 =	sld [smem:$0x3FD0];
	(tm) =	ssettm $0x1  }
0x94: {  	s6 =	sld [smem:$0x3FFB];
	_ =	sdelay $0x3  }
0x95: {  	_ =	strace s6  }
0x96: {  	s6 =	sld [smem:$0x3FFC];
	_ =	sdelay $0x3  }
0x97: {  	_ =	strace s6  }
0x98: {  	s6 =	sld [smem:$0x3FFD];
	_ =	sdelay $0x3  }
0x99: {  	_ =	strace s6  }
0x9a: {  	_ =	strace $0x8FFFFFFF  }
0x9b: {  	s19 =	sld [smem:$0x3FDB];
	_ =	sdelay $0x1  }
0x9c: {  	s7 =	simm.s32 $_scs_section_size  }
0x9d: {  	s8 =	simm.s32 $_size__tile_overlayer_lowered;
	s9 =	simm.s32 $_tile_overlayer_lowered  }
0x9e: {  	s22 =	simm.s32 $0x1BFF;
	s21 =	sshll.u32 s9, $0x1;
	s6 =	sadd.s32 s7, s19  }
0x9f: {  	s10 =	simm.s32 $0x0;
	s20 =	sshll.u32 s8, $0x1;
	s8 =	sadd.s32 s21, s6  }
0xa0: {  	[timem:s10], [sflag:s22] =	dma.local [hbm:s8], s20  }
0xa1: {  	_ =	swait.ge [sflag:s22], s20  }
0xa2: {  	s7 =	ssub.s32 $0x0, s20;
	[sflag:s22] =	ssyncset.done $0x0  }
0xa3: {  	[sflag:s22] =	ssyncadd.s32 s7;
	_ =	sdelay $0x1  }
0xa4: {  	s23 =	simm.s32 $0x1B8B  }
0xa5: {  	_ =	swait.ge [sflag:s23], $0x1  }
0xa6: {  	[sflag:s23] =	ssyncset.done $0x0  }
0xa7: {  	s25 =	simm.s32 $0x1B8E;
	s24 =	sld [smem:$0x3FFE];
	[sflag:s23] =	ssyncadd.s32 $0xFFFFFFFF  }
0xa8: {  	s26 =	simm.s32 $execute0_lowered;
	[smem:$0x3FD2] =	sst s25  }
0xa9: {  	s8 =	sshll.u32 s26, $0x1;
	_ =	strace $0x80000046;
	[dreg:$0x1] =	wrdreg $0xFFFFFFFF  }
0xaa: {  	s28 =	simm.s32 $_size_execute0_lowered;
	s6 =	sadd.s32 s6, s8;
	[dreg:$0x0] =	wrdreg $0x0  }
0xab: {  	s8 =	sshll.u32 s28, $0x1;
	[dreg:$0x2] =	wrdreg s6  }
0xac: {  	[dreg:$0x3] =	wrdreg s8  }
0xad: {  	[dreg:$0x4] =	wrdreg $0xC0  }
0xae: {  	_ =	task [dreg:s10], $0x5FFFF  }
0xaf: {  	[dreg:$0x1] =	wrdreg $0xFFFFFFFF  }
0xb0: {  	[dreg:$0x0] =	wrdreg $0x60  }
0xb1: {  	[dreg:$0x2] =	wrdreg s5  }
0xb2: {  	[dreg:$0x3] =	wrdreg s18  }
0xb3: {  	[dreg:$0x4] =	wrdreg s24  }
0xb4: {  	[dreg:$0x5] =	wrdreg s4  }
0xb5: {  	[dreg:$0x6] =	wrdreg s2  }
0xb6: {  	[dreg:$0x7] =	wrdreg $0x0  }
0xb7: {  	[dreg:$0x8] =	wrdreg $0x9  }
0xb8: {  	_ =	task.clear_ibuf [dreg:s10], $0x9FFFF;
	_ =	strace $0x90000046  }
0xb9: {  	s29 =	simm.s32 $0x9;
	_ =	strace $0x80000048  }
0xba: {  	_ =	swait.ge [sflag:s29], $0x1  }
0xbb: {  	[sflag:s29] =	ssyncadd.s32 $0xFFFFFFFF  }
0xbc: {  	_ =	strace $0x90000048  }
0xbd: {  	_ =	sfence  }
0xbe: {  	s30 =	sld [smem:$0x0];
	_ =	sdelay $0x2  }
0xbf: {  	s31 =	sshll.u32 s1, $0xD;
	s1 =	sshrl.u32 s1, $0x2  }
0xc0: {  	s3 =	sand.u32 $0x4000, s31;
	s1 =	sadd.s32 s1, s30  }
0xc1: {  	s0 =	sor.u32 s3, s0;
	s1 =	sshll.u32 s1, $0x11  }
0xc2: {  	s0 =	sor.u32 s1, s0  }
0xc3: {  	s0 =	sadd.s32 $0x8F2B, s0  }
0xc4: {  	[sflag:s0] =	ssyncadd.remote.s32 $0x1  }
0xc5: {  	_ =	sfence.sel $0xFFFF  }
0xc6: {  	[dreg:$0x0] =	wrdreg $0xFFFFFFFF;
	(pc) =	sbr.abs _section_cstart, $3  }
0xc7: {  	[dreg:$0x1] =	wrdreg $0xFFFFFFFF  }
0xc8: {  	_ =	task.clear_ibuf [dreg:s10], $0x2FFFF;
	_ =	strace $0x9FFFFFFF  }
0xc9: {  	(tm) =	ssettm $0x7FFFFFFF  }
tec
execute0_lowered:
.L_overlay_start_1:
0x0: {  	(tag) =	ssettag $0x1  }
0x1: {  	s1 =	rddreg [dreg:$0x0]  }
0x2: {  	s2 =	rddreg [dreg:$0x1]  }
0x3: {  	s0 =	rddreg [dreg:$0x2]  }
0x4: {  	s3 =	rddreg [dreg:$0x3]  }
0x5: {  	s5 =	rddreg [dreg:$0x5];
	s6 =	simm.s32 $0x0  }
0x6: {  	s19 =	srdreg.scid;
	s13 =	stileid.u32;
	s28 =	simm.s32 $0x1  }
0x7: {  	s30 =	simm.s32 $0x12080;
	s31 =	simm.s32 $0x12900;
	s29 =	simm.s32 $0x11880  }
0x8: {  	[smem:$0x7FF] =	sst s6;
	s7 =	sadd.s32 $0x7600, s0;
	s8 =	sadd.s32 $0x26000, s0  }
0x9: {  	s9 =	sadd.s32 $0x1400, s0;
	s4 =	sadd.s32 $0x44E00, s0;
	s17 =	sadd.s32 $0x1000, s0  }
0xa: {  	s18 =	sadd.s32 $0x44A00, s0;
	_ =	strace $0x80000047;
	[dreg:$0x7] =	wrdreg s4  }
0xb: {  	s10 =	sadd.s32 $0x44C00, s0;
	s20 =	sand.u32 $0x1, s19;
	[dreg:$0x8] =	wrdreg s17  }
0xc: {  	s11 =	sshll.u32 s13, $0x10;
	s15 =	sadd.s32 $0x45600, s0;
	[dreg:$0x9] =	wrdreg s18  }
0xd: {  	[dreg:$0xa] =	wrdreg s10;
	s4 =	ssub.s32 $0x2, s20;
	s12 =	sshll.u32 s20, $0x14  }
0xe: {  	s16 =	sadd.s32 s11, s5;
	s24 =	sor.u32 s13, s20;
	p1 =	sne.s32 s20, $0x0  }
0xf: {  	s10 =	simm.s32 $0x0;
	s21 =	sshrl.u32 s4, $0x1;
	s12 =	sor.u32 s11, s12  }
0x10: {  	s17 =	sadd.s32 $0x4000, s16;
	s18 =	sadd.s32 $0x8000, s16;
	s22 =	sshrl.u32 s12, $0x3  }
0x11: {  	s19 =	sadd.s32 $0xC000, s16;
	s0 =	ssub.s32 s4, s21;
	s4 =	sadd.s32 s22, s15  }
.Ltmp0:
0x12: {  	p0 =	sne.s32 s24, $0x0;
	s23 =	sadd.s32 $0x8, s4;
	(pc) =	sbr.rel .LBB2_1-.Ltmp0, $4  }
0x13: {  	s11 =	simm.s32 $0x10880;
	s25 =	sadd.s32 $0x808, s4;
	[dreg:$0xb] =	wrdreg s23  }
0x14: {  	s24 =	smax.u32 s0, $0x1;
	s26 =	sadd.s32 $0x1008, s4;
	[dreg:$0xc] =	wrdreg s25  }
0x15: {  	s0 =	simm.s32 $0x10080;
	[dreg:$0xd] =	wrdreg s26;
	s23 =	sadd.s32 $0x1808, s4  }
0x16: {  	v0 =	vmov s20;
	s25 =	sshll.u32 s13, $0xB;
	s4 =	simm.s32 $0x11080;
	s26 =	simm.s32 $0x800  }
.LBB2_17:
0x17: {  	[bflag:$0x0] =	sbarrier.arrive $0xFFFF  }
0x18: {  	[tilespmem:s31], [sflag:$0x1] =	stream.linear.gather [spmem:s16], $0x4000, $0x38;
	[tilespmem:$0x16A00] =	vst v63  }
0x19: {  	_ =	swait.ge [sflag:s28], $0x4000  }
0x1a: {  	[sflag:s28] =	ssyncset.done $0x0  }
0x1b: {  	s12 =	rddreg [dreg:$0xb];
	[sflag:s28] =	ssyncadd.s32 $0xFFFFC000  }
0x1c: {  	[hbm4b:s12+s6] =	stream.linear.scatter [tilespmem:s31], [sflag:$0x1], $0x4000, $0x38;
	[tilespmem:$0x16A00] =	vst v63  }
0x1d: {  	_ =	swait.ge [sflag:s28], $0x4000  }
0x1e: {  	[sflag:s28] =	ssyncset.done $0x0  }
0x1f: {  	[sflag:s28] =	ssyncadd.s32 $0xFFFFC000  }
0x20: {  	[tilespmem:s31], [sflag:$0x1] =	stream.linear.gather [spmem:s17], $0x4000, $0x38;
	[tilespmem:$0x16A00] =	vst v63  }
0x21: {  	_ =	swait.ge [sflag:s28], $0x4000  }
0x22: {  	[sflag:s28] =	ssyncset.done $0x0  }
0x23: {  	s21 =	rddreg [dreg:$0xc];
	[sflag:s28] =	ssyncadd.s32 $0xFFFFC000  }
0x24: {  	[hbm4b:s21+s6] =	stream.linear.scatter [tilespmem:s31], [sflag:$0x1], $0x4000, $0x38;
	[tilespmem:$0x16A00] =	vst v63  }
0x25: {  	_ =	swait.ge [sflag:s28], $0x4000  }
0x26: {  	[sflag:s28] =	ssyncset.done $0x0  }
0x27: {  	[sflag:s28] =	ssyncadd.s32 $0xFFFFC000  }
0x28: {  	[tilespmem:s31], [sflag:$0x1] =	stream.linear.gather [spmem:s18], $0x4000, $0x38;
	[tilespmem:$0x16A00] =	vst v63  }
0x29: {  	_ =	swait.ge [sflag:s28], $0x4000  }
0x2a: {  	[sflag:s28] =	ssyncset.done $0x0  }
0x2b: {  	s22 =	rddreg [dreg:$0xd];
	[sflag:s28] =	ssyncadd.s32 $0xFFFFC000  }
0x2c: {  	[hbm4b:s22+s6] =	stream.linear.scatter [tilespmem:s31], [sflag:$0x1], $0x4000, $0x38;
	[tilespmem:$0x16A00] =	vst v63  }
0x2d: {  	_ =	swait.ge [sflag:s28], $0x4000  }
0x2e: {  	[sflag:s28] =	ssyncset.done $0x0  }
0x2f: {  	[sflag:s28] =	ssyncadd.s32 $0xFFFFC000  }
0x30: {  	[tilespmem:s31], [sflag:$0x1] =	stream.linear.gather [spmem:s19], $0x4000, $0x38;
	[tilespmem:$0x16A00] =	vst v63  }
0x31: {  	_ =	swait.ge [sflag:s28], $0x4000  }
0x32: {  	[sflag:s28] =	ssyncset.done $0x0  }
0x33: {  	[sflag:s28] =	ssyncadd.s32 $0xFFFFC000  }
0x34: {  	[hbm4b:s23+s6] =	stream.linear.scatter [tilespmem:s31], [sflag:$0x1], $0x4000, $0x38;
	[tilespmem:$0x16A00] =	vst v63  }
0x35: {  	_ =	swait.ge [sflag:s28], $0x4000  }
0x36: {  	[sflag:s28] =	ssyncset.done $0x0  }
0x37: {  	[sflag:s28] =	ssyncadd.s32 $0xFFFFC000  }
0x38: {  	s13 =	simm.s32 @!p0 $0x12880;
	s12 =	simm.s32 @!p0 $0x0;
	s14 =	rddreg [dreg:$0x4]  }
0x39: {  	[tilespmem:s13], [sflag:$0x1] =	stream.linear.gather @!p0 [hbm4b:s14+s12], $0x80, $0x38;
	[tilespmem:$0x16A00] =	vst v63  }
0x3a: {  	s14 =	simm.s32 @!p0 $0x1  }
0x3b: {  	s10 =	sadd.s32 $0x1, s10;
	_ =	swait.ge @!p0 [sflag:s14], $0x80  }
0x3c: {  	p2 =	sne.s32 s10, s24;
	[sflag:s14] =	ssyncset.done @!p0 $0x0  }
.Ltmp1:
0x3d: {  	[sflag:s14] =	ssyncadd.s32 @!p0 $0xFFFFFF80;
	(pc) =	sbr.rel @!p2 .LBB2_18-.Ltmp1, $4  }
0x3e: {  	[hbm4b:s15+s12] =	stream.linear.scatter @!p0 [tilespmem:s13], [sflag:$0x1], $0x40, $0x38;
	[tilespmem:$0x16A00] =	vst v63  }
0x3f: {  	_ =	swait.ge @!p0 [sflag:s14], $0x40  }
0x40: {  	[sflag:s14] =	ssyncset.done @!p0 $0x0  }
0x41: {  	[sflag:s14] =	ssyncadd.s32 @!p0 $0xFFFFFFC0  }
.LBB2_1:
0x42: {  	s12 =	rddreg [dreg:$0x8];
	s13 =	simm.s32 $0x16900  }
0x43: {  	[tilespmem:s13], [sflag:$0x1] =	stream.linear.gather [hbm4b:s12+s6], $0x80, $0x38;
	[tilespmem:$0x16A00] =	vst v63  }
0x44: {  	_ =	swait.ge [sflag:s28], $0x80  }
0x45: {  	[sflag:s28] =	ssyncset.done $0x0  }
0x46: {  	s20 =	simm.s32 $0x16980;
	s14 =	rddreg [dreg:$0x9];
	[sflag:s28] =	ssyncadd.s32 $0xFFFFFF80  }
0x47: {  	[tilespmem:s20], [sflag:$0x1] =	stream.linear.gather [hbm4b:s14+s6], $0x80, $0x38;
	[tilespmem:$0x16A00] =	vst v63  }
0x48: {  	_ =	swait.ge [sflag:s28], $0x80  }
0x49: {  	[sflag:s28] =	ssyncset.done $0x0  }
0x4a: {  	s21 =	rddreg [dreg:$0xa];
	[sflag:s28] =	ssyncadd.s32 $0xFFFFFF80  }
0x4b: {  	[tilespmem:s30], [sflag:$0x1] =	stream.linear.gather [hbm4b:s21+s6], $0x800, $0x38;
	[tilespmem:$0x16A00] =	vst v63  }
0x4c: {  	_ =	swait.ge [sflag:s28], $0x800  }
0x4d: {  	[sflag:s28] =	ssyncset.done $0x0  }
0x4e: {  	s22 =	rddreg [dreg:$0x7];
	[sflag:s28] =	ssyncadd.s32 $0xFFFFF800  }
0x4f: {  	[tilespmem:s31], [sflag:$0x1] =	stream.linear.gather [hbm4b:s22+s6], $0x4000, $0x38;
	[tilespmem:$0x16A00] =	vst v63  }
0x50: {  	_ =	swait.ge [sflag:s28], $0x4000  }
0x51: {  	[sflag:s28] =	ssyncset.done $0x0  }
0x52: {  	[sflag:s28] =	ssyncadd.s32 $0xFFFFC000  }
0x53: {  	[spmem:s16] =	stream.linear.scatter [tilespmem:s31], [sflag:$0x1], $0x4000, $0x38;
	[tilespmem:$0x16A00] =	vst v63  }
0x54: {  	_ =	swait.ge [sflag:s28], $0x4000  }
0x55: {  	[sflag:s28] =	ssyncset.done $0x0  }
0x56: {  	[sflag:s28] =	ssyncadd.s32 $0xFFFFC000  }
0x57: {  	[spmem:s17] =	stream.linear.scatter [tilespmem:s31], [sflag:$0x1], $0x4000, $0x38;
	[tilespmem:$0x16A00] =	vst v63  }
0x58: {  	_ =	swait.ge [sflag:s28], $0x4000  }
0x59: {  	[sflag:s28] =	ssyncset.done $0x0  }
0x5a: {  	[sflag:s28] =	ssyncadd.s32 $0xFFFFC000  }
0x5b: {  	[spmem:s18] =	stream.linear.scatter [tilespmem:s31], [sflag:$0x1], $0x4000, $0x38;
	[tilespmem:$0x16A00] =	vst v63  }
0x5c: {  	_ =	swait.ge [sflag:s28], $0x4000  }
0x5d: {  	[sflag:s28] =	ssyncset.done $0x0  }
0x5e: {  	[sflag:s28] =	ssyncadd.s32 $0xFFFFC000  }
0x5f: {  	[spmem:s19] =	stream.linear.scatter [tilespmem:s31], [sflag:$0x1], $0x4000, $0x38;
	[tilespmem:$0x16A00] =	vst v63  }
0x60: {  	_ =	swait.ge [sflag:s28], $0x4000  }
0x61: {  	[sflag:s28] =	ssyncset.done $0x0  }
0x62: {  	[sflag:s28] =	ssyncadd.s32 $0xFFFFC000  }
0x63: {  	[bflag:$0x0] =	sbarrier.arrive $0xFFFF  }
0x64: {  	v1 =	vld [tilespmem:$0x16900]  }
0x65: {  	s13 =	simm.s32 $0x0;
	v2 =	vld [tilespmem:$0x16980]  }
.LBB2_2:
0x66: {  	s12 =	sshll.u32 s13, $0xF  }
0x67: {  	s12 =	sor.u32 s25, s12  }
0x68: {  	s12 =	smin.u32 s12, $0xF3A40  }
0x69: {  	s12 =	sshrl.u32 s12, $0x3  }
0x6a: {  	s20 =	simm.s32 $0x0;
	s14 =	sadd.s32 s1, s12  }
0x6b: {  	[tilespmem:s0], [sflag:$0x1] =	stream.linear.gather [hbm4b:s14+s20], $0x800, $0x38;
	[tilespmem:$0x16A00] =	vst v63  }
0x6c: {  	_ =	swait.ge [sflag:s28], $0x800  }
0x6d: {  	[sflag:s28] =	ssyncset.done $0x0  }
0x6e: {  	s14 =	sadd.s32 $0x1E848, s14;
	[sflag:s28] =	ssyncadd.s32 $0xFFFFF800  }
0x6f: {  	[tilespmem:s11], [sflag:$0x1] =	stream.linear.gather [hbm4b:s14+s20], $0x800, $0x38;
	[tilespmem:$0x16A00] =	vst v63  }
0x70: {  	_ =	swait.ge [sflag:s28], $0x800  }
0x71: {  	[sflag:s28] =	ssyncset.done $0x0  }
0x72: {  	s12 =	sadd.s32 s2, s12;
	[sflag:s28] =	ssyncadd.s32 $0xFFFFF800  }
0x73: {  	[tilespmem:s4], [sflag:$0x1] =	stream.linear.gather [hbm4b:s12+s20], $0x800, $0x38;
	[tilespmem:$0x16A00] =	vst v63  }
0x74: {  	_ =	swait.ge [sflag:s28], $0x800  }
0x75: {  	[sflag:s28] =	ssyncset.done $0x0  }
0x76: {  	s14 =	simm.s32 $0x0;
	[sflag:s28] =	ssyncadd.s32 $0xFFFFF800  }
0x77: {  	v3 =	vld [tilespmem:s14+$0x100B0]  }
0x78: {  	v4 =	vld [tilespmem:s14+$0x108B0]  }
0x79: {  	v5 =	vld [tilespmem:s14+$0x10080]  }
0x7a: {  	v6 =	vld [tilespmem:s14+$0x10090]  }
0x7b: {  	v7 =	vld [tilespmem:s14+$0x100A0]  }
0x7c: {  	v8 =	vld [tilespmem:s14+$0x10880]  }
0x7d: {  	v9 =	vld [tilespmem:s14+$0x10890]  }
0x7e: {  	v10 =	vld [tilespmem:s14+$0x108A0]  }
0x7f: {  	v11 =	vld [tilespmem:s14+$0x110B0]  }
0x80: {  	v12 =	vld [tilespmem:s14+$0x11080];
	v3 =	vsub.f32 v3, v1;
	v4 =	vsub.f32 v4, v2  }
0x81: {  	v13 =	vld [tilespmem:s14+$0x11090];
	v5 =	vsub.f32 v5, v1;
	v6 =	vsub.f32 v6, v1  }
0x82: {  	v7 =	vsub.f32 v7, v1;
	v8 =	vsub.f32 v8, v2  }
0x83: {  	v9 =	vsub.f32 v9, v2;
	v10 =	vsub.f32 v10, v2  }
0x84: {  	vm0 =	veq.s32 v11, v0;
	v3 =	vmul.f32 $1.024000000e+03, v3;
	v4 =	vmul.f32 $1.024000000e+03, v4  }
0x85: {  	vm1 =	veq.s32 v12, v0;
	v5 =	vmul.f32 $1.024000000e+03, v5;
	v6 =	vmul.f32 $1.024000000e+03, v6  }
0x86: {  	vm2 =	veq.s32 v13, v0;
	v8 =	vmul.f32 $1.024000000e+03, v8;
	v7 =	vmul.f32 $1.024000000e+03, v7  }
0x87: {  	v9 =	vmul.f32 $1.024000000e+03, v9;
	v10 =	vmul.f32 $1.024000000e+03, v10;
	v3 =	vmax.f32 v3, $-1.000000000e+00  }
0x88: {  	v4 =	vmax.f32 v4, $-1.000000000e+00;
	v5 =	vmax.f32 v5, $-1.000000000e+00;
	v6 =	vmax.f32 v6, $-1.000000000e+00  }
0x89: {  	v7 =	vmax.f32 v7, $-1.000000000e+00;
	v8 =	vmax.f32 v8, $-1.000000000e+00;
	v9 =	vmax.f32 v9, $-1.000000000e+00  }
0x8a: {  	v10 =	vmax.f32 v10, $-1.000000000e+00;
	v3 =	vmin.f32 v3, $1.025000000e+03;
	v4 =	vmin.f32 v4, $1.025000000e+03  }
0x8b: {  	v5 =	vmin.f32 v5, $1.025000000e+03;
	v6 =	vmin.f32 v6, $1.025000000e+03;
	v3 =	vadd.f32 $1.258291200e+07, v3  }
0x8c: {  	v7 =	vmin.f32 v7, $1.025000000e+03;
	v4 =	vadd.f32 $1.258291200e+07, v4;
	v5 =	vadd.f32 $1.258291200e+07, v5  }
0x8d: {  	v9 =	vmin.f32 v9, $1.025000000e+03;
	v6 =	vadd.f32 $1.258291200e+07, v6;
	v3 =	vadd.f32 $-1.258291200e+07, v3  }
0x8e: {  	v10 =	vmin.f32 v10, $1.025000000e+03;
	v7 =	vadd.f32 $1.258291200e+07, v7;
	v4 =	vadd.f32 $-1.258291200e+07, v4  }
0x8f: {  	v9 =	vadd.f32 $1.258291200e+07, v9;
	v10 =	vadd.f32 $1.258291200e+07, v10;
	v3 =	vmax.f32 v3, $0.0e+00  }
0x90: {  	v5 =	vadd.f32 $-1.258291200e+07, v5;
	v4 =	vmax.f32 v4, $0.0e+00;
	v3 =	vmin.f32 v3, $1.023000000e+03  }
0x91: {  	v6 =	vadd.f32 $-1.258291200e+07, v6;
	v4 =	vmin.f32 v4, $1.023000000e+03;
	v3 =	vtrunc.f32 v3  }
0x92: {  	v7 =	vadd.f32 $-1.258291200e+07, v7;
	v4 =	vtrunc.f32 v4;
	v3 =	vcvt.f32.s32 v3  }
0x93: {  	v5 =	vmax.f32 v5, $0.0e+00;
	v6 =	vmax.f32 v6, $0.0e+00;
	v4 =	vcvt.f32.s32 v4  }
0x94: {  	v7 =	vmax.f32 v7, $0.0e+00;
	v5 =	vmin.f32 v5, $1.023000000e+03;
	v3 =	vshll.u32 v3, $0xA  }
0x95: {  	v6 =	vmin.f32 v6, $1.023000000e+03;
	v3 =	vor.u32 v4, v3;
	v4 =	vmin.f32 v8, $1.025000000e+03;
	v8 =	vld [tilespmem:s14+$0x110A0]  }
0x96: {  	v7 =	vmin.f32 v7, $1.023000000e+03;
	v5 =	vtrunc.f32 v5;
	v14 =	vand.u32 $0x7FF, v3  }
0x97: {  	v6 =	vtrunc.f32 v6;
	v4 =	vadd.f32 $1.258291200e+07, v4;
	v11 =	vor.u32 $0x100000, v14  }
0x98: {  	v7 =	vtrunc.f32 v7;
	v5 =	vcvt.f32.s32 v5;
	v3 =	vsel vm0, v3, v11  }
0x99: {  	s12 =	simm.s32 $0x40;
	v6 =	vcvt.f32.s32 v6;
	v7 =	vcvt.f32.s32 v7;
	v4 =	vadd.f32 $-1.258291200e+07, v4;
	[tilespmem:s14+$0x118B0] =	vst v3  }
0x9a: {  	vm0 =	veq.s32 v8, v0;
	v8 =	vadd.f32 $-1.258291200e+07, v9;
	v9 =	vadd.f32 $-1.258291200e+07, v10;
	v10 =	vld [tilespmem:s12+$0x108B0]  }
0x9b: {  	vm2 =	vmmov vm2;
	v5 =	vshll.u32 v5, $0xA;
	v4 =	vmax.f32 v4, $0.0e+00;
	v56 =	vld [tilespmem:s12+$0x100A0]  }
0x9c: {  	v6 =	vshll.u32 v6, $0xA;
	v7 =	vshll.u32 v7, $0xA;
	v15 =	vld [tilespmem:s12+$0x10890];
	v4 =	vmin.f32 v4, $1.023000000e+03  }
0x9d: {  	v61 =	vld [tilespmem:s12+$0x11090];
	v8 =	vmax.f32 v8, $0.0e+00;
	v9 =	vmax.f32 v9, $0.0e+00;
	v4 =	vtrunc.f32 v4  }
0x9e: {  	v8 =	vmin.f32 v8, $1.023000000e+03;
	v3 =	vmin.f32 v9, $1.023000000e+03;
	v4 =	vcvt.f32.s32 v4  }
0x9f: {  	vm0 =	vmmov vm0;
	v9 =	vld [tilespmem:s12+$0x100B0];
	v8 =	vtrunc.f32 v8;
	v3 =	vtrunc.f32 v3  }
0xa0: {  	v8 =	vcvt.f32.s32 v8;
	v3 =	vcvt.f32.s32 v3;
	v10 =	vsub.f32 v10, v2  }
0xa1: {  	v11 =	vld [tilespmem:s12+$0x10080];
	v5 =	vor.u32 v4, v5;
	v58 =	vsub.f32 v56, v1;
	v59 =	vsub.f32 v15, v2  }
0xa2: {  	v55 =	vld [tilespmem:s12+$0x10090];
	vm4 =	veq.s32 v61, v0;
	v4 =	vand.u32 $0x7FF, v5;
	v57 =	vor.u32 v8, v6  }
0xa3: {  	v3 =	vor.u32 v3, v7;
	v16 =	vor.u32 $0x100000, v4;
	v10 =	vmul.f32 $1.024000000e+03, v10  }
0xa4: {  	v12 =	vmul.f32 $1.024000000e+03, v58;
	v13 =	vmul.f32 $1.024000000e+03, v59;
	v7 =	vsub.f32 v9, v1  }
0xa5: {  	v8 =	vand.u32 $0x7FF, v57;
	v9 =	vand.u32 $0x7FF, v3;
	v5 =	vsel vm1, v5, v16  }
0xa6: {  	v17 =	vor.u32 $0x100000, v8;
	v8 =	vsub.f32 v11, v1;
	v4 =	vor.u32 $0x100000, v9  }
0xa7: {  	v6 =	vld [tilespmem:s12+$0x10880];
	v9 =	vsub.f32 v55, v1;
	v10 =	vmax.f32 v10, $-1.000000000e+00;
	v7 =	vmul.f32 $1.024000000e+03, v7  }
0xa8: {  	v11 =	vld [tilespmem:s12+$0x108A0];
	v12 =	vmax.f32 v12, $-1.000000000e+00;
	v13 =	vmax.f32 v13, $-1.000000000e+00;
	v10 =	vmin.f32 v10, $1.025000000e+03  }
0xa9: {  	v12 =	vmin.f32 v12, $1.025000000e+03;
	v13 =	vmin.f32 v13, $1.025000000e+03;
	v7 =	vmax.f32 v7, $-1.000000000e+00  }
0xaa: {  	v8 =	vmul.f32 $1.024000000e+03, v8;
	v10 =	vadd.f32 $1.258291200e+07, v10;
	v7 =	vmin.f32 v7, $1.025000000e+03  }
0xab: {  	v9 =	vmul.f32 $1.024000000e+03, v9;
	v12 =	vadd.f32 $1.258291200e+07, v12;
	v7 =	vadd.f32 $1.258291200e+07, v7  }
0xac: {  	v6 =	vsub.f32 v6, v2;
	v10 =	vadd.f32 $-1.258291200e+07, v10;
	v8 =	vmax.f32 v8, $-1.000000000e+00  }
0xad: {  	v9 =	vmax.f32 v9, $-1.000000000e+00;
	v11 =	vsub.f32 v11, v2;
	v7 =	vadd.f32 $-1.258291200e+07, v7  }
0xae: {  	v60 =	vld [tilespmem:s12+$0x11080];
	[tilespmem:s14+$0x11880] =	vst v5;
	v6 =	vmul.f32 $1.024000000e+03, v6;
	v5 =	vmin.f32 v8, $1.025000000e+03;
	v9 =	vmin.f32 v9, $1.025000000e+03  }
0xaf: {  	v10 =	vmax.f32 v10, $0.0e+00;
	v5 =	vadd.f32 $1.258291200e+07, v5;
	v7 =	vmax.f32 v7, $0.0e+00  }
0xb0: {  	v9 =	vadd.f32 $1.258291200e+07, v9;
	v11 =	vmul.f32 $1.024000000e+03, v11;
	v7 =	vmin.f32 v7, $1.023000000e+03  }
0xb1: {  	v8 =	vmin.f32 v10, $1.023000000e+03;
	v6 =	vmax.f32 v6, $-1.000000000e+00;
	v7 =	vtrunc.f32 v7  }
0xb2: {  	v10 =	vld [tilespmem:s12+$0x110B0];
	v8 =	vtrunc.f32 v8;
	v6 =	vmin.f32 v6, $1.025000000e+03;
	v7 =	vcvt.f32.s32 v7  }
0xb3: {  	v5 =	vadd.f32 $-1.258291200e+07, v5;
	v9 =	vadd.f32 $-1.258291200e+07, v9;
	v8 =	vcvt.f32.s32 v8  }
0xb4: {  	v11 =	vmax.f32 v11, $-1.000000000e+00;
	v6 =	vadd.f32 $1.258291200e+07, v6;
	v7 =	vshll.u32 v7, $0xA  }
0xb5: {  	v11 =	vmin.f32 v11, $1.025000000e+03;
	v5 =	vmax.f32 v5, $0.0e+00;
	v7 =	vor.u32 v8, v7;
	v8 =	vld [tilespmem:s12+$0x110A0]  }
0xb6: {  	v9 =	vmax.f32 v9, $0.0e+00;
	v6 =	vadd.f32 $-1.258291200e+07, v6;
	v18 =	vand.u32 $0x7FF, v7  }
0xb7: {  	v5 =	vmin.f32 v5, $1.023000000e+03;
	vm1 =	veq.s32 v10, v0;
	v10 =	vor.u32 $0x100000, v18  }
0xb8: {  	v18 =	vsel vm1, v7, v10;
	v7 =	vadd.f32 $1.258291200e+07, v13;
	v10 =	vadd.f32 $1.258291200e+07, v11  }
0xb9: {  	v9 =	vmin.f32 v9, $1.023000000e+03;
	v5 =	vtrunc.f32 v5;
	v11 =	vadd.f32 $-1.258291200e+07, v12  }
0xba: {  	vm3 =	veq.s32 v8, v0;
	v7 =	vadd.f32 $-1.258291200e+07, v7;
	v8 =	vadd.f32 $-1.258291200e+07, v10  }
0xbb: {  	v6 =	vmax.f32 v6, $0.0e+00;
	vm1 =	veq.s32 v60, v0;
	v10 =	vmax.f32 v11, $0.0e+00  }
0xbc: {  	v10 =	vmin.f32 v10, $1.023000000e+03;
	v7 =	vmax.f32 v7, $0.0e+00;
	v62 =	vmax.f32 v8, $0.0e+00  }
0xbd: {  	v8 =	vmin.f32 v6, $1.023000000e+03;
	v6 =	vtrunc.f32 v9;
	v63 =	vtrunc.f32 v10  }
0xbe: {  	v10 =	vcvt.f32.s32 v5;
	v5 =	vsel vm2, v57, v17;
	v11 =	vmin.f32 v7, $1.023000000e+03  }
0xbf: {  	s21 =	simm.s32 $0x300;
	s20 =	simm.s32 $0x80;
	[tilespmem:s12+$0x118B0] =	vst v18;
	v7 =	vmin.f32 v62, $1.023000000e+03;
	v9 =	vcvt.f32.s32 v6;
	v6 =	vcvt.f32.s32 v63  }
.LBB2_3:
0xc0: {  	v8 =	vtrunc.f32 v8  }
0xc1: {  	p2 =	sne.s32 s21, $0x1F00;
	v12 =	vld [tilespmem:s20+$0x100B0];
	v10 =	vshll.u32 v10, $0xA;
	v11 =	vtrunc.f32 v11;
	[tilespmem:s14+$0x11890] =	vst v5;
	vm2 =	vmmov vm4  }
0xc2: {  	v7 =	vtrunc.f32 v7;
	v13 =	vld [tilespmem:s20+$0x108B0];
	v5 =	vcvt.f32.s32 v8;
	v8 =	vshll.u32 v9, $0xA  }
0xc3: {  	v11 =	vcvt.f32.s32 v11;
	v7 =	vcvt.f32.s32 v7;
	v6 =	vshll.u32 v6, $0xA;
	v9 =	vld [tilespmem:s20+$0x10080]  }
0xc4: {  	v4 =	vsel vm0, v3, v4;
	vm0 =	vmmov vm3;
	v14 =	vld [tilespmem:s20+$0x10090];
	v10 =	vor.u32 v5, v10  }
0xc5: {  	v5 =	vor.u32 v11, v8;
	v3 =	vor.u32 v7, v6;
	v15 =	vld [tilespmem:s20+$0x100A0];
	v16 =	vand.u32 $0x7FF, v10;
	[tilespmem:s14+$0x118A0] =	vst v4;
	s14 =	smov.u32 s12;
	s12 =	smov.u32 s20  }
0xc6: {  	v7 =	vand.u32 $0x7FF, v5;
	v8 =	vand.u32 $0x7FF, v3;
	v6 =	vld [tilespmem:s12+$0x10880];
	v4 =	vsub.f32 v12, v1  }
0xc7: {  	v11 =	vld [tilespmem:s12+$0x10890];
	v12 =	vsub.f32 v13, v2;
	v13 =	vor.u32 $0x100000, v16;
	v16 =	vor.u32 $0x100000, v7  }
0xc8: {  	v7 =	vsub.f32 v9, v1;
	v9 =	vld [tilespmem:s12+$0x108A0];
	v17 =	vmul.f32 $1.024000000e+03, v4;
	v4 =	vor.u32 $0x100000, v8  }
0xc9: {  	v10 =	vsel vm1, v10, v13;
	v8 =	vld [tilespmem:s12+$0x11080];
	v14 =	vsub.f32 v14, v1;
	v12 =	vmul.f32 $1.024000000e+03, v12  }
0xca: {  	v7 =	vmul.f32 $1.024000000e+03, v7;
	v13 =	vld [tilespmem:s12+$0x11090];
	v15 =	vsub.f32 v15, v1;
	v17 =	vmax.f32 v17, $-1.000000000e+00;
	[tilespmem:s14+$0x11880] =	vst v10  }
0xcb: {  	v6 =	vsub.f32 v6, v2;
	v10 =	vld [tilespmem:s12+$0x110A0];
	v17 =	vmin.f32 v17, $1.025000000e+03;
	v12 =	vmax.f32 v12, $-1.000000000e+00  }
0xcc: {  	v11 =	vsub.f32 v11, v2;
	v17 =	vadd.f32 $1.258291200e+07, v17;
	v12 =	vmin.f32 v12, $1.025000000e+03  }
0xcd: {  	v14 =	vmul.f32 $1.024000000e+03, v14;
	v9 =	vsub.f32 v9, v2;
	v12 =	vadd.f32 $1.258291200e+07, v12  }
0xce: {  	v15 =	vmul.f32 $1.024000000e+03, v15;
	v6 =	vmul.f32 $1.024000000e+03, v6;
	v17 =	vadd.f32 $-1.258291200e+07, v17  }
0xcf: {  	v11 =	vmul.f32 $1.024000000e+03, v11;
	v9 =	vmul.f32 $1.024000000e+03, v9;
	v12 =	vadd.f32 $-1.258291200e+07, v12  }
0xd0: {  	v7 =	vmax.f32 v7, $-1.000000000e+00;
	v14 =	vmax.f32 v14, $-1.000000000e+00;
	v17 =	vmax.f32 v17, $0.0e+00  }
0xd1: {  	v15 =	vmax.f32 v15, $-1.000000000e+00;
	v17 =	vmin.f32 v17, $1.023000000e+03;
	v12 =	vmax.f32 v12, $0.0e+00  }
0xd2: {  	v7 =	vmin.f32 v7, $1.025000000e+03;
	v17 =	vtrunc.f32 v17;
	v12 =	vmin.f32 v12, $1.023000000e+03  }
0xd3: {  	v14 =	vmin.f32 v14, $1.025000000e+03;
	v17 =	vcvt.f32.s32 v17;
	v12 =	vtrunc.f32 v12;
	v18 =	vld [tilespmem:s12+$0x110B0]  }
0xd4: {  	v6 =	vmax.f32 v6, $-1.000000000e+00;
	v15 =	vmin.f32 v15, $1.025000000e+03;
	v12 =	vcvt.f32.s32 v12  }
0xd5: {  	v11 =	vmax.f32 v11, $-1.000000000e+00;
	v9 =	vmax.f32 v9, $-1.000000000e+00;
	v17 =	vshll.u32 v17, $0xA  }
0xd6: {  	v7 =	vadd.f32 $1.258291200e+07, v7;
	v14 =	vadd.f32 $1.258291200e+07, v14;
	v12 =	vor.u32 v12, v17  }
0xd7: {  	v6 =	vmin.f32 v6, $1.025000000e+03;
	v15 =	vadd.f32 $1.258291200e+07, v15;
	v17 =	vand.u32 $0x7FF, v12  }
0xd8: {  	v11 =	vmin.f32 v11, $1.025000000e+03;
	vm1 =	veq.s32 v18, v0;
	v17 =	vor.u32 $0x100000, v17  }
0xd9: {  	v6 =	vadd.f32 $1.258291200e+07, v6;
	v9 =	vmin.f32 v9, $1.025000000e+03;
	v12 =	vsel vm1, v12, v17  }
0xda: {  	v9 =	vadd.f32 $1.258291200e+07, v9;
	vm1 =	veq.s32 v8, v0;
	v8 =	vadd.f32 $1.258291200e+07, v11;
	[tilespmem:s12+$0x118B0] =	vst v12  }
0xdb: {  	vm4 =	veq.s32 v13, v0;
	v7 =	vadd.f32 $-1.258291200e+07, v7;
	v11 =	vadd.f32 $-1.258291200e+07, v14  }
0xdc: {  	vm3 =	veq.s32 v10, v0;
	v6 =	vadd.f32 $-1.258291200e+07, v6;
	v12 =	vadd.f32 $-1.258291200e+07, v15  }
0xdd: {  	v7 =	vmax.f32 v7, $0.0e+00;
	v9 =	vadd.f32 $-1.258291200e+07, v9;
	v8 =	vadd.f32 $-1.258291200e+07, v8  }
0xde: {  	v7 =	vmin.f32 v7, $1.023000000e+03;
	v10 =	vmax.f32 v11, $0.0e+00;
	v11 =	vmax.f32 v12, $0.0e+00  }
.Ltmp2:
0xdf: {  	v6 =	vmax.f32 v6, $0.0e+00;
	v10 =	vmin.f32 v10, $1.023000000e+03;
	v11 =	vmin.f32 v11, $1.023000000e+03;
	(pc) =	sbr.rel @p2 .LBB2_3-.Ltmp2, $4  }
0xe0: {  	v7 =	vtrunc.f32 v7;
	v9 =	vmax.f32 v9, $0.0e+00;
	v12 =	vmax.f32 v8, $0.0e+00  }
0xe1: {  	v8 =	vmin.f32 v6, $1.023000000e+03;
	v6 =	vtrunc.f32 v10;
	v13 =	vtrunc.f32 v11  }
0xe2: {  	v10 =	vcvt.f32.s32 v7;
	v7 =	vmin.f32 v9, $1.023000000e+03;
	v11 =	vmin.f32 v12, $1.023000000e+03  }
0xe3: {  	s20 =	sshra.s32 s21, $0x2;
	s21 =	sadd.s32 $0x100, s21;
	v5 =	vsel vm2, v5, v16;
	v9 =	vcvt.f32.s32 v6;
	v6 =	vcvt.f32.s32 v13  }
0xe4: {  	v12 =	vld [tilespmem:s20+$0x100B0];
	[tilespmem:s14+$0x11890] =	vst v5  }
0xe5: {  	v40 =	vtrunc.f32 v8;
	v41 =	vshll.u32 v10, $0xA;
	v42 =	vtrunc.f32 v11;
	v43 =	vld [tilespmem:s20+$0x108B0]  }
0xe6: {  	vm2 =	vmmov vm4;
	v7 =	vtrunc.f32 v7;
	v5 =	vcvt.f32.s32 v40;
	v13 =	vld [tilespmem:s20+$0x10080]  }
0xe7: {  	v3 =	vsel vm0, v3, v4;
	v10 =	vcvt.f32.s32 v42;
	v7 =	vcvt.f32.s32 v7;
	v14 =	vld [tilespmem:s20+$0x10090]  }
0xe8: {  	vm9 =	vmmov vm3;
	v9 =	vshll.u32 v9, $0xA;
	v6 =	vshll.u32 v6, $0xA;
	v44 =	vld [tilespmem:s20+$0x100A0];
	[tilespmem:s14+$0x118A0] =	vst v3  }
0xe9: {  	v45 =	vld [tilespmem:s20+$0x10880];
	v5 =	vor.u32 v5, v41;
	v9 =	vor.u32 v10, v9;
	v3 =	vor.u32 v7, v6  }
0xea: {  	v15 =	vld [tilespmem:s20+$0x10890];
	v8 =	vand.u32 $0x7FF, v5;
	v10 =	vand.u32 $0x7FF, v9;
	v47 =	vand.u32 $0x7FF, v3  }
0xeb: {  	v16 =	vld [tilespmem:s20+$0x108A0];
	v46 =	vsub.f32 v12, v1;
	v8 =	vor.u32 $0x100000, v8;
	v10 =	vor.u32 $0x100000, v10  }
0xec: {  	v17 =	vld [tilespmem:s20+$0x11090];
	v12 =	vor.u32 $0x100000, v47;
	v11 =	vsub.f32 v43, v2;
	v13 =	vsub.f32 v13, v1  }
0xed: {  	v14 =	vsub.f32 v14, v1;
	v4 =	vsub.f32 v44, v1;
	v5 =	vsel vm1, v5, v8  }
0xee: {  	v9 =	vsel vm2, v9, v10;
	v3 =	vsel vm9, v3, v12;
	v7 =	vmul.f32 $1.024000000e+03, v46  }
0xef: {  	v6 =	vsub.f32 v45, v2;
	v15 =	vsub.f32 v15, v2;
	v11 =	vmul.f32 $1.024000000e+03, v11  }
0xf0: {  	v16 =	vsub.f32 v16, v2;
	v13 =	vmul.f32 $1.024000000e+03, v13;
	v14 =	vmul.f32 $1.024000000e+03, v14  }
0xf1: {  	vm12 =	veq.s32 v17, v0;
	v4 =	vmul.f32 $1.024000000e+03, v4;
	v6 =	vmul.f32 $1.024000000e+03, v6  }
0xf2: {  	v7 =	vmax.f32 v7, $-1.000000000e+00;
	v48 =	vmul.f32 $1.024000000e+03, v15;
	v49 =	vmul.f32 $1.024000000e+03, v16  }
0xf3: {  	v7 =	vmin.f32 v7, $1.025000000e+03;
	v11 =	vmax.f32 v11, $-1.000000000e+00;
	v13 =	vmax.f32 v13, $-1.000000000e+00  }
0xf4: {  	v14 =	vmax.f32 v14, $-1.000000000e+00;
	v4 =	vmax.f32 v4, $-1.000000000e+00;
	v7 =	vadd.f32 $1.258291200e+07, v7  }
0xf5: {  	v50 =	vld [tilespmem:s20+$0x11080];
	[tilespmem:s12+$0x11880] =	vst v5;
	v11 =	vmin.f32 v11, $1.025000000e+03;
	v52 =	vmin.f32 v13, $1.025000000e+03;
	v53 =	vmin.f32 v14, $1.025000000e+03  }
0xf6: {  	v54 =	vld [tilespmem:s20+$0x110B0];
	v6 =	vmax.f32 v6, $-1.000000000e+00;
	v4 =	vmin.f32 v4, $1.025000000e+03;
	v8 =	vmax.f32 v48, $-1.000000000e+00  }
0xf7: {  	v55 =	vld [tilespmem:s20+$0x110A0];
	v15 =	vmax.f32 v49, $-1.000000000e+00;
	v11 =	vadd.f32 $1.258291200e+07, v11;
	v13 =	vadd.f32 $1.258291200e+07, v53  }
0xf8: {  	v6 =	vmin.f32 v6, $1.025000000e+03;
	v4 =	vadd.f32 $1.258291200e+07, v4;
	v8 =	vmin.f32 v8, $1.025000000e+03  }
0xf9: {  	v15 =	vmin.f32 v15, $1.025000000e+03;
	v7 =	vadd.f32 $-1.258291200e+07, v7;
	v6 =	vadd.f32 $1.258291200e+07, v6  }
0xfa: {  	vm14 =	vmmov vm12;
	v8 =	vadd.f32 $1.258291200e+07, v8;
	v57 =	vadd.f32 $1.258291200e+07, v15  }
0xfb: {  	vm10 =	veq.s32 v54, v0;
	v11 =	vadd.f32 $-1.258291200e+07, v11;
	v13 =	vadd.f32 $-1.258291200e+07, v13  }
0xfc: {  	vm13 =	veq.s32 v55, v0;
	v4 =	vadd.f32 $-1.258291200e+07, v4;
	v6 =	vadd.f32 $-1.258291200e+07, v6  }
0xfd: {  	v7 =	vmax.f32 v7, $0.0e+00;
	v8 =	vadd.f32 $-1.258291200e+07, v8;
	v59 =	vadd.f32 $-1.258291200e+07, v57  }
0xfe: {  	v7 =	vmin.f32 v7, $1.023000000e+03;
	v51 =	vmax.f32 v11, $0.0e+00;
	v11 =	vadd.f32 $1.258291200e+07, v52  }
0xff: {  	v13 =	vmax.f32 v13, $0.0e+00;
	v4 =	vmax.f32 v4, $0.0e+00;
	v7 =	vtrunc.f32 v7  }
0x100: {  	v5 =	vmin.f32 v51, $1.023000000e+03;
	v6 =	vmax.f32 v6, $0.0e+00;
	v13 =	vmin.f32 v13, $1.023000000e+03  }
0x101: {  	v4 =	vmin.f32 v4, $1.023000000e+03;
	v8 =	vmax.f32 v8, $0.0e+00;
	v7 =	vcvt.f32.s32 v7  }
0x102: {  	v5 =	vtrunc.f32 v5;
	v11 =	vadd.f32 $-1.258291200e+07, v11;
	v13 =	vtrunc.f32 v13  }
0x103: {  	v6 =	vmin.f32 v6, $1.023000000e+03;
	v4 =	vtrunc.f32 v4;
	v5 =	vcvt.f32.s32 v5  }
0x104: {  	v8 =	vmin.f32 v8, $1.023000000e+03;
	v13 =	vcvt.f32.s32 v13;
	v4 =	vcvt.f32.s32 v4  }
0x105: {  	vm15 =	vmmov vm13;
	v6 =	vtrunc.f32 v6;
	v8 =	vtrunc.f32 v8  }
0x106: {  	v7 =	vshll.u32 v7, $0xA;
	v58 =	vmax.f32 v11, $0.0e+00;
	v11 =	vmax.f32 v59, $0.0e+00  }
0x107: {  	v6 =	vcvt.f32.s32 v6;
	v8 =	vcvt.f32.s32 v8;
	v5 =	vor.u32 v5, v7  }
0x108: {  	v7 =	vmin.f32 v58, $1.023000000e+03;
	v11 =	vmin.f32 v11, $1.023000000e+03;
	v60 =	vshll.u32 v13, $0xA  }
0x109: {  	v18 =	vand.u32 $0x7FF, v5;
	v7 =	vtrunc.f32 v7;
	v11 =	vtrunc.f32 v11  }
0x10a: {  	v56 =	vor.u32 $0x100000, v18;
	v7 =	vcvt.f32.s32 v7;
	v11 =	vcvt.f32.s32 v11  }
0x10b: {  	v4 =	vshll.u32 v4, $0xA;
	v62 =	vor.u32 v8, v60;
	v5 =	vsel vm10, v5, v56  }
0x10c: {  	v8 =	vand.u32 $0x7FF, v62;
	v7 =	vshll.u32 v7, $0xA;
	[tilespmem:s20+$0x118B0] =	vst v5;
	v4 =	vor.u32 v11, v4  }
0x10d: {  	v8 =	vor.u32 $0x100000, v8;
	v6 =	vor.u32 v6, v7;
	[tilespmem:s12+$0x118A0] =	vst v3;
	v3 =	vand.u32 $0x7FF, v4  }
0x10e: {  	v63 =	vsel vm14, v62, v8;
	[tilespmem:s12+$0x11890] =	vst v9;
	v61 =	vand.u32 $0x7FF, v6;
	v3 =	vor.u32 $0x100000, v3  }
0x10f: {  	s13 =	sadd.s32 $0x1, s13;
	vm11 =	veq.s32 v50, v0;
	[tilespmem:s20+$0x11890] =	vst v63;
	v5 =	vor.u32 $0x100000, v61;
	v3 =	vsel vm15, v4, v3  }
0x110: {  	p2 =	sne.s32 s13, $0x1F;
	v5 =	vsel vm11, v6, v5;
	[tilespmem:s20+$0x118A0] =	vst v3  }
.Ltmp3:
0x111: {  	[tilespmem:s20+$0x11880] =	vst v5;
	(pc) =	sbr.rel @p2 .LBB2_2-.Ltmp3, $4  }
0x112: {  	[spmem:s5] =	stream.indirect.scatter [tilespmem:s30], [sflag:$0x1], $0x1, s29, s26, $0xb8;
	[tilespmem:$0x16A00] =	vst v63  }
0x113: {  	_ =	swait.ge [sflag:s28], $0x800  }
0x114: {  	[sflag:s28] =	ssyncset.done $0x0  }
0x115: {  	s12 =	simm.s32 $0x0;
	[sflag:s28] =	ssyncadd.s32 $0xFFFFF800  }
0x116: {  	s14 =	simm.s32 $0x0  }
.LBB2_6:
0x117: {  	s13 =	sshll.u32 s14, $0xF  }
0x118: {  	s13 =	sor.u32 s25, s13  }
0x119: {  	s13 =	smin.u32 s13, $0x79920  }
0x11a: {  	s13 =	sshrl.u32 s13, $0x3  }
0x11b: {  	s20 =	sadd.s32 s7, s13  }
0x11c: {  	[tilespmem:s0], [sflag:$0x1] =	stream.linear.gather [hbm4b:s20+s12], $0x800, $0x38;
	[tilespmem:$0x16A00] =	vst v63  }
0x11d: {  	_ =	swait.ge [sflag:s28], $0x800  }
0x11e: {  	[sflag:s28] =	ssyncset.done $0x0  }
0x11f: {  	s20 =	sadd.s32 $0xF424, s20;
	[sflag:s28] =	ssyncadd.s32 $0xFFFFF800  }
0x120: {  	[tilespmem:s11], [sflag:$0x1] =	stream.linear.gather [hbm4b:s20+s12], $0x800, $0x38;
	[tilespmem:$0x16A00] =	vst v63  }
0x121: {  	_ =	swait.ge [sflag:s28], $0x800  }
0x122: {  	[sflag:s28] =	ssyncset.done $0x0  }
0x123: {  	s13 =	sadd.s32 s3, s13;
	[sflag:s28] =	ssyncadd.s32 $0xFFFFF800  }
0x124: {  	[tilespmem:s4], [sflag:$0x1] =	stream.linear.gather [hbm4b:s13+s12], $0x800, $0x38;
	[tilespmem:$0x16A00] =	vst v63  }
0x125: {  	_ =	swait.ge [sflag:s28], $0x800  }
0x126: {  	[sflag:s28] =	ssyncset.done $0x0  }
0x127: {  	s20 =	simm.s32 $0x0;
	[sflag:s28] =	ssyncadd.s32 $0xFFFFF800  }
0x128: {  	v3 =	vld [tilespmem:s20+$0x100B0]  }
0x129: {  	v4 =	vld [tilespmem:s20+$0x108B0]  }
0x12a: {  	v5 =	vld [tilespmem:s20+$0x10080]  }
0x12b: {  	v6 =	vld [tilespmem:s20+$0x10090]  }
0x12c: {  	v7 =	vld [tilespmem:s20+$0x100A0]  }
0x12d: {  	v8 =	vld [tilespmem:s20+$0x10880]  }
0x12e: {  	v9 =	vld [tilespmem:s20+$0x10890]  }
0x12f: {  	v10 =	vld [tilespmem:s20+$0x108A0]  }
0x130: {  	v11 =	vld [tilespmem:s20+$0x110B0]  }
0x131: {  	v12 =	vld [tilespmem:s20+$0x11080];
	v3 =	vsub.f32 v3, v1;
	v4 =	vsub.f32 v4, v2  }
0x132: {  	v13 =	vld [tilespmem:s20+$0x11090];
	v5 =	vsub.f32 v5, v1;
	v6 =	vsub.f32 v6, v1  }
0x133: {  	v7 =	vsub.f32 v7, v1;
	v8 =	vsub.f32 v8, v2  }
0x134: {  	v9 =	vsub.f32 v9, v2;
	v10 =	vsub.f32 v10, v2  }
0x135: {  	vm0 =	veq.s32 v11, v0;
	v3 =	vmul.f32 $1.024000000e+03, v3;
	v4 =	vmul.f32 $1.024000000e+03, v4  }
0x136: {  	vm1 =	veq.s32 v12, v0;
	v5 =	vmul.f32 $1.024000000e+03, v5;
	v6 =	vmul.f32 $1.024000000e+03, v6  }
0x137: {  	vm2 =	veq.s32 v13, v0;
	v8 =	vmul.f32 $1.024000000e+03, v8;
	v7 =	vmul.f32 $1.024000000e+03, v7  }
0x138: {  	v9 =	vmul.f32 $1.024000000e+03, v9;
	v10 =	vmul.f32 $1.024000000e+03, v10;
	v3 =	vmax.f32 v3, $-1.000000000e+00  }
0x139: {  	v4 =	vmax.f32 v4, $-1.000000000e+00;
	v5 =	vmax.f32 v5, $-1.000000000e+00;
	v6 =	vmax.f32 v6, $-1.000000000e+00  }
0x13a: {  	v7 =	vmax.f32 v7, $-1.000000000e+00;
	v8 =	vmax.f32 v8, $-1.000000000e+00;
	v9 =	vmax.f32 v9, $-1.000000000e+00  }
0x13b: {  	v10 =	vmax.f32 v10, $-1.000000000e+00;
	v3 =	vmin.f32 v3, $1.025000000e+03;
	v4 =	vmin.f32 v4, $1.025000000e+03  }
0x13c: {  	v5 =	vmin.f32 v5, $1.025000000e+03;
	v6 =	vmin.f32 v6, $1.025000000e+03;
	v3 =	vadd.f32 $1.258291200e+07, v3  }
0x13d: {  	v7 =	vmin.f32 v7, $1.025000000e+03;
	v4 =	vadd.f32 $1.258291200e+07, v4;
	v5 =	vadd.f32 $1.258291200e+07, v5  }
0x13e: {  	v9 =	vmin.f32 v9, $1.025000000e+03;
	v6 =	vadd.f32 $1.258291200e+07, v6;
	v3 =	vadd.f32 $-1.258291200e+07, v3  }
0x13f: {  	v10 =	vmin.f32 v10, $1.025000000e+03;
	v7 =	vadd.f32 $1.258291200e+07, v7;
	v4 =	vadd.f32 $-1.258291200e+07, v4  }
0x140: {  	v9 =	vadd.f32 $1.258291200e+07, v9;
	v10 =	vadd.f32 $1.258291200e+07, v10;
	v3 =	vmax.f32 v3, $0.0e+00  }
0x141: {  	v5 =	vadd.f32 $-1.258291200e+07, v5;
	v4 =	vmax.f32 v4, $0.0e+00;
	v3 =	vmin.f32 v3, $1.023000000e+03  }
0x142: {  	v6 =	vadd.f32 $-1.258291200e+07, v6;
	v4 =	vmin.f32 v4, $1.023000000e+03;
	v3 =	vtrunc.f32 v3  }
0x143: {  	v7 =	vadd.f32 $-1.258291200e+07, v7;
	v4 =	vtrunc.f32 v4;
	v3 =	vcvt.f32.s32 v3  }
0x144: {  	v5 =	vmax.f32 v5, $0.0e+00;
	v6 =	vmax.f32 v6, $0.0e+00;
	v4 =	vcvt.f32.s32 v4  }
0x145: {  	v7 =	vmax.f32 v7, $0.0e+00;
	v5 =	vmin.f32 v5, $1.023000000e+03;
	v3 =	vshll.u32 v3, $0xA  }
0x146: {  	v6 =	vmin.f32 v6, $1.023000000e+03;
	v3 =	vor.u32 v4, v3;
	v4 =	vmin.f32 v8, $1.025000000e+03;
	v8 =	vld [tilespmem:s20+$0x110A0]  }
0x147: {  	v7 =	vmin.f32 v7, $1.023000000e+03;
	v5 =	vtrunc.f32 v5;
	v14 =	vand.u32 $0x7FF, v3  }
0x148: {  	v6 =	vtrunc.f32 v6;
	v4 =	vadd.f32 $1.258291200e+07, v4;
	v11 =	vor.u32 $0x100000, v14  }
0x149: {  	v7 =	vtrunc.f32 v7;
	v5 =	vcvt.f32.s32 v5;
	v3 =	vsel vm0, v3, v11  }
0x14a: {  	s13 =	simm.s32 $0x40;
	v6 =	vcvt.f32.s32 v6;
	v7 =	vcvt.f32.s32 v7;
	v4 =	vadd.f32 $-1.258291200e+07, v4;
	[tilespmem:s20+$0x118B0] =	vst v3  }
0x14b: {  	vm0 =	veq.s32 v8, v0;
	v8 =	vadd.f32 $-1.258291200e+07, v9;
	v9 =	vadd.f32 $-1.258291200e+07, v10;
	v10 =	vld [tilespmem:s13+$0x108B0]  }
0x14c: {  	vm2 =	vmmov vm2;
	v5 =	vshll.u32 v5, $0xA;
	v4 =	vmax.f32 v4, $0.0e+00;
	v56 =	vld [tilespmem:s13+$0x100A0]  }
0x14d: {  	v6 =	vshll.u32 v6, $0xA;
	v7 =	vshll.u32 v7, $0xA;
	v15 =	vld [tilespmem:s13+$0x10890];
	v4 =	vmin.f32 v4, $1.023000000e+03  }
0x14e: {  	v61 =	vld [tilespmem:s13+$0x11090];
	v8 =	vmax.f32 v8, $0.0e+00;
	v9 =	vmax.f32 v9, $0.0e+00;
	v4 =	vtrunc.f32 v4  }
0x14f: {  	v8 =	vmin.f32 v8, $1.023000000e+03;
	v3 =	vmin.f32 v9, $1.023000000e+03;
	v4 =	vcvt.f32.s32 v4  }
0x150: {  	vm0 =	vmmov vm0;
	v9 =	vld [tilespmem:s13+$0x100B0];
	v8 =	vtrunc.f32 v8;
	v3 =	vtrunc.f32 v3  }
0x151: {  	v8 =	vcvt.f32.s32 v8;
	v3 =	vcvt.f32.s32 v3;
	v10 =	vsub.f32 v10, v2  }
0x152: {  	v11 =	vld [tilespmem:s13+$0x10080];
	v5 =	vor.u32 v4, v5;
	v58 =	vsub.f32 v56, v1;
	v59 =	vsub.f32 v15, v2  }
0x153: {  	v55 =	vld [tilespmem:s13+$0x10090];
	vm4 =	veq.s32 v61, v0;
	v4 =	vand.u32 $0x7FF, v5;
	v57 =	vor.u32 v8, v6  }
0x154: {  	v3 =	vor.u32 v3, v7;
	v16 =	vor.u32 $0x100000, v4;
	v10 =	vmul.f32 $1.024000000e+03, v10  }
0x155: {  	v12 =	vmul.f32 $1.024000000e+03, v58;
	v13 =	vmul.f32 $1.024000000e+03, v59;
	v7 =	vsub.f32 v9, v1  }
0x156: {  	v8 =	vand.u32 $0x7FF, v57;
	v9 =	vand.u32 $0x7FF, v3;
	v5 =	vsel vm1, v5, v16  }
0x157: {  	v17 =	vor.u32 $0x100000, v8;
	v8 =	vsub.f32 v11, v1;
	v4 =	vor.u32 $0x100000, v9  }
0x158: {  	v6 =	vld [tilespmem:s13+$0x10880];
	v9 =	vsub.f32 v55, v1;
	v10 =	vmax.f32 v10, $-1.000000000e+00;
	v7 =	vmul.f32 $1.024000000e+03, v7  }
0x159: {  	v11 =	vld [tilespmem:s13+$0x108A0];
	v12 =	vmax.f32 v12, $-1.000000000e+00;
	v13 =	vmax.f32 v13, $-1.000000000e+00;
	v10 =	vmin.f32 v10, $1.025000000e+03  }
0x15a: {  	v12 =	vmin.f32 v12, $1.025000000e+03;
	v13 =	vmin.f32 v13, $1.025000000e+03;
	v7 =	vmax.f32 v7, $-1.000000000e+00  }
0x15b: {  	v8 =	vmul.f32 $1.024000000e+03, v8;
	v10 =	vadd.f32 $1.258291200e+07, v10;
	v7 =	vmin.f32 v7, $1.025000000e+03  }
0x15c: {  	v9 =	vmul.f32 $1.024000000e+03, v9;
	v12 =	vadd.f32 $1.258291200e+07, v12;
	v7 =	vadd.f32 $1.258291200e+07, v7  }
0x15d: {  	v6 =	vsub.f32 v6, v2;
	v10 =	vadd.f32 $-1.258291200e+07, v10;
	v8 =	vmax.f32 v8, $-1.000000000e+00  }
0x15e: {  	v9 =	vmax.f32 v9, $-1.000000000e+00;
	v11 =	vsub.f32 v11, v2;
	v7 =	vadd.f32 $-1.258291200e+07, v7  }
0x15f: {  	v60 =	vld [tilespmem:s13+$0x11080];
	[tilespmem:s20+$0x11880] =	vst v5;
	v6 =	vmul.f32 $1.024000000e+03, v6;
	v5 =	vmin.f32 v8, $1.025000000e+03;
	v9 =	vmin.f32 v9, $1.025000000e+03  }
0x160: {  	v10 =	vmax.f32 v10, $0.0e+00;
	v5 =	vadd.f32 $1.258291200e+07, v5;
	v7 =	vmax.f32 v7, $0.0e+00  }
0x161: {  	v9 =	vadd.f32 $1.258291200e+07, v9;
	v11 =	vmul.f32 $1.024000000e+03, v11;
	v7 =	vmin.f32 v7, $1.023000000e+03  }
0x162: {  	v8 =	vmin.f32 v10, $1.023000000e+03;
	v6 =	vmax.f32 v6, $-1.000000000e+00;
	v7 =	vtrunc.f32 v7  }
0x163: {  	v10 =	vld [tilespmem:s13+$0x110B0];
	v8 =	vtrunc.f32 v8;
	v6 =	vmin.f32 v6, $1.025000000e+03;
	v7 =	vcvt.f32.s32 v7  }
0x164: {  	v5 =	vadd.f32 $-1.258291200e+07, v5;
	v9 =	vadd.f32 $-1.258291200e+07, v9;
	v8 =	vcvt.f32.s32 v8  }
0x165: {  	v11 =	vmax.f32 v11, $-1.000000000e+00;
	v6 =	vadd.f32 $1.258291200e+07, v6;
	v7 =	vshll.u32 v7, $0xA  }
0x166: {  	v11 =	vmin.f32 v11, $1.025000000e+03;
	v5 =	vmax.f32 v5, $0.0e+00;
	v7 =	vor.u32 v8, v7;
	v8 =	vld [tilespmem:s13+$0x110A0]  }
0x167: {  	v9 =	vmax.f32 v9, $0.0e+00;
	v6 =	vadd.f32 $-1.258291200e+07, v6;
	v18 =	vand.u32 $0x7FF, v7  }
0x168: {  	v5 =	vmin.f32 v5, $1.023000000e+03;
	vm1 =	veq.s32 v10, v0;
	v10 =	vor.u32 $0x100000, v18  }
0x169: {  	v18 =	vsel vm1, v7, v10;
	v7 =	vadd.f32 $1.258291200e+07, v13;
	v10 =	vadd.f32 $1.258291200e+07, v11  }
0x16a: {  	v9 =	vmin.f32 v9, $1.023000000e+03;
	v5 =	vtrunc.f32 v5;
	v11 =	vadd.f32 $-1.258291200e+07, v12  }
0x16b: {  	vm3 =	veq.s32 v8, v0;
	v7 =	vadd.f32 $-1.258291200e+07, v7;
	v8 =	vadd.f32 $-1.258291200e+07, v10  }
0x16c: {  	v6 =	vmax.f32 v6, $0.0e+00;
	vm1 =	veq.s32 v60, v0;
	v10 =	vmax.f32 v11, $0.0e+00  }
0x16d: {  	v10 =	vmin.f32 v10, $1.023000000e+03;
	v7 =	vmax.f32 v7, $0.0e+00;
	v62 =	vmax.f32 v8, $0.0e+00  }
0x16e: {  	v8 =	vmin.f32 v6, $1.023000000e+03;
	v6 =	vtrunc.f32 v9;
	v63 =	vtrunc.f32 v10  }
0x16f: {  	v10 =	vcvt.f32.s32 v5;
	v5 =	vsel vm2, v57, v17;
	v11 =	vmin.f32 v7, $1.023000000e+03  }
0x170: {  	s21 =	simm.s32 $0x80;
	s22 =	simm.s32 $0x300;
	[tilespmem:s13+$0x118B0] =	vst v18;
	v7 =	vmin.f32 v62, $1.023000000e+03;
	v9 =	vcvt.f32.s32 v6;
	v6 =	vcvt.f32.s32 v63  }
.LBB2_7:
0x171: {  	v8 =	vtrunc.f32 v8  }
0x172: {  	p2 =	sne.s32 s22, $0x1F00;
	v12 =	vld [tilespmem:s21+$0x100B0];
	v10 =	vshll.u32 v10, $0xA;
	v11 =	vtrunc.f32 v11;
	[tilespmem:s20+$0x11890] =	vst v5;
	vm2 =	vmmov vm4  }
0x173: {  	v7 =	vtrunc.f32 v7;
	v13 =	vld [tilespmem:s21+$0x108B0];
	v5 =	vcvt.f32.s32 v8;
	v8 =	vshll.u32 v9, $0xA  }
0x174: {  	v11 =	vcvt.f32.s32 v11;
	v7 =	vcvt.f32.s32 v7;
	v6 =	vshll.u32 v6, $0xA;
	v9 =	vld [tilespmem:s21+$0x10080]  }
0x175: {  	v4 =	vsel vm0, v3, v4;
	vm0 =	vmmov vm3;
	v14 =	vld [tilespmem:s21+$0x10090];
	v10 =	vor.u32 v5, v10  }
0x176: {  	v5 =	vor.u32 v11, v8;
	v3 =	vor.u32 v7, v6;
	v15 =	vld [tilespmem:s21+$0x100A0];
	v16 =	vand.u32 $0x7FF, v10;
	[tilespmem:s20+$0x118A0] =	vst v4;
	s20 =	smov.u32 s13;
	s13 =	smov.u32 s21  }
0x177: {  	v7 =	vand.u32 $0x7FF, v5;
	v8 =	vand.u32 $0x7FF, v3;
	v6 =	vld [tilespmem:s13+$0x10880];
	v4 =	vsub.f32 v12, v1  }
0x178: {  	v11 =	vld [tilespmem:s13+$0x10890];
	v12 =	vsub.f32 v13, v2;
	v13 =	vor.u32 $0x100000, v16;
	v16 =	vor.u32 $0x100000, v7  }
0x179: {  	v7 =	vsub.f32 v9, v1;
	v9 =	vld [tilespmem:s13+$0x108A0];
	v17 =	vmul.f32 $1.024000000e+03, v4;
	v4 =	vor.u32 $0x100000, v8  }
0x17a: {  	v10 =	vsel vm1, v10, v13;
	v8 =	vld [tilespmem:s13+$0x11080];
	v14 =	vsub.f32 v14, v1;
	v12 =	vmul.f32 $1.024000000e+03, v12  }
0x17b: {  	v7 =	vmul.f32 $1.024000000e+03, v7;
	v13 =	vld [tilespmem:s13+$0x11090];
	v15 =	vsub.f32 v15, v1;
	v17 =	vmax.f32 v17, $-1.000000000e+00;
	[tilespmem:s20+$0x11880] =	vst v10  }
0x17c: {  	v6 =	vsub.f32 v6, v2;
	v10 =	vld [tilespmem:s13+$0x110A0];
	v17 =	vmin.f32 v17, $1.025000000e+03;
	v12 =	vmax.f32 v12, $-1.000000000e+00  }
0x17d: {  	v11 =	vsub.f32 v11, v2;
	v17 =	vadd.f32 $1.258291200e+07, v17;
	v12 =	vmin.f32 v12, $1.025000000e+03  }
0x17e: {  	v14 =	vmul.f32 $1.024000000e+03, v14;
	v9 =	vsub.f32 v9, v2;
	v12 =	vadd.f32 $1.258291200e+07, v12  }
0x17f: {  	v15 =	vmul.f32 $1.024000000e+03, v15;
	v6 =	vmul.f32 $1.024000000e+03, v6;
	v17 =	vadd.f32 $-1.258291200e+07, v17  }
0x180: {  	v11 =	vmul.f32 $1.024000000e+03, v11;
	v9 =	vmul.f32 $1.024000000e+03, v9;
	v12 =	vadd.f32 $-1.258291200e+07, v12  }
0x181: {  	v7 =	vmax.f32 v7, $-1.000000000e+00;
	v14 =	vmax.f32 v14, $-1.000000000e+00;
	v17 =	vmax.f32 v17, $0.0e+00  }
0x182: {  	v15 =	vmax.f32 v15, $-1.000000000e+00;
	v17 =	vmin.f32 v17, $1.023000000e+03;
	v12 =	vmax.f32 v12, $0.0e+00  }
0x183: {  	v7 =	vmin.f32 v7, $1.025000000e+03;
	v17 =	vtrunc.f32 v17;
	v12 =	vmin.f32 v12, $1.023000000e+03  }
0x184: {  	v14 =	vmin.f32 v14, $1.025000000e+03;
	v17 =	vcvt.f32.s32 v17;
	v12 =	vtrunc.f32 v12;
	v18 =	vld [tilespmem:s13+$0x110B0]  }
0x185: {  	v6 =	vmax.f32 v6, $-1.000000000e+00;
	v15 =	vmin.f32 v15, $1.025000000e+03;
	v12 =	vcvt.f32.s32 v12  }
0x186: {  	v11 =	vmax.f32 v11, $-1.000000000e+00;
	v9 =	vmax.f32 v9, $-1.000000000e+00;
	v17 =	vshll.u32 v17, $0xA  }
0x187: {  	v7 =	vadd.f32 $1.258291200e+07, v7;
	v14 =	vadd.f32 $1.258291200e+07, v14;
	v12 =	vor.u32 v12, v17  }
0x188: {  	v6 =	vmin.f32 v6, $1.025000000e+03;
	v15 =	vadd.f32 $1.258291200e+07, v15;
	v17 =	vand.u32 $0x7FF, v12  }
0x189: {  	v11 =	vmin.f32 v11, $1.025000000e+03;
	vm1 =	veq.s32 v18, v0;
	v17 =	vor.u32 $0x100000, v17  }
0x18a: {  	v6 =	vadd.f32 $1.258291200e+07, v6;
	v9 =	vmin.f32 v9, $1.025000000e+03;
	v12 =	vsel vm1, v12, v17  }
0x18b: {  	v9 =	vadd.f32 $1.258291200e+07, v9;
	vm1 =	veq.s32 v8, v0;
	v8 =	vadd.f32 $1.258291200e+07, v11;
	[tilespmem:s13+$0x118B0] =	vst v12  }
0x18c: {  	vm4 =	veq.s32 v13, v0;
	v7 =	vadd.f32 $-1.258291200e+07, v7;
	v11 =	vadd.f32 $-1.258291200e+07, v14  }
0x18d: {  	vm3 =	veq.s32 v10, v0;
	v6 =	vadd.f32 $-1.258291200e+07, v6;
	v12 =	vadd.f32 $-1.258291200e+07, v15  }
0x18e: {  	v7 =	vmax.f32 v7, $0.0e+00;
	v9 =	vadd.f32 $-1.258291200e+07, v9;
	v8 =	vadd.f32 $-1.258291200e+07, v8  }
0x18f: {  	v7 =	vmin.f32 v7, $1.023000000e+03;
	v10 =	vmax.f32 v11, $0.0e+00;
	v11 =	vmax.f32 v12, $0.0e+00  }
.Ltmp4:
0x190: {  	v6 =	vmax.f32 v6, $0.0e+00;
	v10 =	vmin.f32 v10, $1.023000000e+03;
	v11 =	vmin.f32 v11, $1.023000000e+03;
	(pc) =	sbr.rel @p2 .LBB2_7-.Ltmp4, $4  }
0x191: {  	v7 =	vtrunc.f32 v7;
	v9 =	vmax.f32 v9, $0.0e+00;
	v12 =	vmax.f32 v8, $0.0e+00  }
0x192: {  	v8 =	vmin.f32 v6, $1.023000000e+03;
	v6 =	vtrunc.f32 v10;
	v13 =	vtrunc.f32 v11  }
0x193: {  	v10 =	vcvt.f32.s32 v7;
	v7 =	vmin.f32 v9, $1.023000000e+03;
	v11 =	vmin.f32 v12, $1.023000000e+03  }
0x194: {  	s21 =	sshra.s32 s22, $0x2;
	s22 =	sadd.s32 $0x100, s22;
	v5 =	vsel vm2, v5, v16;
	v9 =	vcvt.f32.s32 v6;
	v6 =	vcvt.f32.s32 v13  }
0x195: {  	v12 =	vld [tilespmem:s21+$0x100B0];
	[tilespmem:s20+$0x11890] =	vst v5  }
0x196: {  	v40 =	vtrunc.f32 v8;
	v41 =	vshll.u32 v10, $0xA;
	v42 =	vtrunc.f32 v11;
	v43 =	vld [tilespmem:s21+$0x108B0]  }
0x197: {  	vm2 =	vmmov vm4;
	v7 =	vtrunc.f32 v7;
	v5 =	vcvt.f32.s32 v40;
	v13 =	vld [tilespmem:s21+$0x10080]  }
0x198: {  	v3 =	vsel vm0, v3, v4;
	v10 =	vcvt.f32.s32 v42;
	v7 =	vcvt.f32.s32 v7;
	v14 =	vld [tilespmem:s21+$0x10090]  }
0x199: {  	vm9 =	vmmov vm3;
	v9 =	vshll.u32 v9, $0xA;
	v6 =	vshll.u32 v6, $0xA;
	v44 =	vld [tilespmem:s21+$0x100A0];
	[tilespmem:s20+$0x118A0] =	vst v3  }
0x19a: {  	v45 =	vld [tilespmem:s21+$0x10880];
	v5 =	vor.u32 v5, v41;
	v9 =	vor.u32 v10, v9;
	v3 =	vor.u32 v7, v6  }
0x19b: {  	v15 =	vld [tilespmem:s21+$0x10890];
	v8 =	vand.u32 $0x7FF, v5;
	v10 =	vand.u32 $0x7FF, v9;
	v47 =	vand.u32 $0x7FF, v3  }
0x19c: {  	v16 =	vld [tilespmem:s21+$0x108A0];
	v46 =	vsub.f32 v12, v1;
	v8 =	vor.u32 $0x100000, v8;
	v10 =	vor.u32 $0x100000, v10  }
0x19d: {  	v17 =	vld [tilespmem:s21+$0x11090];
	v12 =	vor.u32 $0x100000, v47;
	v11 =	vsub.f32 v43, v2;
	v13 =	vsub.f32 v13, v1  }
0x19e: {  	v14 =	vsub.f32 v14, v1;
	v4 =	vsub.f32 v44, v1;
	v5 =	vsel vm1, v5, v8  }
0x19f: {  	v9 =	vsel vm2, v9, v10;
	v3 =	vsel vm9, v3, v12;
	v7 =	vmul.f32 $1.024000000e+03, v46  }
0x1a0: {  	v6 =	vsub.f32 v45, v2;
	v15 =	vsub.f32 v15, v2;
	v11 =	vmul.f32 $1.024000000e+03, v11  }
0x1a1: {  	v16 =	vsub.f32 v16, v2;
	v13 =	vmul.f32 $1.024000000e+03, v13;
	v14 =	vmul.f32 $1.024000000e+03, v14  }
0x1a2: {  	vm12 =	veq.s32 v17, v0;
	v4 =	vmul.f32 $1.024000000e+03, v4;
	v6 =	vmul.f32 $1.024000000e+03, v6  }
0x1a3: {  	v7 =	vmax.f32 v7, $-1.000000000e+00;
	v48 =	vmul.f32 $1.024000000e+03, v15;
	v49 =	vmul.f32 $1.024000000e+03, v16  }
0x1a4: {  	v7 =	vmin.f32 v7, $1.025000000e+03;
	v11 =	vmax.f32 v11, $-1.000000000e+00;
	v13 =	vmax.f32 v13, $-1.000000000e+00  }
0x1a5: {  	v14 =	vmax.f32 v14, $-1.000000000e+00;
	v4 =	vmax.f32 v4, $-1.000000000e+00;
	v7 =	vadd.f32 $1.258291200e+07, v7  }
0x1a6: {  	v50 =	vld [tilespmem:s21+$0x11080];
	[tilespmem:s13+$0x11880] =	vst v5;
	v11 =	vmin.f32 v11, $1.025000000e+03;
	v52 =	vmin.f32 v13, $1.025000000e+03;
	v53 =	vmin.f32 v14, $1.025000000e+03  }
0x1a7: {  	v54 =	vld [tilespmem:s21+$0x110B0];
	v6 =	vmax.f32 v6, $-1.000000000e+00;
	v4 =	vmin.f32 v4, $1.025000000e+03;
	v8 =	vmax.f32 v48, $-1.000000000e+00  }
0x1a8: {  	v55 =	vld [tilespmem:s21+$0x110A0];
	v15 =	vmax.f32 v49, $-1.000000000e+00;
	v11 =	vadd.f32 $1.258291200e+07, v11;
	v13 =	vadd.f32 $1.258291200e+07, v53  }
0x1a9: {  	v6 =	vmin.f32 v6, $1.025000000e+03;
	v4 =	vadd.f32 $1.258291200e+07, v4;
	v8 =	vmin.f32 v8, $1.025000000e+03  }
0x1aa: {  	v15 =	vmin.f32 v15, $1.025000000e+03;
	v7 =	vadd.f32 $-1.258291200e+07, v7;
	v6 =	vadd.f32 $1.258291200e+07, v6  }
0x1ab: {  	vm14 =	vmmov vm12;
	v8 =	vadd.f32 $1.258291200e+07, v8;
	v57 =	vadd.f32 $1.258291200e+07, v15  }
0x1ac: {  	vm10 =	veq.s32 v54, v0;
	v11 =	vadd.f32 $-1.258291200e+07, v11;
	v13 =	vadd.f32 $-1.258291200e+07, v13  }
0x1ad: {  	vm13 =	veq.s32 v55, v0;
	v4 =	vadd.f32 $-1.258291200e+07, v4;
	v6 =	vadd.f32 $-1.258291200e+07, v6  }
0x1ae: {  	v7 =	vmax.f32 v7, $0.0e+00;
	v8 =	vadd.f32 $-1.258291200e+07, v8;
	v59 =	vadd.f32 $-1.258291200e+07, v57  }
0x1af: {  	v7 =	vmin.f32 v7, $1.023000000e+03;
	v51 =	vmax.f32 v11, $0.0e+00;
	v11 =	vadd.f32 $1.258291200e+07, v52  }
0x1b0: {  	v13 =	vmax.f32 v13, $0.0e+00;
	v4 =	vmax.f32 v4, $0.0e+00;
	v7 =	vtrunc.f32 v7  }
0x1b1: {  	v5 =	vmin.f32 v51, $1.023000000e+03;
	v6 =	vmax.f32 v6, $0.0e+00;
	v13 =	vmin.f32 v13, $1.023000000e+03  }
0x1b2: {  	v4 =	vmin.f32 v4, $1.023000000e+03;
	v8 =	vmax.f32 v8, $0.0e+00;
	v7 =	vcvt.f32.s32 v7  }
0x1b3: {  	v5 =	vtrunc.f32 v5;
	v11 =	vadd.f32 $-1.258291200e+07, v11;
	v13 =	vtrunc.f32 v13  }
0x1b4: {  	v6 =	vmin.f32 v6, $1.023000000e+03;
	v4 =	vtrunc.f32 v4;
	v5 =	vcvt.f32.s32 v5  }
0x1b5: {  	v8 =	vmin.f32 v8, $1.023000000e+03;
	v13 =	vcvt.f32.s32 v13;
	v4 =	vcvt.f32.s32 v4  }
0x1b6: {  	vm15 =	vmmov vm13;
	v6 =	vtrunc.f32 v6;
	v8 =	vtrunc.f32 v8  }
0x1b7: {  	v7 =	vshll.u32 v7, $0xA;
	v58 =	vmax.f32 v11, $0.0e+00;
	v11 =	vmax.f32 v59, $0.0e+00  }
0x1b8: {  	v6 =	vcvt.f32.s32 v6;
	v8 =	vcvt.f32.s32 v8;
	v5 =	vor.u32 v5, v7  }
0x1b9: {  	v7 =	vmin.f32 v58, $1.023000000e+03;
	v11 =	vmin.f32 v11, $1.023000000e+03;
	v60 =	vshll.u32 v13, $0xA  }
0x1ba: {  	v18 =	vand.u32 $0x7FF, v5;
	v7 =	vtrunc.f32 v7;
	v11 =	vtrunc.f32 v11  }
0x1bb: {  	v56 =	vor.u32 $0x100000, v18;
	v7 =	vcvt.f32.s32 v7;
	v11 =	vcvt.f32.s32 v11  }
0x1bc: {  	v4 =	vshll.u32 v4, $0xA;
	v62 =	vor.u32 v8, v60;
	v5 =	vsel vm10, v5, v56  }
0x1bd: {  	v8 =	vand.u32 $0x7FF, v62;
	v7 =	vshll.u32 v7, $0xA;
	[tilespmem:s21+$0x118B0] =	vst v5;
	v4 =	vor.u32 v11, v4  }
0x1be: {  	v8 =	vor.u32 $0x100000, v8;
	v6 =	vor.u32 v6, v7;
	[tilespmem:s13+$0x118A0] =	vst v3;
	v3 =	vand.u32 $0x7FF, v4  }
0x1bf: {  	v63 =	vsel vm14, v62, v8;
	[tilespmem:s13+$0x11890] =	vst v9;
	v61 =	vand.u32 $0x7FF, v6;
	v3 =	vor.u32 $0x100000, v3  }
0x1c0: {  	s14 =	sadd.s32 $0x1, s14;
	vm11 =	veq.s32 v50, v0;
	[tilespmem:s21+$0x11890] =	vst v63;
	v5 =	vor.u32 $0x100000, v61;
	v3 =	vsel vm15, v4, v3  }
0x1c1: {  	p2 =	sne.s32 s14, $0x10;
	v5 =	vsel vm11, v6, v5;
	[tilespmem:s21+$0x118A0] =	vst v3  }
.Ltmp5:
0x1c2: {  	[tilespmem:s21+$0x11880] =	vst v5;
	(pc) =	sbr.rel @p2 .LBB2_6-.Ltmp5, $4  }
0x1c3: {  	[spmem:s5] =	stream.indirect.scatter [tilespmem:s30], [sflag:$0x1], $0x1, s29, s26, $0xb8;
	[tilespmem:$0x16A00] =	vst v63  }
0x1c4: {  	_ =	swait.ge [sflag:s28], $0x800  }
0x1c5: {  	[sflag:s28] =	ssyncset.done $0x0  }
0x1c6: {  	s13 =	simm.s32 $0x0;
	[sflag:s28] =	ssyncadd.s32 $0xFFFFF800  }
0x1c7: {  	s12 =	simm.s32 $0x0  }
.LBB2_10:
0x1c8: {  	s14 =	sshll.u32 s12, $0xF  }
0x1c9: {  	s14 =	sor.u32 s25, s14  }
0x1ca: {  	s14 =	smin.u32 s14, $0x79920  }
0x1cb: {  	s14 =	sshrl.u32 s14, $0x3  }
0x1cc: {  	s20 =	sadd.s32 s8, s14  }
0x1cd: {  	[tilespmem:s0], [sflag:$0x1] =	stream.linear.gather [hbm4b:s20+s13], $0x800, $0x38;
	[tilespmem:$0x16A00] =	vst v63  }
0x1ce: {  	_ =	swait.ge [sflag:s28], $0x800  }
0x1cf: {  	[sflag:s28] =	ssyncset.done $0x0  }
0x1d0: {  	s20 =	sadd.s32 $0xF424, s20;
	[sflag:s28] =	ssyncadd.s32 $0xFFFFF800  }
0x1d1: {  	[tilespmem:s11], [sflag:$0x1] =	stream.linear.gather [hbm4b:s20+s13], $0x800, $0x38;
	[tilespmem:$0x16A00] =	vst v63  }
0x1d2: {  	_ =	swait.ge [sflag:s28], $0x800  }
0x1d3: {  	[sflag:s28] =	ssyncset.done $0x0  }
0x1d4: {  	s14 =	sadd.s32 s3, s14;
	[sflag:s28] =	ssyncadd.s32 $0xFFFFF800  }
0x1d5: {  	[tilespmem:s4], [sflag:$0x1] =	stream.linear.gather [hbm4b:s14+s13], $0x800, $0x38;
	[tilespmem:$0x16A00] =	vst v63  }
0x1d6: {  	_ =	swait.ge [sflag:s28], $0x800  }
0x1d7: {  	[sflag:s28] =	ssyncset.done $0x0  }
0x1d8: {  	s20 =	simm.s32 $0x0;
	[sflag:s28] =	ssyncadd.s32 $0xFFFFF800  }
0x1d9: {  	v3 =	vld [tilespmem:s20+$0x100B0]  }
0x1da: {  	v4 =	vld [tilespmem:s20+$0x108B0]  }
0x1db: {  	v5 =	vld [tilespmem:s20+$0x10080]  }
0x1dc: {  	v6 =	vld [tilespmem:s20+$0x10090]  }
0x1dd: {  	v7 =	vld [tilespmem:s20+$0x100A0]  }
0x1de: {  	v8 =	vld [tilespmem:s20+$0x10880]  }
0x1df: {  	v9 =	vld [tilespmem:s20+$0x10890]  }
0x1e0: {  	v10 =	vld [tilespmem:s20+$0x108A0]  }
0x1e1: {  	v11 =	vld [tilespmem:s20+$0x110B0]  }
0x1e2: {  	v12 =	vld [tilespmem:s20+$0x11080];
	v3 =	vsub.f32 v3, v1;
	v4 =	vsub.f32 v4, v2  }
0x1e3: {  	v13 =	vld [tilespmem:s20+$0x11090];
	v5 =	vsub.f32 v5, v1;
	v6 =	vsub.f32 v6, v1  }
0x1e4: {  	v7 =	vsub.f32 v7, v1;
	v8 =	vsub.f32 v8, v2  }
0x1e5: {  	v9 =	vsub.f32 v9, v2;
	v10 =	vsub.f32 v10, v2  }
0x1e6: {  	vm0 =	veq.s32 v11, v0;
	v3 =	vmul.f32 $1.024000000e+03, v3;
	v4 =	vmul.f32 $1.024000000e+03, v4  }
0x1e7: {  	vm1 =	veq.s32 v12, v0;
	v5 =	vmul.f32 $1.024000000e+03, v5;
	v6 =	vmul.f32 $1.024000000e+03, v6  }
0x1e8: {  	vm2 =	veq.s32 v13, v0;
	v8 =	vmul.f32 $1.024000000e+03, v8;
	v7 =	vmul.f32 $1.024000000e+03, v7  }
0x1e9: {  	v9 =	vmul.f32 $1.024000000e+03, v9;
	v10 =	vmul.f32 $1.024000000e+03, v10;
	v3 =	vmax.f32 v3, $-1.000000000e+00  }
0x1ea: {  	v4 =	vmax.f32 v4, $-1.000000000e+00;
	v5 =	vmax.f32 v5, $-1.000000000e+00;
	v6 =	vmax.f32 v6, $-1.000000000e+00  }
0x1eb: {  	v7 =	vmax.f32 v7, $-1.000000000e+00;
	v8 =	vmax.f32 v8, $-1.000000000e+00;
	v9 =	vmax.f32 v9, $-1.000000000e+00  }
0x1ec: {  	v10 =	vmax.f32 v10, $-1.000000000e+00;
	v3 =	vmin.f32 v3, $1.025000000e+03;
	v4 =	vmin.f32 v4, $1.025000000e+03  }
0x1ed: {  	v5 =	vmin.f32 v5, $1.025000000e+03;
	v6 =	vmin.f32 v6, $1.025000000e+03;
	v3 =	vadd.f32 $1.258291200e+07, v3  }
0x1ee: {  	v7 =	vmin.f32 v7, $1.025000000e+03;
	v4 =	vadd.f32 $1.258291200e+07, v4;
	v5 =	vadd.f32 $1.258291200e+07, v5  }
0x1ef: {  	v9 =	vmin.f32 v9, $1.025000000e+03;
	v6 =	vadd.f32 $1.258291200e+07, v6;
	v3 =	vadd.f32 $-1.258291200e+07, v3  }
0x1f0: {  	v10 =	vmin.f32 v10, $1.025000000e+03;
	v7 =	vadd.f32 $1.258291200e+07, v7;
	v4 =	vadd.f32 $-1.258291200e+07, v4  }
0x1f1: {  	v9 =	vadd.f32 $1.258291200e+07, v9;
	v10 =	vadd.f32 $1.258291200e+07, v10;
	v3 =	vmax.f32 v3, $0.0e+00  }
0x1f2: {  	v5 =	vadd.f32 $-1.258291200e+07, v5;
	v4 =	vmax.f32 v4, $0.0e+00;
	v3 =	vmin.f32 v3, $1.023000000e+03  }
0x1f3: {  	v6 =	vadd.f32 $-1.258291200e+07, v6;
	v4 =	vmin.f32 v4, $1.023000000e+03;
	v3 =	vtrunc.f32 v3  }
0x1f4: {  	v7 =	vadd.f32 $-1.258291200e+07, v7;
	v4 =	vtrunc.f32 v4;
	v3 =	vcvt.f32.s32 v3  }
0x1f5: {  	v5 =	vmax.f32 v5, $0.0e+00;
	v6 =	vmax.f32 v6, $0.0e+00;
	v4 =	vcvt.f32.s32 v4  }
0x1f6: {  	v7 =	vmax.f32 v7, $0.0e+00;
	v5 =	vmin.f32 v5, $1.023000000e+03;
	v3 =	vshll.u32 v3, $0xA  }
0x1f7: {  	v6 =	vmin.f32 v6, $1.023000000e+03;
	v3 =	vor.u32 v4, v3;
	v4 =	vmin.f32 v8, $1.025000000e+03;
	v8 =	vld [tilespmem:s20+$0x110A0]  }
0x1f8: {  	v7 =	vmin.f32 v7, $1.023000000e+03;
	v5 =	vtrunc.f32 v5;
	v14 =	vand.u32 $0x7FF, v3  }
0x1f9: {  	v6 =	vtrunc.f32 v6;
	v4 =	vadd.f32 $1.258291200e+07, v4;
	v11 =	vor.u32 $0x100000, v14  }
0x1fa: {  	v7 =	vtrunc.f32 v7;
	v5 =	vcvt.f32.s32 v5;
	v3 =	vsel vm0, v3, v11  }
0x1fb: {  	s14 =	simm.s32 $0x40;
	v6 =	vcvt.f32.s32 v6;
	v7 =	vcvt.f32.s32 v7;
	v4 =	vadd.f32 $-1.258291200e+07, v4;
	[tilespmem:s20+$0x118B0] =	vst v3  }
0x1fc: {  	vm0 =	veq.s32 v8, v0;
	v8 =	vadd.f32 $-1.258291200e+07, v9;
	v9 =	vadd.f32 $-1.258291200e+07, v10;
	v10 =	vld [tilespmem:s14+$0x108B0]  }
0x1fd: {  	vm2 =	vmmov vm2;
	v5 =	vshll.u32 v5, $0xA;
	v4 =	vmax.f32 v4, $0.0e+00;
	v56 =	vld [tilespmem:s14+$0x100A0]  }
0x1fe: {  	v6 =	vshll.u32 v6, $0xA;
	v7 =	vshll.u32 v7, $0xA;
	v15 =	vld [tilespmem:s14+$0x10890];
	v4 =	vmin.f32 v4, $1.023000000e+03  }
0x1ff: {  	v61 =	vld [tilespmem:s14+$0x11090];
	v8 =	vmax.f32 v8, $0.0e+00;
	v9 =	vmax.f32 v9, $0.0e+00;
	v4 =	vtrunc.f32 v4  }
0x200: {  	v8 =	vmin.f32 v8, $1.023000000e+03;
	v3 =	vmin.f32 v9, $1.023000000e+03;
	v4 =	vcvt.f32.s32 v4  }
0x201: {  	vm0 =	vmmov vm0;
	v9 =	vld [tilespmem:s14+$0x100B0];
	v8 =	vtrunc.f32 v8;
	v3 =	vtrunc.f32 v3  }
0x202: {  	v8 =	vcvt.f32.s32 v8;
	v3 =	vcvt.f32.s32 v3;
	v10 =	vsub.f32 v10, v2  }
0x203: {  	v11 =	vld [tilespmem:s14+$0x10080];
	v5 =	vor.u32 v4, v5;
	v58 =	vsub.f32 v56, v1;
	v59 =	vsub.f32 v15, v2  }
0x204: {  	v55 =	vld [tilespmem:s14+$0x10090];
	vm4 =	veq.s32 v61, v0;
	v4 =	vand.u32 $0x7FF, v5;
	v57 =	vor.u32 v8, v6  }
0x205: {  	v3 =	vor.u32 v3, v7;
	v16 =	vor.u32 $0x100000, v4;
	v10 =	vmul.f32 $1.024000000e+03, v10  }
0x206: {  	v12 =	vmul.f32 $1.024000000e+03, v58;
	v13 =	vmul.f32 $1.024000000e+03, v59;
	v7 =	vsub.f32 v9, v1  }
0x207: {  	v8 =	vand.u32 $0x7FF, v57;
	v9 =	vand.u32 $0x7FF, v3;
	v5 =	vsel vm1, v5, v16  }
0x208: {  	v17 =	vor.u32 $0x100000, v8;
	v8 =	vsub.f32 v11, v1;
	v4 =	vor.u32 $0x100000, v9  }
0x209: {  	v6 =	vld [tilespmem:s14+$0x10880];
	v9 =	vsub.f32 v55, v1;
	v10 =	vmax.f32 v10, $-1.000000000e+00;
	v7 =	vmul.f32 $1.024000000e+03, v7  }
0x20a: {  	v11 =	vld [tilespmem:s14+$0x108A0];
	v12 =	vmax.f32 v12, $-1.000000000e+00;
	v13 =	vmax.f32 v13, $-1.000000000e+00;
	v10 =	vmin.f32 v10, $1.025000000e+03  }
0x20b: {  	v12 =	vmin.f32 v12, $1.025000000e+03;
	v13 =	vmin.f32 v13, $1.025000000e+03;
	v7 =	vmax.f32 v7, $-1.000000000e+00  }
0x20c: {  	v8 =	vmul.f32 $1.024000000e+03, v8;
	v10 =	vadd.f32 $1.258291200e+07, v10;
	v7 =	vmin.f32 v7, $1.025000000e+03  }
0x20d: {  	v9 =	vmul.f32 $1.024000000e+03, v9;
	v12 =	vadd.f32 $1.258291200e+07, v12;
	v7 =	vadd.f32 $1.258291200e+07, v7  }
0x20e: {  	v6 =	vsub.f32 v6, v2;
	v10 =	vadd.f32 $-1.258291200e+07, v10;
	v8 =	vmax.f32 v8, $-1.000000000e+00  }
0x20f: {  	v9 =	vmax.f32 v9, $-1.000000000e+00;
	v11 =	vsub.f32 v11, v2;
	v7 =	vadd.f32 $-1.258291200e+07, v7  }
0x210: {  	v60 =	vld [tilespmem:s14+$0x11080];
	[tilespmem:s20+$0x11880] =	vst v5;
	v6 =	vmul.f32 $1.024000000e+03, v6;
	v5 =	vmin.f32 v8, $1.025000000e+03;
	v9 =	vmin.f32 v9, $1.025000000e+03  }
0x211: {  	v10 =	vmax.f32 v10, $0.0e+00;
	v5 =	vadd.f32 $1.258291200e+07, v5;
	v7 =	vmax.f32 v7, $0.0e+00  }
0x212: {  	v9 =	vadd.f32 $1.258291200e+07, v9;
	v11 =	vmul.f32 $1.024000000e+03, v11;
	v7 =	vmin.f32 v7, $1.023000000e+03  }
0x213: {  	v8 =	vmin.f32 v10, $1.023000000e+03;
	v6 =	vmax.f32 v6, $-1.000000000e+00;
	v7 =	vtrunc.f32 v7  }
0x214: {  	v10 =	vld [tilespmem:s14+$0x110B0];
	v8 =	vtrunc.f32 v8;
	v6 =	vmin.f32 v6, $1.025000000e+03;
	v7 =	vcvt.f32.s32 v7  }
0x215: {  	v5 =	vadd.f32 $-1.258291200e+07, v5;
	v9 =	vadd.f32 $-1.258291200e+07, v9;
	v8 =	vcvt.f32.s32 v8  }
0x216: {  	v11 =	vmax.f32 v11, $-1.000000000e+00;
	v6 =	vadd.f32 $1.258291200e+07, v6;
	v7 =	vshll.u32 v7, $0xA  }
0x217: {  	v11 =	vmin.f32 v11, $1.025000000e+03;
	v5 =	vmax.f32 v5, $0.0e+00;
	v7 =	vor.u32 v8, v7;
	v8 =	vld [tilespmem:s14+$0x110A0]  }
0x218: {  	v9 =	vmax.f32 v9, $0.0e+00;
	v6 =	vadd.f32 $-1.258291200e+07, v6;
	v18 =	vand.u32 $0x7FF, v7  }
0x219: {  	v5 =	vmin.f32 v5, $1.023000000e+03;
	vm1 =	veq.s32 v10, v0;
	v10 =	vor.u32 $0x100000, v18  }
0x21a: {  	v18 =	vsel vm1, v7, v10;
	v7 =	vadd.f32 $1.258291200e+07, v13;
	v10 =	vadd.f32 $1.258291200e+07, v11  }
0x21b: {  	v9 =	vmin.f32 v9, $1.023000000e+03;
	v5 =	vtrunc.f32 v5;
	v11 =	vadd.f32 $-1.258291200e+07, v12  }
0x21c: {  	vm3 =	veq.s32 v8, v0;
	v7 =	vadd.f32 $-1.258291200e+07, v7;
	v8 =	vadd.f32 $-1.258291200e+07, v10  }
0x21d: {  	v6 =	vmax.f32 v6, $0.0e+00;
	vm1 =	veq.s32 v60, v0;
	v10 =	vmax.f32 v11, $0.0e+00  }
0x21e: {  	v10 =	vmin.f32 v10, $1.023000000e+03;
	v7 =	vmax.f32 v7, $0.0e+00;
	v62 =	vmax.f32 v8, $0.0e+00  }
0x21f: {  	v8 =	vmin.f32 v6, $1.023000000e+03;
	v6 =	vtrunc.f32 v9;
	v63 =	vtrunc.f32 v10  }
0x220: {  	v10 =	vcvt.f32.s32 v5;
	v5 =	vsel vm2, v57, v17;
	v11 =	vmin.f32 v7, $1.023000000e+03  }
0x221: {  	s21 =	simm.s32 $0x80;
	s22 =	simm.s32 $0x300;
	[tilespmem:s14+$0x118B0] =	vst v18;
	v7 =	vmin.f32 v62, $1.023000000e+03;
	v9 =	vcvt.f32.s32 v6;
	v6 =	vcvt.f32.s32 v63  }
.LBB2_11:
0x222: {  	v8 =	vtrunc.f32 v8  }
0x223: {  	p2 =	sne.s32 s22, $0x1F00;
	v12 =	vld [tilespmem:s21+$0x100B0];
	v10 =	vshll.u32 v10, $0xA;
	v11 =	vtrunc.f32 v11;
	[tilespmem:s20+$0x11890] =	vst v5;
	vm2 =	vmmov vm4  }
0x224: {  	v7 =	vtrunc.f32 v7;
	v13 =	vld [tilespmem:s21+$0x108B0];
	v5 =	vcvt.f32.s32 v8;
	v8 =	vshll.u32 v9, $0xA  }
0x225: {  	v11 =	vcvt.f32.s32 v11;
	v7 =	vcvt.f32.s32 v7;
	v6 =	vshll.u32 v6, $0xA;
	v9 =	vld [tilespmem:s21+$0x10080]  }
0x226: {  	v4 =	vsel vm0, v3, v4;
	vm0 =	vmmov vm3;
	v14 =	vld [tilespmem:s21+$0x10090];
	v10 =	vor.u32 v5, v10  }
0x227: {  	v5 =	vor.u32 v11, v8;
	v3 =	vor.u32 v7, v6;
	v15 =	vld [tilespmem:s21+$0x100A0];
	v16 =	vand.u32 $0x7FF, v10;
	[tilespmem:s20+$0x118A0] =	vst v4;
	s20 =	smov.u32 s14;
	s14 =	smov.u32 s21  }
0x228: {  	v7 =	vand.u32 $0x7FF, v5;
	v8 =	vand.u32 $0x7FF, v3;
	v6 =	vld [tilespmem:s14+$0x10880];
	v4 =	vsub.f32 v12, v1  }
0x229: {  	v11 =	vld [tilespmem:s14+$0x10890];
	v12 =	vsub.f32 v13, v2;
	v13 =	vor.u32 $0x100000, v16;
	v16 =	vor.u32 $0x100000, v7  }
0x22a: {  	v7 =	vsub.f32 v9, v1;
	v9 =	vld [tilespmem:s14+$0x108A0];
	v17 =	vmul.f32 $1.024000000e+03, v4;
	v4 =	vor.u32 $0x100000, v8  }
0x22b: {  	v10 =	vsel vm1, v10, v13;
	v8 =	vld [tilespmem:s14+$0x11080];
	v14 =	vsub.f32 v14, v1;
	v12 =	vmul.f32 $1.024000000e+03, v12  }
0x22c: {  	v7 =	vmul.f32 $1.024000000e+03, v7;
	v13 =	vld [tilespmem:s14+$0x11090];
	v15 =	vsub.f32 v15, v1;
	v17 =	vmax.f32 v17, $-1.000000000e+00;
	[tilespmem:s20+$0x11880] =	vst v10  }
0x22d: {  	v6 =	vsub.f32 v6, v2;
	v10 =	vld [tilespmem:s14+$0x110A0];
	v17 =	vmin.f32 v17, $1.025000000e+03;
	v12 =	vmax.f32 v12, $-1.000000000e+00  }
0x22e: {  	v11 =	vsub.f32 v11, v2;
	v17 =	vadd.f32 $1.258291200e+07, v17;
	v12 =	vmin.f32 v12, $1.025000000e+03  }
0x22f: {  	v14 =	vmul.f32 $1.024000000e+03, v14;
	v9 =	vsub.f32 v9, v2;
	v12 =	vadd.f32 $1.258291200e+07, v12  }
0x230: {  	v15 =	vmul.f32 $1.024000000e+03, v15;
	v6 =	vmul.f32 $1.024000000e+03, v6;
	v17 =	vadd.f32 $-1.258291200e+07, v17  }
0x231: {  	v11 =	vmul.f32 $1.024000000e+03, v11;
	v9 =	vmul.f32 $1.024000000e+03, v9;
	v12 =	vadd.f32 $-1.258291200e+07, v12  }
0x232: {  	v7 =	vmax.f32 v7, $-1.000000000e+00;
	v14 =	vmax.f32 v14, $-1.000000000e+00;
	v17 =	vmax.f32 v17, $0.0e+00  }
0x233: {  	v15 =	vmax.f32 v15, $-1.000000000e+00;
	v17 =	vmin.f32 v17, $1.023000000e+03;
	v12 =	vmax.f32 v12, $0.0e+00  }
0x234: {  	v7 =	vmin.f32 v7, $1.025000000e+03;
	v17 =	vtrunc.f32 v17;
	v12 =	vmin.f32 v12, $1.023000000e+03  }
0x235: {  	v14 =	vmin.f32 v14, $1.025000000e+03;
	v17 =	vcvt.f32.s32 v17;
	v12 =	vtrunc.f32 v12;
	v18 =	vld [tilespmem:s14+$0x110B0]  }
0x236: {  	v6 =	vmax.f32 v6, $-1.000000000e+00;
	v15 =	vmin.f32 v15, $1.025000000e+03;
	v12 =	vcvt.f32.s32 v12  }
0x237: {  	v11 =	vmax.f32 v11, $-1.000000000e+00;
	v9 =	vmax.f32 v9, $-1.000000000e+00;
	v17 =	vshll.u32 v17, $0xA  }
0x238: {  	v7 =	vadd.f32 $1.258291200e+07, v7;
	v14 =	vadd.f32 $1.258291200e+07, v14;
	v12 =	vor.u32 v12, v17  }
0x239: {  	v6 =	vmin.f32 v6, $1.025000000e+03;
	v15 =	vadd.f32 $1.258291200e+07, v15;
	v17 =	vand.u32 $0x7FF, v12  }
0x23a: {  	v11 =	vmin.f32 v11, $1.025000000e+03;
	vm1 =	veq.s32 v18, v0;
	v17 =	vor.u32 $0x100000, v17  }
0x23b: {  	v6 =	vadd.f32 $1.258291200e+07, v6;
	v9 =	vmin.f32 v9, $1.025000000e+03;
	v12 =	vsel vm1, v12, v17  }
0x23c: {  	v9 =	vadd.f32 $1.258291200e+07, v9;
	vm1 =	veq.s32 v8, v0;
	v8 =	vadd.f32 $1.258291200e+07, v11;
	[tilespmem:s14+$0x118B0] =	vst v12  }
0x23d: {  	vm4 =	veq.s32 v13, v0;
	v7 =	vadd.f32 $-1.258291200e+07, v7;
	v11 =	vadd.f32 $-1.258291200e+07, v14  }
0x23e: {  	vm3 =	veq.s32 v10, v0;
	v6 =	vadd.f32 $-1.258291200e+07, v6;
	v12 =	vadd.f32 $-1.258291200e+07, v15  }
0x23f: {  	v7 =	vmax.f32 v7, $0.0e+00;
	v9 =	vadd.f32 $-1.258291200e+07, v9;
	v8 =	vadd.f32 $-1.258291200e+07, v8  }
0x240: {  	v7 =	vmin.f32 v7, $1.023000000e+03;
	v10 =	vmax.f32 v11, $0.0e+00;
	v11 =	vmax.f32 v12, $0.0e+00  }
.Ltmp6:
0x241: {  	v6 =	vmax.f32 v6, $0.0e+00;
	v10 =	vmin.f32 v10, $1.023000000e+03;
	v11 =	vmin.f32 v11, $1.023000000e+03;
	(pc) =	sbr.rel @p2 .LBB2_11-.Ltmp6, $4  }
0x242: {  	v7 =	vtrunc.f32 v7;
	v9 =	vmax.f32 v9, $0.0e+00;
	v12 =	vmax.f32 v8, $0.0e+00  }
0x243: {  	v8 =	vmin.f32 v6, $1.023000000e+03;
	v6 =	vtrunc.f32 v10;
	v13 =	vtrunc.f32 v11  }
0x244: {  	v10 =	vcvt.f32.s32 v7;
	v7 =	vmin.f32 v9, $1.023000000e+03;
	v11 =	vmin.f32 v12, $1.023000000e+03  }
0x245: {  	s21 =	sshra.s32 s22, $0x2;
	s22 =	sadd.s32 $0x100, s22;
	v5 =	vsel vm2, v5, v16;
	v9 =	vcvt.f32.s32 v6;
	v6 =	vcvt.f32.s32 v13  }
0x246: {  	v12 =	vld [tilespmem:s21+$0x100B0];
	[tilespmem:s20+$0x11890] =	vst v5  }
0x247: {  	v40 =	vtrunc.f32 v8;
	v41 =	vshll.u32 v10, $0xA;
	v42 =	vtrunc.f32 v11;
	v43 =	vld [tilespmem:s21+$0x108B0]  }
0x248: {  	vm2 =	vmmov vm4;
	v7 =	vtrunc.f32 v7;
	v5 =	vcvt.f32.s32 v40;
	v13 =	vld [tilespmem:s21+$0x10080]  }
0x249: {  	v3 =	vsel vm0, v3, v4;
	v10 =	vcvt.f32.s32 v42;
	v7 =	vcvt.f32.s32 v7;
	v14 =	vld [tilespmem:s21+$0x10090]  }
0x24a: {  	vm9 =	vmmov vm3;
	v9 =	vshll.u32 v9, $0xA;
	v6 =	vshll.u32 v6, $0xA;
	v44 =	vld [tilespmem:s21+$0x100A0];
	[tilespmem:s20+$0x118A0] =	vst v3  }
0x24b: {  	v45 =	vld [tilespmem:s21+$0x10880];
	v5 =	vor.u32 v5, v41;
	v9 =	vor.u32 v10, v9;
	v3 =	vor.u32 v7, v6  }
0x24c: {  	v15 =	vld [tilespmem:s21+$0x10890];
	v8 =	vand.u32 $0x7FF, v5;
	v10 =	vand.u32 $0x7FF, v9;
	v47 =	vand.u32 $0x7FF, v3  }
0x24d: {  	v16 =	vld [tilespmem:s21+$0x108A0];
	v46 =	vsub.f32 v12, v1;
	v8 =	vor.u32 $0x100000, v8;
	v10 =	vor.u32 $0x100000, v10  }
0x24e: {  	v17 =	vld [tilespmem:s21+$0x11090];
	v12 =	vor.u32 $0x100000, v47;
	v11 =	vsub.f32 v43, v2;
	v13 =	vsub.f32 v13, v1  }
0x24f: {  	v14 =	vsub.f32 v14, v1;
	v4 =	vsub.f32 v44, v1;
	v5 =	vsel vm1, v5, v8  }
0x250: {  	v9 =	vsel vm2, v9, v10;
	v3 =	vsel vm9, v3, v12;
	v7 =	vmul.f32 $1.024000000e+03, v46  }
0x251: {  	v6 =	vsub.f32 v45, v2;
	v15 =	vsub.f32 v15, v2;
	v11 =	vmul.f32 $1.024000000e+03, v11  }
0x252: {  	v16 =	vsub.f32 v16, v2;
	v13 =	vmul.f32 $1.024000000e+03, v13;
	v14 =	vmul.f32 $1.024000000e+03, v14  }
0x253: {  	vm12 =	veq.s32 v17, v0;
	v4 =	vmul.f32 $1.024000000e+03, v4;
	v6 =	vmul.f32 $1.024000000e+03, v6  }
0x254: {  	v7 =	vmax.f32 v7, $-1.000000000e+00;
	v48 =	vmul.f32 $1.024000000e+03, v15;
	v49 =	vmul.f32 $1.024000000e+03, v16  }
0x255: {  	v7 =	vmin.f32 v7, $1.025000000e+03;
	v11 =	vmax.f32 v11, $-1.000000000e+00;
	v13 =	vmax.f32 v13, $-1.000000000e+00  }
0x256: {  	v14 =	vmax.f32 v14, $-1.000000000e+00;
	v4 =	vmax.f32 v4, $-1.000000000e+00;
	v7 =	vadd.f32 $1.258291200e+07, v7  }
0x257: {  	v50 =	vld [tilespmem:s21+$0x11080];
	[tilespmem:s14+$0x11880] =	vst v5;
	v11 =	vmin.f32 v11, $1.025000000e+03;
	v52 =	vmin.f32 v13, $1.025000000e+03;
	v53 =	vmin.f32 v14, $1.025000000e+03  }
0x258: {  	v54 =	vld [tilespmem:s21+$0x110B0];
	v6 =	vmax.f32 v6, $-1.000000000e+00;
	v4 =	vmin.f32 v4, $1.025000000e+03;
	v8 =	vmax.f32 v48, $-1.000000000e+00  }
0x259: {  	v55 =	vld [tilespmem:s21+$0x110A0];
	v15 =	vmax.f32 v49, $-1.000000000e+00;
	v11 =	vadd.f32 $1.258291200e+07, v11;
	v13 =	vadd.f32 $1.258291200e+07, v53  }
0x25a: {  	v6 =	vmin.f32 v6, $1.025000000e+03;
	v4 =	vadd.f32 $1.258291200e+07, v4;
	v8 =	vmin.f32 v8, $1.025000000e+03  }
0x25b: {  	v15 =	vmin.f32 v15, $1.025000000e+03;
	v7 =	vadd.f32 $-1.258291200e+07, v7;
	v6 =	vadd.f32 $1.258291200e+07, v6  }
0x25c: {  	vm14 =	vmmov vm12;
	v8 =	vadd.f32 $1.258291200e+07, v8;
	v57 =	vadd.f32 $1.258291200e+07, v15  }
0x25d: {  	vm10 =	veq.s32 v54, v0;
	v11 =	vadd.f32 $-1.258291200e+07, v11;
	v13 =	vadd.f32 $-1.258291200e+07, v13  }
0x25e: {  	vm13 =	veq.s32 v55, v0;
	v4 =	vadd.f32 $-1.258291200e+07, v4;
	v6 =	vadd.f32 $-1.258291200e+07, v6  }
0x25f: {  	v7 =	vmax.f32 v7, $0.0e+00;
	v8 =	vadd.f32 $-1.258291200e+07, v8;
	v59 =	vadd.f32 $-1.258291200e+07, v57  }
0x260: {  	v7 =	vmin.f32 v7, $1.023000000e+03;
	v51 =	vmax.f32 v11, $0.0e+00;
	v11 =	vadd.f32 $1.258291200e+07, v52  }
0x261: {  	v13 =	vmax.f32 v13, $0.0e+00;
	v4 =	vmax.f32 v4, $0.0e+00;
	v7 =	vtrunc.f32 v7  }
0x262: {  	v5 =	vmin.f32 v51, $1.023000000e+03;
	v6 =	vmax.f32 v6, $0.0e+00;
	v13 =	vmin.f32 v13, $1.023000000e+03  }
0x263: {  	v4 =	vmin.f32 v4, $1.023000000e+03;
	v8 =	vmax.f32 v8, $0.0e+00;
	v7 =	vcvt.f32.s32 v7  }
0x264: {  	v5 =	vtrunc.f32 v5;
	v11 =	vadd.f32 $-1.258291200e+07, v11;
	v13 =	vtrunc.f32 v13  }
0x265: {  	v6 =	vmin.f32 v6, $1.023000000e+03;
	v4 =	vtrunc.f32 v4;
	v5 =	vcvt.f32.s32 v5  }
0x266: {  	v8 =	vmin.f32 v8, $1.023000000e+03;
	v13 =	vcvt.f32.s32 v13;
	v4 =	vcvt.f32.s32 v4  }
0x267: {  	vm15 =	vmmov vm13;
	v6 =	vtrunc.f32 v6;
	v8 =	vtrunc.f32 v8  }
0x268: {  	v7 =	vshll.u32 v7, $0xA;
	v58 =	vmax.f32 v11, $0.0e+00;
	v11 =	vmax.f32 v59, $0.0e+00  }
0x269: {  	v6 =	vcvt.f32.s32 v6;
	v8 =	vcvt.f32.s32 v8;
	v5 =	vor.u32 v5, v7  }
0x26a: {  	v7 =	vmin.f32 v58, $1.023000000e+03;
	v11 =	vmin.f32 v11, $1.023000000e+03;
	v60 =	vshll.u32 v13, $0xA  }
0x26b: {  	v18 =	vand.u32 $0x7FF, v5;
	v7 =	vtrunc.f32 v7;
	v11 =	vtrunc.f32 v11  }
0x26c: {  	v56 =	vor.u32 $0x100000, v18;
	v7 =	vcvt.f32.s32 v7;
	v11 =	vcvt.f32.s32 v11  }
0x26d: {  	v4 =	vshll.u32 v4, $0xA;
	v62 =	vor.u32 v8, v60;
	v5 =	vsel vm10, v5, v56  }
0x26e: {  	v8 =	vand.u32 $0x7FF, v62;
	v7 =	vshll.u32 v7, $0xA;
	[tilespmem:s21+$0x118B0] =	vst v5;
	v4 =	vor.u32 v11, v4  }
0x26f: {  	v8 =	vor.u32 $0x100000, v8;
	v6 =	vor.u32 v6, v7;
	[tilespmem:s14+$0x118A0] =	vst v3;
	v3 =	vand.u32 $0x7FF, v4  }
0x270: {  	v63 =	vsel vm14, v62, v8;
	[tilespmem:s14+$0x11890] =	vst v9;
	v61 =	vand.u32 $0x7FF, v6;
	v3 =	vor.u32 $0x100000, v3  }
0x271: {  	s12 =	sadd.s32 $0x1, s12;
	vm11 =	veq.s32 v50, v0;
	[tilespmem:s21+$0x11890] =	vst v63;
	v5 =	vor.u32 $0x100000, v61;
	v3 =	vsel vm15, v4, v3  }
0x272: {  	p2 =	sne.s32 s12, $0x10;
	v5 =	vsel vm11, v6, v5;
	[tilespmem:s21+$0x118A0] =	vst v3  }
.Ltmp7:
0x273: {  	[tilespmem:s21+$0x11880] =	vst v5;
	(pc) =	sbr.rel @p2 .LBB2_10-.Ltmp7, $4  }
0x274: {  	[spmem:s5] =	stream.indirect.scatter [tilespmem:s30], [sflag:$0x1], $0x1, s29, s26, $0xb8;
	[tilespmem:$0x16A00] =	vst v63  }
0x275: {  	_ =	swait.ge [sflag:s28], $0x800  }
0x276: {  	[sflag:s28] =	ssyncset.done $0x0  }
0x277: {  	[sflag:s28] =	ssyncadd.s32 $0xFFFFF800  }
.Ltmp8:
0x278: {  	(pc) =	sbr.rel @p1 .LBB2_17-.Ltmp8, $2  }
0x279: {  	_ =	sdelay $0x2  }
0x27a: {  	s12 =	simm.s32 $0x0;
	s13 =	simm.s32 $0x0  }
.LBB2_14:
0x27b: {  	s14 =	sshll.u32 s13, $0xF  }
0x27c: {  	s14 =	sor.u32 s25, s14  }
0x27d: {  	s14 =	smin.u32 s14, $0x17EA0  }
0x27e: {  	s14 =	sshrl.u32 s14, $0x3  }
0x27f: {  	s14 =	sadd.s32 s9, s14  }
0x280: {  	[tilespmem:s0], [sflag:$0x1] =	stream.linear.gather [hbm4b:s14+s12], $0x800, $0x38;
	[tilespmem:$0x16A00] =	vst v63  }
0x281: {  	_ =	swait.ge [sflag:s28], $0x800  }
0x282: {  	[sflag:s28] =	ssyncset.done $0x0  }
0x283: {  	s14 =	sadd.s32 $0x30D4, s14;
	[sflag:s28] =	ssyncadd.s32 $0xFFFFF800  }
0x284: {  	[tilespmem:s11], [sflag:$0x1] =	stream.linear.gather [hbm4b:s14+s12], $0x800, $0x38;
	[tilespmem:$0x16A00] =	vst v63  }
0x285: {  	_ =	swait.ge [sflag:s28], $0x800  }
0x286: {  	[sflag:s28] =	ssyncset.done $0x0  }
0x287: {  	s14 =	simm.s32 $0x0;
	[sflag:s28] =	ssyncadd.s32 $0xFFFFF800  }
0x288: {  	v3 =	vld [tilespmem:s14+$0x100B0]  }
0x289: {  	v4 =	vld [tilespmem:s14+$0x108B0]  }
0x28a: {  	v5 =	vld [tilespmem:s14+$0x10080]  }
0x28b: {  	v6 =	vld [tilespmem:s14+$0x10090]  }
0x28c: {  	v7 =	vld [tilespmem:s14+$0x100A0]  }
0x28d: {  	v8 =	vld [tilespmem:s14+$0x10880]  }
0x28e: {  	v9 =	vld [tilespmem:s14+$0x10890]  }
0x28f: {  	v10 =	vld [tilespmem:s14+$0x108A0]  }
0x290: {  	v3 =	vsub.f32 v3, v1;
	v4 =	vsub.f32 v4, v2  }
0x291: {  	v5 =	vsub.f32 v5, v1;
	v6 =	vsub.f32 v6, v1  }
0x292: {  	v7 =	vsub.f32 v7, v1;
	v8 =	vsub.f32 v8, v2  }
0x293: {  	v9 =	vsub.f32 v9, v2;
	v3 =	vmul.f32 $1.024000000e+03, v3;
	v4 =	vmul.f32 $1.024000000e+03, v4  }
0x294: {  	v10 =	vsub.f32 v10, v2;
	v5 =	vmul.f32 $1.024000000e+03, v5;
	v6 =	vmul.f32 $1.024000000e+03, v6  }
0x295: {  	v8 =	vmul.f32 $1.024000000e+03, v8;
	v7 =	vmul.f32 $1.024000000e+03, v7  }
0x296: {  	v9 =	vmul.f32 $1.024000000e+03, v9;
	v10 =	vmul.f32 $1.024000000e+03, v10  }
0x297: {  	v3 =	vmax.f32 v3, $-1.000000000e+00;
	v4 =	vmax.f32 v4, $-1.000000000e+00;
	v5 =	vmax.f32 v5, $-1.000000000e+00  }
0x298: {  	v6 =	vmax.f32 v6, $-1.000000000e+00;
	v7 =	vmax.f32 v7, $-1.000000000e+00;
	v3 =	vmin.f32 v3, $1.025000000e+03  }
0x299: {  	v8 =	vmax.f32 v8, $-1.000000000e+00;
	v4 =	vmin.f32 v4, $1.025000000e+03;
	v3 =	vadd.f32 $1.258291200e+07, v3  }
0x29a: {  	v9 =	vmax.f32 v9, $-1.000000000e+00;
	v10 =	vmax.f32 v10, $-1.000000000e+00;
	v4 =	vadd.f32 $1.258291200e+07, v4  }
0x29b: {  	v5 =	vmin.f32 v5, $1.025000000e+03;
	v6 =	vmin.f32 v6, $1.025000000e+03;
	v3 =	vadd.f32 $-1.258291200e+07, v3  }
0x29c: {  	v7 =	vmin.f32 v7, $1.025000000e+03;
	v8 =	vmin.f32 v8, $1.025000000e+03;
	v4 =	vadd.f32 $-1.258291200e+07, v4  }
0x29d: {  	v9 =	vmin.f32 v9, $1.025000000e+03;
	v10 =	vmin.f32 v10, $1.025000000e+03;
	v3 =	vmax.f32 v3, $0.0e+00  }
0x29e: {  	v5 =	vadd.f32 $1.258291200e+07, v5;
	v4 =	vmax.f32 v4, $0.0e+00;
	v3 =	vmin.f32 v3, $1.023000000e+03  }
0x29f: {  	v6 =	vadd.f32 $1.258291200e+07, v6;
	v4 =	vmin.f32 v4, $1.023000000e+03;
	v3 =	vtrunc.f32 v3  }
0x2a0: {  	v7 =	vadd.f32 $1.258291200e+07, v7;
	v4 =	vtrunc.f32 v4;
	v3 =	vcvt.f32.s32 v3  }
0x2a1: {  	v8 =	vadd.f32 $1.258291200e+07, v8;
	v5 =	vadd.f32 $-1.258291200e+07, v5;
	v4 =	vcvt.f32.s32 v4  }
0x2a2: {  	v9 =	vadd.f32 $1.258291200e+07, v9;
	v10 =	vadd.f32 $1.258291200e+07, v10;
	v3 =	vshll.u32 v3, $0xA  }
0x2a3: {  	v5 =	vmax.f32 v5, $0.0e+00;
	v11 =	vor.u32 v4, v3;
	v3 =	vadd.f32 $-1.258291200e+07, v6  }
0x2a4: {  	v5 =	vmin.f32 v5, $1.023000000e+03;
	v4 =	vadd.f32 $-1.258291200e+07, v7;
	v7 =	vadd.f32 $-1.258291200e+07, v9  }
0x2a5: {  	v6 =	vadd.f32 $-1.258291200e+07, v8;
	v9 =	vadd.f32 $-1.258291200e+07, v10;
	v3 =	vmax.f32 v3, $0.0e+00  }
0x2a6: {  	v8 =	vmax.f32 v4, $0.0e+00;
	v7 =	vmax.f32 v7, $0.0e+00;
	v4 =	vmin.f32 v3, $1.023000000e+03  }
0x2a7: {  	s20 =	simm.s32 $0x40;
	s21 =	simm.s32 $0x200;
	[tilespmem:s14+$0x118B0] =	vst v11;
	v3 =	vmin.f32 v8, $1.023000000e+03;
	v8 =	vmax.f32 v6, $0.0e+00;
	v6 =	vmax.f32 v9, $0.0e+00  }
.LBB2_15:
0x2a8: {  	p2 =	sne.s32 s21, $0x1F00;
	v9 =	vld [tilespmem:s20+$0x100B0];
	v5 =	vtrunc.f32 v5;
	v8 =	vmin.f32 v8, $1.023000000e+03;
	v4 =	vtrunc.f32 v4  }
0x2a9: {  	v7 =	vmin.f32 v7, $1.023000000e+03;
	v3 =	vtrunc.f32 v3;
	v6 =	vmin.f32 v6, $1.023000000e+03;
	v10 =	vld [tilespmem:s20+$0x108B0]  }
0x2aa: {  	v5 =	vcvt.f32.s32 v5;
	v4 =	vcvt.f32.s32 v4;
	v11 =	vld [tilespmem:s20+$0x10080]  }
0x2ab: {  	v8 =	vtrunc.f32 v8;
	v3 =	vcvt.f32.s32 v3;
	v12 =	vld [tilespmem:s20+$0x10090]  }
0x2ac: {  	v7 =	vtrunc.f32 v7;
	v6 =	vtrunc.f32 v6;
	v5 =	vshll.u32 v5, $0xA;
	v13 =	vld [tilespmem:s20+$0x100A0]  }
0x2ad: {  	v8 =	vcvt.f32.s32 v8;
	v7 =	vcvt.f32.s32 v7;
	v14 =	vld [tilespmem:s20+$0x10880];
	v9 =	vsub.f32 v9, v1  }
0x2ae: {  	v6 =	vcvt.f32.s32 v6;
	v4 =	vshll.u32 v4, $0xA;
	v15 =	vld [tilespmem:s20+$0x10890];
	v10 =	vsub.f32 v10, v2  }
0x2af: {  	v3 =	vshll.u32 v3, $0xA;
	v11 =	vsub.f32 v11, v1;
	v16 =	vld [tilespmem:s20+$0x108A0];
	v9 =	vmul.f32 $1.024000000e+03, v9  }
0x2b0: {  	v5 =	vor.u32 v8, v5;
	v12 =	vsub.f32 v12, v1;
	v10 =	vmul.f32 $1.024000000e+03, v10  }
0x2b1: {  	v8 =	vmul.f32 $1.024000000e+03, v11;
	v11 =	vsub.f32 v13, v1;
	v9 =	vmax.f32 v9, $-1.000000000e+00;
	[tilespmem:s14+$0x11880] =	vst v5  }
0x2b2: {  	v5 =	vsub.f32 v14, v2;
	v9 =	vmin.f32 v9, $1.025000000e+03;
	v10 =	vmax.f32 v10, $-1.000000000e+00  }
0x2b3: {  	v13 =	vsub.f32 v15, v2;
	v9 =	vadd.f32 $1.258291200e+07, v9;
	v10 =	vmin.f32 v10, $1.025000000e+03  }
0x2b4: {  	v12 =	vmul.f32 $1.024000000e+03, v12;
	v14 =	vsub.f32 v16, v2;
	v10 =	vadd.f32 $1.258291200e+07, v10  }
0x2b5: {  	v11 =	vmul.f32 $1.024000000e+03, v11;
	v5 =	vmul.f32 $1.024000000e+03, v5;
	v9 =	vadd.f32 $-1.258291200e+07, v9  }
0x2b6: {  	v13 =	vmul.f32 $1.024000000e+03, v13;
	v14 =	vmul.f32 $1.024000000e+03, v14;
	v10 =	vadd.f32 $-1.258291200e+07, v10  }
0x2b7: {  	v8 =	vmax.f32 v8, $-1.000000000e+00;
	v12 =	vmax.f32 v12, $-1.000000000e+00;
	v9 =	vmax.f32 v9, $0.0e+00  }
0x2b8: {  	v11 =	vmax.f32 v11, $-1.000000000e+00;
	v9 =	vmin.f32 v9, $1.023000000e+03;
	v10 =	vmax.f32 v10, $0.0e+00  }
0x2b9: {  	v8 =	vmin.f32 v8, $1.025000000e+03;
	v9 =	vtrunc.f32 v9;
	v10 =	vmin.f32 v10, $1.023000000e+03  }
0x2ba: {  	v12 =	vmin.f32 v12, $1.025000000e+03;
	v9 =	vcvt.f32.s32 v9;
	v10 =	vtrunc.f32 v10  }
0x2bb: {  	v5 =	vmax.f32 v5, $-1.000000000e+00;
	v11 =	vmin.f32 v11, $1.025000000e+03;
	v10 =	vcvt.f32.s32 v10  }
0x2bc: {  	v13 =	vmax.f32 v13, $-1.000000000e+00;
	v14 =	vmax.f32 v14, $-1.000000000e+00;
	v9 =	vshll.u32 v9, $0xA  }
0x2bd: {  	v8 =	vadd.f32 $1.258291200e+07, v8;
	v12 =	vadd.f32 $1.258291200e+07, v12;
	v9 =	vor.u32 v10, v9  }
0x2be: {  	v5 =	vmin.f32 v5, $1.025000000e+03;
	v11 =	vadd.f32 $1.258291200e+07, v11;
	v10 =	vmin.f32 v13, $1.025000000e+03;
	[tilespmem:s20+$0x118B0] =	vst v9  }
0x2bf: {  	v5 =	vadd.f32 $1.258291200e+07, v5;
	v9 =	vadd.f32 $1.258291200e+07, v10;
	v10 =	vmin.f32 v14, $1.025000000e+03  }
0x2c0: {  	v4 =	vor.u32 v7, v4;
	v8 =	vadd.f32 $-1.258291200e+07, v8;
	v10 =	vadd.f32 $1.258291200e+07, v10  }
.Ltmp9:
0x2c1: {  	v3 =	vor.u32 v6, v3;
	v7 =	vadd.f32 $-1.258291200e+07, v12;
	v11 =	vadd.f32 $-1.258291200e+07, v11;
	[tilespmem:s14+$0x11890] =	vst v4;
	(pc) =	sbr.rel @p2 .LBB2_15-.Ltmp9, $4  }
0x2c2: {  	v6 =	vadd.f32 $-1.258291200e+07, v5;
	v9 =	vadd.f32 $-1.258291200e+07, v9;
	v4 =	vmax.f32 v8, $0.0e+00;
	[tilespmem:s14+$0x118A0] =	vst v3;
	s14 =	smov.u32 s20  }
0x2c3: {  	v10 =	vadd.f32 $-1.258291200e+07, v10;
	v3 =	vmax.f32 v7, $0.0e+00;
	v7 =	vmax.f32 v11, $0.0e+00  }
0x2c4: {  	v5 =	vmin.f32 v4, $1.023000000e+03;
	v4 =	vmin.f32 v3, $1.023000000e+03;
	v3 =	vmin.f32 v7, $1.023000000e+03  }
0x2c5: {  	v8 =	vmax.f32 v6, $0.0e+00;
	s20 =	sshra.s32 s21, $0x2;
	s21 =	sadd.s32 $0x100, s21;
	v7 =	vmax.f32 v9, $0.0e+00;
	v6 =	vmax.f32 v10, $0.0e+00  }
0x2c6: {  	v9 =	vld [tilespmem:s20+$0x100B0]  }
0x2c7: {  	v10 =	vld [tilespmem:s20+$0x108B0]  }
0x2c8: {  	v5 =	vtrunc.f32 v5;
	v11 =	vld [tilespmem:s20+$0x10080]  }
0x2c9: {  	v8 =	vmin.f32 v8, $1.023000000e+03;
	v4 =	vtrunc.f32 v4;
	v3 =	vtrunc.f32 v3;
	v12 =	vld [tilespmem:s20+$0x10090]  }
0x2ca: {  	v7 =	vmin.f32 v7, $1.023000000e+03;
	v13 =	vld [tilespmem:s20+$0x100A0];
	v5 =	vcvt.f32.s32 v5;
	v4 =	vcvt.f32.s32 v4  }
0x2cb: {  	v6 =	vmin.f32 v6, $1.023000000e+03;
	v14 =	vld [tilespmem:s20+$0x10880];
	v8 =	vtrunc.f32 v8;
	v3 =	vcvt.f32.s32 v3  }
0x2cc: {  	v15 =	vld [tilespmem:s20+$0x10890];
	v7 =	vtrunc.f32 v7;
	v6 =	vtrunc.f32 v6  }
0x2cd: {  	v16 =	vld [tilespmem:s20+$0x108A0];
	v8 =	vcvt.f32.s32 v8;
	v7 =	vcvt.f32.s32 v7  }
0x2ce: {  	v6 =	vcvt.f32.s32 v6;
	v9 =	vsub.f32 v9, v1;
	v10 =	vsub.f32 v10, v2  }
0x2cf: {  	v5 =	vshll.u32 v5, $0xA;
	v11 =	vsub.f32 v11, v1;
	v12 =	vsub.f32 v12, v1  }
0x2d0: {  	v4 =	vshll.u32 v4, $0xA;
	v46 =	vsub.f32 v13, v1;
	v47 =	vsub.f32 v14, v2  }
0x2d1: {  	v48 =	vsub.f32 v15, v2;
	v9 =	vmul.f32 $1.024000000e+03, v9;
	v10 =	vmul.f32 $1.024000000e+03, v10  }
0x2d2: {  	v49 =	vsub.f32 v16, v2;
	v45 =	vmul.f32 $1.024000000e+03, v11;
	v12 =	vmul.f32 $1.024000000e+03, v12  }
0x2d3: {  	v5 =	vor.u32 v8, v5;
	v13 =	vmul.f32 $1.024000000e+03, v47;
	v11 =	vmul.f32 $1.024000000e+03, v46  }
0x2d4: {  	v14 =	vmul.f32 $1.024000000e+03, v48;
	v15 =	vmul.f32 $1.024000000e+03, v49;
	v9 =	vmax.f32 v9, $-1.000000000e+00  }
0x2d5: {  	v10 =	vmax.f32 v10, $-1.000000000e+00;
	v8 =	vmax.f32 v45, $-1.000000000e+00;
	v12 =	vmax.f32 v12, $-1.000000000e+00  }
0x2d6: {  	v11 =	vmax.f32 v11, $-1.000000000e+00;
	v13 =	vmax.f32 v13, $-1.000000000e+00;
	v14 =	vmax.f32 v14, $-1.000000000e+00  }
0x2d7: {  	v15 =	vmax.f32 v15, $-1.000000000e+00;
	v9 =	vmin.f32 v9, $1.025000000e+03;
	v10 =	vmin.f32 v10, $1.025000000e+03  }
0x2d8: {  	v8 =	vmin.f32 v8, $1.025000000e+03;
	v12 =	vmin.f32 v12, $1.025000000e+03;
	v11 =	vmin.f32 v11, $1.025000000e+03  }
0x2d9: {  	v50 =	vmin.f32 v13, $1.025000000e+03;
	v9 =	vadd.f32 $1.258291200e+07, v9;
	v10 =	vadd.f32 $1.258291200e+07, v10  }
0x2da: {  	v51 =	vmin.f32 v14, $1.025000000e+03;
	v8 =	vadd.f32 $1.258291200e+07, v8;
	v12 =	vadd.f32 $1.258291200e+07, v12  }
0x2db: {  	v52 =	vmin.f32 v15, $1.025000000e+03;
	v11 =	vadd.f32 $1.258291200e+07, v11;
	v13 =	vadd.f32 $1.258291200e+07, v51  }
0x2dc: {  	v3 =	vshll.u32 v3, $0xA;
	v14 =	vadd.f32 $1.258291200e+07, v52;
	v9 =	vadd.f32 $-1.258291200e+07, v9  }
0x2dd: {  	v4 =	vor.u32 v7, v4;
	v10 =	vadd.f32 $-1.258291200e+07, v10;
	v8 =	vadd.f32 $-1.258291200e+07, v8  }
0x2de: {  	v3 =	vor.u32 v6, v3;
	v53 =	vadd.f32 $-1.258291200e+07, v12;
	v11 =	vadd.f32 $-1.258291200e+07, v11  }
0x2df: {  	v56 =	vadd.f32 $-1.258291200e+07, v13;
	v57 =	vadd.f32 $-1.258291200e+07, v14;
	v9 =	vmax.f32 v9, $0.0e+00  }
0x2e0: {  	v10 =	vmax.f32 v10, $0.0e+00;
	v54 =	vmax.f32 v8, $0.0e+00;
	v9 =	vmin.f32 v9, $1.023000000e+03  }
0x2e1: {  	v7 =	vmax.f32 v53, $0.0e+00;
	v10 =	vmin.f32 v10, $1.023000000e+03;
	v9 =	vtrunc.f32 v9  }
0x2e2: {  	v11 =	vmax.f32 v11, $0.0e+00;
	v10 =	vtrunc.f32 v10;
	v9 =	vcvt.f32.s32 v9  }
0x2e3: {  	v12 =	vmax.f32 v57, $0.0e+00;
	v6 =	vmin.f32 v54, $1.023000000e+03;
	v10 =	vcvt.f32.s32 v10  }
0x2e4: {  	v7 =	vmin.f32 v7, $1.023000000e+03;
	v11 =	vmin.f32 v11, $1.023000000e+03;
	v9 =	vshll.u32 v9, $0xA  }
0x2e5: {  	v6 =	vtrunc.f32 v6;
	v9 =	vor.u32 v10, v9;
	v10 =	vadd.f32 $1.258291200e+07, v50  }
0x2e6: {  	v60 =	vmin.f32 v12, $1.023000000e+03;
	v7 =	vtrunc.f32 v7;
	v11 =	vtrunc.f32 v11  }
0x2e7: {  	v62 =	vtrunc.f32 v60;
	v55 =	vadd.f32 $-1.258291200e+07, v10;
	v10 =	vmax.f32 v56, $0.0e+00  }
0x2e8: {  	v6 =	vcvt.f32.s32 v6;
	v7 =	vcvt.f32.s32 v7;
	v58 =	vmin.f32 v10, $1.023000000e+03  }
0x2e9: {  	[tilespmem:s14+$0x11880] =	vst v5;
	v59 =	vcvt.f32.s32 v11;
	v8 =	vmax.f32 v55, $0.0e+00;
	v5 =	vtrunc.f32 v58  }
0x2ea: {  	v61 =	vshll.u32 v6, $0xA;
	[tilespmem:s20+$0x118B0] =	vst v9;
	v8 =	vmin.f32 v8, $1.023000000e+03;
	v5 =	vcvt.f32.s32 v5  }
0x2eb: {  	v6 =	vcvt.f32.s32 v62;
	[tilespmem:s14+$0x118A0] =	vst v3;
	v3 =	vshll.u32 v7, $0xA;
	v8 =	vtrunc.f32 v8  }
0x2ec: {  	v63 =	vshll.u32 v59, $0xA;
	[tilespmem:s14+$0x11890] =	vst v4;
	v8 =	vcvt.f32.s32 v8;
	v3 =	vor.u32 v5, v3  }
0x2ed: {  	[tilespmem:s20+$0x11890] =	vst v3;
	v3 =	vor.u32 v6, v63  }
0x2ee: {  	s13 =	sadd.s32 $0x1, s13;
	v4 =	vor.u32 v8, v61;
	[tilespmem:s20+$0x118A0] =	vst v3  }
0x2ef: {  	p2 =	sne.s32 s13, $0x4;
	[tilespmem:s20+$0x11880] =	vst v4  }
0x2f0: {  	[spmem:s5] =	stream.indirect.scatter [tilespmem:s30], [sflag:$0x1], $0x1, s29, s26, $0xb8;
	[tilespmem:$0x16A00] =	vst v63  }
.Ltmp10:
0x2f1: {  	_ = 	snop;
	(pc) =	sbr.rel @p2 .LBB2_14-.Ltmp10, $4  }
.Ltmp11:
0x2f2: {  	_ = 	snop;
	(pc) =	sbr.rel @!p2 .LBB2_17-.Ltmp11, $4  }
0x2f3: {  	_ =	swait.ge [sflag:s28], $0x800  }
0x2f4: {  	[sflag:s28] =	ssyncset.done $0x0  }
0x2f5: {  	[sflag:s28] =	ssyncadd.s32 $0xFFFFF800  }
0x2f6: {  	_ = 	snop  }
.LBB2_18:
0x2f7: {  	_ =	sfence.sel $0x180000  }
0x2f8: {  	[bflag:$0x0] =	sbarrier.arrive $0xFFFF  }
0x2f9: {  	_ =	strace $0x90000047  }
0x2fa: {  	s0 =	stileid.u32;
	[bflag:$0x2] =	sbarrier.arrive $0xFFFF  }
0x2fb: {  	p0 =	sne.s32 s0, $0x0;
	s0 =	rddreg [dreg:$0x6]  }
0x2fc: {  	s0 =	sadd.s32 @!p0 $0x100000, s0  }
0x2fd: {  	[sflag:s0] =	ssyncadd.tile.s32 @!p0 $0x1;
	_ =	shalt  }
.Lfunc_end2:
_tile_overlayer_lowered:
.L_overlay_start_2:
0x2fe: {  	(tag) =	ssettag $0x2  }
0x2ff: {  	s0 =	rddreg [dreg:$0x0];
	s2 =	stileid.u32  }
0x300: {  	s1 =	rddreg [dreg:$0x1];
	p0 =	sne.s32 s2, $0x0  }
0x301: {  	s3 =	rddreg [dreg:$0x2];
	[bflag:$0x3] =	sbarrier.arrive $0xFFFF;
	s2 =	simm.s32 @!p0 $0x1C01  }
0x302: {  	[timem:s3], [sflag:s2] =	dma.local @!p0 [hbm:s0], s1  }
0x303: {  	s0 =	simm.s32 @!p0 $0x1  }
0x304: {  	_ =	swait.ge @!p0 [sflag:s0], s1  }
0x305: {  	s1 =	ssub.s32 @!p0 $0x0, s1;
	[sflag:s0] =	ssyncset.done @!p0 $0x0  }
0x306: {  	[sflag:s0] =	ssyncadd.s32 @!p0 s1  }
0x307: {  	[bflag:$0x3] =	sbarrier.arrive $0xFFFF  }
0x308: {  	_ =	shalt  }

</sc_bundles>
